<compile_context>
chip_gen: v7x
topology: tpu7x:2x2x1
jax: 0.10.2.dev20260603
libtpu: 0.0.44.dev20260713+nightly
codegen_flags: <defaults>
</compile_context>

<pallas_src>
import functools
import math

import jax
import jax.numpy as jnp
from jax import lax
from jax.experimental import pallas as pl
from jax.experimental.pallas import tpu as pltpu
from jax.experimental.pallas import tpu_sc as plsc

_B = 32
_NA = 5
_H = 64
_W = 64
_HW = _H * _W
_G = 20
_C = 130
_CPA = 26
_NCLS = 20
_NBOX = 32
_ROWS_PER_STEP = 16384
_NSTEPS = _B * _HW // _ROWS_PER_STEP

_AW = (1.3221, 3.19275, 5.05587, 9.47112, 11.2364)
_AH = (1.73145, 4.00944, 8.09892, 4.84053, 10.0071)
_ATH = (0.0, 0.3927, 0.7854, 1.1781, 1.5708)

_COORD_SCALE = 5.0
_OBJECT_SCALE = 5.0
_CLASS_SCALE = 1.0
_THETA_SCALE = 5.0

_D_COORD = float(_B * _NA * 4 * _HW)
_D_CONF = float(_B * _NA * _HW)


def _a1_body(x_ref, confsum_ref):
    i = pl.program_id(0)

    @pl.when(i == 0)
    def _init():
        confsum_ref[...] = jnp.zeros((1, 1), jnp.float32)

    x = x_ref[...]
    lane = lax.broadcasted_iota(jnp.int32, x.shape, 1)
    t1 = 1.0 + jnp.exp(-x)
    r = 1.0 / t1
    t = jnp.where(lane % _CPA == 4, r * r, 0.0)
    confsum_ref[...] += jnp.reshape(0.5 * jnp.sum(t), (1, 1))


def _make_a1(interpret=False):
    return pl.pallas_call(
        _a1_body,
        grid=(_NSTEPS,),
        in_specs=[pl.BlockSpec((_ROWS_PER_STEP, 128), lambda i: (i, 0))],
        out_specs=pl.BlockSpec((1, 1), lambda i: (0, 0)),
        out_shape=jax.ShapeDtypeStruct((1, 1), jnp.float32),
        interpret=interpret,
    )


def _c_body(g_ref, t_ref, confsum_ref,
            lt_ref, lco_ref, lcf_ref, lcl_ref, lth_ref):
    densesum = jnp.sum(confsum_ref[...])
    lt, lco, lcf, lcl, lth = _losses(g_ref[...], t_ref[...], densesum)
    lco_ref[...] = jnp.reshape(lco, (1, 1))
    lcf_ref[...] = jnp.reshape(lcf, (1, 1))
    lcl_ref[...] = jnp.reshape(lcl, (1, 1))
    lth_ref[...] = jnp.reshape(lth, (1, 1))
    lt_ref[...] = jnp.reshape(lt, (1, 1))


def _make_stage_c(interpret=False):
    mk = lambda: jax.ShapeDtypeStruct((1, 1), jnp.float32)
    return pl.pallas_call(
        _c_body,
        out_shape=[mk() for _ in range(5)],
        interpret=interpret,
    )


def _sc_gather_kernel(table_hbm, t6_hbm, out_hbm,
                      tv, rows_v, choff_v, blk_v, box_v, sem):
    w = lax.axis_index("s") * 2 + lax.axis_index("c")
    pltpu.sync_copy(t6_hbm.at[w], tv)
    lanes = lax.iota(jnp.int32, 16)
    for h in range(2):
        sl = pl.ds(h * 16, 16)
        gx = tv[0, sl] * float(_W)
        gy = tv[1, sl] * float(_H)
        gth = tv[4, sl] * math.pi / 8
        q = gth * 0.25
        best = jnp.zeros((16,), jnp.int32)
        dbest = jnp.abs(q - jnp.float32(_ATH[0] * 0.25))
        for k in range(1, _NA):
            dk = jnp.abs(q - jnp.float32(_ATH[k] * 0.25))
            upd = dk < dbest
            best = jnp.where(upd, k, best)
            dbest = jnp.where(upd, dk, dbest)
        gi = jnp.clip(gx.astype(jnp.int32), 0, _W - 1)
        gj = jnp.clip(gy.astype(jnp.int32), 0, _H - 1)
        rows_v[sl] = gj * _W + gi
        choff_v[sl] = best * _CPA
    rms = []
    chs = []
    copies = []
    for k in range(_G):
        h, m = divmod(k, 16)
        sel = lanes == m
        row_s = jnp.sum(jnp.where(sel, rows_v[pl.ds(h * 16, 16)], 0))
        ch_s = jnp.sum(jnp.where(sel, choff_v[pl.ds(h * 16, 16)], 0))
        rm = jnp.bitwise_and(row_s, 7)
        row8 = pl.multiple_of(w * _HW + row_s - rm, 8)
        rms.append(rm)
        chs.append(ch_s)
        copies.append(pltpu.async_copy(
            table_hbm.at[pl.ds(row8, 8)], blk_v.at[k], sem))
    for cp in copies:
        cp.wait()
    mask2 = lanes < _CPA - 16
    for k in range(_G):
        rfull = jnp.full((16,), rms[k], jnp.int32)
        c1 = chs[k] + lanes
        c2 = chs[k] + 16 + lanes
        v1 = plsc.load_gather(blk_v.at[k], [rfull, c1])
        v2 = plsc.load_gather(blk_v.at[k], [rfull, c2], mask=mask2)
        box_v[k, pl.ds(0, 16)] = v1
        box_v[k, pl.ds(16, 16)] = v2
    pltpu.sync_copy(box_v, out_hbm.at[w])


def _make_sc_gather():
    mesh = plsc.VectorSubcoreMesh(core_axis_name="c", subcore_axis_name="s")
    return functools.partial(
        pl.kernel,
        mesh=mesh,
        out_type=jax.ShapeDtypeStruct((_B, _G, _NBOX), jnp.float32),
        scratch_types=[
            pltpu.VMEM((6, _NBOX), jnp.float32),
            pltpu.VMEM((_NBOX,), jnp.int32),
            pltpu.VMEM((_NBOX,), jnp.int32),
            pltpu.VMEM((_G, 8, _C), jnp.float32),
            pltpu.VMEM((_G, _NBOX), jnp.float32),
            pltpu.SemaphoreType.DMA,
        ],
        compiler_params=pltpu.CompilerParams(needs_layout_passes=False),
    )(_sc_gather_kernel)


def _smooth_l1(p, t):
    d = jnp.abs(p - t)
    return jnp.where(d < 1.0, 0.5 * d * d, d - 0.5)


def _losses(g, t, densesum):
    gx = t[:, :, 0] * _W
    gy = t[:, :, 1] * _H
    gw = t[:, :, 2] * _W
    gh = t[:, :, 3] * _H
    gth = t[:, :, 4] * math.pi / 8
    q = gth * 0.25
    best = jnp.zeros((_B, _G), jnp.int32)
    dbest = jnp.abs(q - jnp.float32(_ATH[0] * 0.25))
    cbest = jnp.full((_B, _G), _ATH[0] * 0.25, jnp.float32)
    aw = jnp.full((_B, _G), _AW[0], jnp.float32)
    ah = jnp.full((_B, _G), _AH[0], jnp.float32)
    ath = jnp.full((_B, _G), _ATH[0], jnp.float32)
    for k in range(1, _NA):
        dk = jnp.abs(q - jnp.float32(_ATH[k] * 0.25))
        upd = dk < dbest
        best = jnp.where(upd, k, best)
        dbest = jnp.where(upd, dk, dbest)
        cbest = jnp.where(upd, jnp.float32(_ATH[k] * 0.25), cbest)
        aw = jnp.where(upd, _AW[k], aw)
        ah = jnp.where(upd, _AH[k], ah)
        ath = jnp.where(upd, _ATH[k], ath)
    gi = jnp.clip(gx.astype(jnp.int32), 0, _W - 1)
    gj = jnp.clip(gy.astype(jnp.int32), 0, _H - 1)
    idx = gj * _W + gi
    l = best * _HW + idx
    eq = l[:, :, None] == l[:, None, :]
    jgt = (lax.broadcasted_iota(jnp.int32, (_B, _G, _G), 2)
           > lax.broadcasted_iota(jnp.int32, (_B, _G, _G), 1))
    dup = jnp.any(jnp.logical_and(eq, jgt), axis=2)
    live = jnp.where(dup, 0.0, 1.0)
    tx = gx - gi
    ty = gy - gj
    tw = jnp.log(jnp.maximum(gw, 1.0) / aw)
    th = jnp.log(jnp.maximum(gh, 1.0) / ah)
    tth = gth - ath
    tcf = jnp.cos(q - cbest)
    tcl = jnp.trunc(t[:, :, 5]).astype(jnp.int32)

    v = g[:, :, :_CPA]
    o0 = v[:, :, 0]
    o1 = v[:, :, 1]
    o2 = v[:, :, 2]
    o3 = v[:, :, 3]
    o4 = v[:, :, 4]
    o5 = v[:, :, 5]
    logits = v[:, :, 6:]

    coord_terms = (_smooth_l1(jax.nn.sigmoid(o0), tx)
                   + _smooth_l1(jax.nn.sigmoid(o1), ty)
                   + _smooth_l1(o2, tw)
                   + _smooth_l1(o3, th))
    coordsum = jnp.sum(live * coord_terms)

    conf = jax.nn.sigmoid(o4)
    confcorr = jnp.sum(live * (_smooth_l1(_OBJECT_SCALE * conf,
                                          _OBJECT_SCALE * tcf)
                               - 0.5 * conf * conf))
    nmask = jnp.sum(live)
    thetasum = jnp.sum(live * _smooth_l1(o5, tth))

    m = jnp.max(logits, axis=2)
    lse = m + jnp.log(jnp.sum(jnp.exp(logits - m[:, :, None]), axis=2))
    cls_iota = lax.broadcasted_iota(jnp.int32, (_B, _G, _NCLS), 2)
    ll = jnp.sum(jnp.where(cls_iota == tcl[:, :, None], logits, 0.0), axis=2)
    clssum = jnp.sum(live * (lse - ll))

    loss_coord = _COORD_SCALE * coordsum / _D_COORD
    loss_conf = (densesum + confcorr) / _D_CONF
    loss_cls = _CLASS_SCALE * 2.0 * clssum / nmask
    loss_theta = _THETA_SCALE * thetasum / nmask
    loss_tot = loss_coord + loss_conf + loss_cls + loss_theta
    return loss_tot, loss_coord, loss_conf, loss_cls, loss_theta


_a1 = _make_a1()
_stage_c = _make_stage_c()


def kernel(output, target):
    table = jnp.transpose(output, (0, 2, 3, 1)).reshape(_B * _HW, _C)
    t6 = jnp.pad(jnp.transpose(target, (0, 2, 1)), ((0, 0), (0, 0), (0, 12)))
    g = _make_sc_gather()(table, t6)
    confsum = _a1(table)
    lt, lco, lcf, lcl, lth = _stage_c(g, target, confsum)
    return (lt.reshape(()), lco.reshape(()), lcf.reshape(()),
            lcl.reshape(()), lth.reshape(()))

# --- scband reference (transcript-rebuilt; emitter-appended) ---
"""Pipeline reference for scband-yolov2-loss-20650202759523 (READ-ONLY COPY).

The authoritative reference and input builder live on the scoring server;
editing this copy changes nothing except your own understanding.
"""

import jax, jax.numpy as jnp
import numpy as np
import math

NUM_CLASSES = 20
ANCHORS = np.array([[1.3221, 1.73145, 0.0], [3.19275, 4.00944, 0.3927], [5.05587, 8.09892, 0.7854], [9.47112, 4.84053, 1.1781], [11.2364, 10.0071, 1.5708]], dtype=np.float32)
A = ANCHORS.shape[0]
COORD_SCALE = 5.0
NOOBJECT_SCALE = 1.0
OBJECT_SCALE = 5.0
CLASS_SCALE = 1.0
THETA_SCALE = 5.0


def setup_inputs(seed: int = 0) -> dict:
    key = jax.random.key(seed)
    k1, k2 = jax.random.split(key)
    output = jax.random.normal(k1, (32, 130, 64, 64), dtype=jnp.float32)
    target = jax.random.uniform(k2, (32, 20, 6), dtype=jnp.float32)
    return {"output": output, "target": target}


def build_targets(target, H, W):
    B, G, _ = target.shape
    HW = H * W
    anchors = jnp.asarray(ANCHORS)
    atheta = anchors[:, 2]
    gx = target[:, :, 0] * W
    gy = target[:, :, 1] * H
    gw = target[:, :, 2] * W
    gh = target[:, :, 3] * H
    gth = target[:, :, 4] * math.pi / 8
    iou_gt_anchors = jnp.cos(gth[:, None, :] * 0.25 - atheta[None, :, None] * 0.25)
    best_anchors = jnp.argmax(iou_gt_anchors, axis=1)
    gi = jnp.clip(gx.astype(jnp.int32), 0, W - 1)
    gj = jnp.clip(gy.astype(jnp.int32), 0, H - 1)
    idx = gj * W + gi
    lin = best_anchors * HW + idx
    tx = gx - gi
    ty = gy - gj
    tw = jnp.log(jnp.maximum(gw, 1.0) / anchors[best_anchors, 0])
    th = jnp.log(jnp.maximum(gh, 1.0) / anchors[best_anchors, 1])
    tth = gth - atheta[best_anchors]
    tcf = jnp.take_along_axis(iou_gt_anchors, best_anchors[:, None, :], axis=1)[:, 0, :]
    tcl = jnp.trunc(target[:, :, 5])
    conf_mask = jnp.full((B, A * HW), NOOBJECT_SCALE, dtype=jnp.float32)
    coord_mask = jnp.zeros((B, A * HW), dtype=bool)
    cls_mask = jnp.zeros((B, A * HW), dtype=bool)
    tc0 = jnp.zeros((B, A * HW), dtype=jnp.float32)
    tc1 = jnp.zeros((B, A * HW), dtype=jnp.float32)
    tc2 = jnp.zeros((B, A * HW), dtype=jnp.float32)
    tc3 = jnp.zeros((B, A * HW), dtype=jnp.float32)
    tconf = jnp.zeros((B, A * HW), dtype=jnp.float32)
    tcls = jnp.zeros((B, A * HW), dtype=jnp.float32)
    ttheta = jnp.zeros((B, A * HW), dtype=jnp.float32)
    rows = jnp.arange(B)
    for i in range(G):
        l = lin[:, i]
        coord_mask = coord_mask.at[rows, l].set(True)
        cls_mask = cls_mask.at[rows, l].set(True)
        conf_mask = conf_mask.at[rows, l].set(OBJECT_SCALE)
        tc0 = tc0.at[rows, l].set(tx[:, i])
        tc1 = tc1.at[rows, l].set(ty[:, i])
        tc2 = tc2.at[rows, l].set(tw[:, i])
        tc3 = tc3.at[rows, l].set(th[:, i])
        ttheta = ttheta.at[rows, l].set(tth[:, i])
        tconf = tconf.at[rows, l].set(tcf[:, i])
        tcls = tcls.at[rows, l].set(tcl[:, i])
    coord_mask = coord_mask.reshape(B, A, 1, HW)
    conf_mask = conf_mask.reshape(B, A, HW)
    cls_mask = cls_mask.reshape(B, A, HW)
    tcoord = jnp.stack([tc0.reshape(B, A, HW), tc1.reshape(B, A, HW), tc2.reshape(B, A, HW), tc3.reshape(B, A, HW)], axis=2)
    tconf = tconf.reshape(B, A, HW)
    tcls = tcls.reshape(B, A, HW)
    ttheta = ttheta.reshape(B, A, HW)
    return coord_mask, conf_mask, cls_mask, tcoord, tconf, tcls, ttheta


def smooth_l1(pred, tgt, mask=None):
    d = jnp.abs(pred - tgt)
    terms = jnp.where(d < 1.0, 0.5 * d * d, d - 0.5)
    if mask is None:
        return jnp.mean(terms)
    m = mask.astype(terms.dtype)
    return jnp.sum(jnp.where(mask, terms, 0.0)) / jnp.sum(m)


def cross_entropy(logits, labels, mask=None):
    lse = jax.scipy.special.logsumexp(logits, axis=1)
    ll = jnp.take_along_axis(logits, labels[:, None], axis=1)[:, 0]
    terms = lse - ll
    if mask is None:
        return jnp.mean(terms)
    m = mask.astype(terms.dtype)
    return jnp.sum(jnp.where(mask, terms, 0.0)) / jnp.sum(m)


def reference(output, target):
    B, Ch, H, W = output.shape
    HW = H * W
    out = output.reshape(B, A, -1, HW)
    coord = jnp.concatenate([jax.nn.sigmoid(out[:, :, :2, :]), out[:, :, 2:4, :]], axis=2)
    conf = jax.nn.sigmoid(out[:, :, 4, :])
    theta = out[:, :, 5, :]
    cls = out[:, :, 6:, :].reshape(B * A, NUM_CLASSES, HW).transpose(0, 2, 1).reshape(-1, NUM_CLASSES)
    coord_mask, conf_mask, cls_mask, tcoord, tconf, tcls, ttheta = build_targets(target, H, W)
    sel_mask = cls_mask.reshape(-1)
    theta_flat = theta.reshape(-1)
    ttheta_flat = ttheta.reshape(-1)
    cm = coord_mask.astype(jnp.float32)
    tcls_flat = tcls.reshape(-1).astype(jnp.int32)
    loss_coord = COORD_SCALE * smooth_l1(coord * cm, tcoord * cm)
    loss_conf = smooth_l1(conf * conf_mask, tconf * conf_mask)
    loss_cls = CLASS_SCALE * 2.0 * cross_entropy(cls, tcls_flat, mask=sel_mask)
    loss_theta = THETA_SCALE * smooth_l1(theta_flat, ttheta_flat, mask=sel_mask)
    loss_tot = loss_coord + loss_conf + loss_cls + loss_theta
    return (loss_tot, loss_coord, loss_conf, loss_cls, loss_theta)

if __name__ == "__main__":
    import jax
    _d = setup_inputs()
    print(jax.jit(kernel)(*tuple(_d.values())))

</pallas_src>

<mosaic_0001>
#map = affine_map<(d0, d1) -> (0, 0)>
#map1 = affine_map<(d0, d1) -> (0, 0, 0)>
module attributes {stable_mosaic.version = 14 : i64} {
  func.func @_sc_gather_kernel(%arg0: i32, %arg1: i32, %arg2: memref<131072x130xf32, #tpu.memory_space<hbm>>, %arg3: memref<32x6x32xf32, #tpu.memory_space<hbm>>, %arg4: memref<32x20x32xf32, #tpu.memory_space<hbm>>, %arg5: memref<6x32xf32, #tpu.memory_space<vmem>>, %arg6: memref<32xi32, #tpu.memory_space<vmem>>, %arg7: memref<32xi32, #tpu.memory_space<vmem>>, %arg8: memref<20x8x130xf32, #tpu.memory_space<vmem>>, %arg9: memref<20x32xf32, #tpu.memory_space<vmem>>, %arg10: memref<!tpu.dma_semaphore, #tpu.memory_space<semaphore_mem>>) attributes {dimension_semantics = [#tpu.dimension_semantics<core_parallel>, #tpu.dimension_semantics<subcore_parallel>], iteration_bounds = array<i64: 2, 16>, scalar_prefetch = 0 : i64, scratch_operands = 6 : i64, tpu.core_type = #tpu.core_type<sc_vector_subcore>, window_params = [{transform_indices = #map}, {transform_indices = #map1}, {transform_indices = #map1}]} {
    %mul3A = arith.constant 2 : i32
    %mul3A_0 = arith.muli %arg1, %mul3A : i32
    %add3A = arith.addi %mul3A_0, %arg0 : i32
    "tpu.region"() ({
      %run_scoped3A = tpu.sem_alloc : memref<!tpu.dma_semaphore, #tpu.memory_space<semaphore_mem>>
      %dma_start3A_1793 = arith.constant 0 : i32
      %dma_start3A_1794 = arith.constant 0 : i32
      %dma_start3A_1795 = tpu.memref_slice %arg3[%add3A, %dma_start3A_1793, %dma_start3A_1794] : memref<32x6x32xf32, #tpu.memory_space<hbm>> -> memref<1x6x32xf32, #tpu.memory_space<hbm>>
      %dma_start3A_1796 = tpu.memref_squeeze %dma_start3A_1795 : memref<1x6x32xf32, #tpu.memory_space<hbm>> -> memref<6x32xf32, #tpu.memory_space<hbm>>
      %dma_start3A_1797 = arith.constant 0 : i32
      %dma_start3A_1798 = arith.constant 0 : i32
      %dma_start3A_1799 = tpu.memref_slice %arg3[%add3A, %dma_start3A_1797, %dma_start3A_1798] : memref<32x6x32xf32, #tpu.memory_space<hbm>> -> memref<1x6x32xf32, #tpu.memory_space<hbm>>
      %dma_start3A_1800 = tpu.memref_squeeze %dma_start3A_1799 : memref<1x6x32xf32, #tpu.memory_space<hbm>> -> memref<6x32xf32, #tpu.memory_space<hbm>>
      tpu.enqueue_dma source(%dma_start3A_1800 : memref<6x32xf32, #tpu.memory_space<hbm>>) target(%arg5 : memref<6x32xf32, #tpu.memory_space<vmem>>) target_semaphore(%run_scoped3A : memref<!tpu.dma_semaphore, #tpu.memory_space<semaphore_mem>>)
      %dma_wait3A_1801 = arith.constant 0 : i32
      %dma_wait3A_1802 = arith.constant 0 : i32
      %dma_wait3A_1803 = tpu.memref_slice %arg3[%add3A, %dma_wait3A_1801, %dma_wait3A_1802] : memref<32x6x32xf32, #tpu.memory_space<hbm>> -> memref<1x6x32xf32, #tpu.memory_space<hbm>>
      %dma_wait3A_1804 = tpu.memref_squeeze %dma_wait3A_1803 : memref<1x6x32xf32, #tpu.memory_space<hbm>> -> memref<6x32xf32, #tpu.memory_space<hbm>>
      %dma_wait3A_1805 = arith.constant 0 : i32
      %dma_wait3A_1806 = arith.constant 0 : i32
      %dma_wait3A_1807 = tpu.memref_slice %arg3[%add3A, %dma_wait3A_1805, %dma_wait3A_1806] : memref<32x6x32xf32, #tpu.memory_space<hbm>> -> memref<1x6x32xf32, #tpu.memory_space<hbm>>
      %dma_wait3A_1808 = tpu.memref_squeeze %dma_wait3A_1807 : memref<1x6x32xf32, #tpu.memory_space<hbm>> -> memref<6x32xf32, #tpu.memory_space<hbm>>
      tpu.wait_dma2 semaphore(%run_scoped3A : memref<!tpu.dma_semaphore, #tpu.memory_space<semaphore_mem>>) src(%dma_wait3A_1808 : memref<6x32xf32, #tpu.memory_space<hbm>>) dst(%arg5 : memref<6x32xf32, #tpu.memory_space<vmem>>)
      tpu.yield
    }) : () -> ()
    %iota3A = tpu.iota {dimensions = array<i32: 0>} : vector<16xi32>
    %get3A = arith.constant 0 : i32
    %get3A_1 = arith.index_cast %get3A : i32 to index
    %get3A_2 = arith.constant 0 : index
    %get3A_3 = tpu.vector_load %arg5[%get3A_1, %get3A_2] {strides = array<i32>} : memref<6x32xf32, #tpu.memory_space<vmem>>, vector<16xf32>,
    %mul3A_4 = arith.constant 6.400000e+01 : f32
    %mul3A_5 = vector.broadcast %mul3A_4 : f32 to vector<16xf32>
    %mul3A_6 = arith.mulf %get3A_3, %mul3A_5 : vector<16xf32>
    %get3A_7 = arith.constant 1 : i32
    %get3A_8 = arith.index_cast %get3A_7 : i32 to index
    %get3A_9 = arith.constant 0 : index
    %get3A_10 = tpu.vector_load %arg5[%get3A_8, %get3A_9] {strides = array<i32>} : memref<6x32xf32, #tpu.memory_space<vmem>>, vector<16xf32>,
    %mul3A_11 = arith.constant 6.400000e+01 : f32
    %mul3A_12 = vector.broadcast %mul3A_11 : f32 to vector<16xf32>
    %mul3A_13 = arith.mulf %get3A_10, %mul3A_12 : vector<16xf32>
    %get3A_14 = arith.constant 4 : i32
    %get3A_15 = arith.index_cast %get3A_14 : i32 to index
    %get3A_16 = arith.constant 0 : index
    %get3A_17 = tpu.vector_load %arg5[%get3A_15, %get3A_16] {strides = array<i32>} : memref<6x32xf32, #tpu.memory_space<vmem>>, vector<16xf32>,
    %mul3A_18 = arith.constant 3.14159274 : f32
    %mul3A_19 = vector.broadcast %mul3A_18 : f32 to vector<16xf32>
    %mul3A_20 = arith.mulf %get3A_17, %mul3A_19 : vector<16xf32>
    %div3A = arith.constant 8.000000e+00 : f32
    %div3A_21 = vector.broadcast %div3A : f32 to vector<16xf32>
    %div3A_22 = arith.divf %mul3A_20, %div3A_21 : vector<16xf32>
    %mul3A_23 = arith.constant 2.500000e-01 : f32
    %mul3A_24 = vector.broadcast %mul3A_23 : f32 to vector<16xf32>
    %mul3A_25 = arith.mulf %div3A_22, %mul3A_24 : vector<16xf32>
    %broadcast_in_dim3A = arith.constant 0 : i32
    %broadcast_in_dim3A_26 = vector.broadcast %broadcast_in_dim3A : i32 to vector<16xi32>
    %sub3A = arith.constant 0.000000e+00 : f32
    %sub3A_27 = vector.broadcast %sub3A : f32 to vector<16xf32>
    %sub3A_28 = arith.subf %mul3A_25, %sub3A_27 : vector<16xf32>
    %abs3A = math.absf %sub3A_28 : vector<16xf32>
    %sub3A_29 = arith.constant 0.0981749966 : f32
    %sub3A_30 = vector.broadcast %sub3A_29 : f32 to vector<16xf32>
    %sub3A_31 = arith.subf %mul3A_25, %sub3A_30 : vector<16xf32>
    %abs3A_32 = math.absf %sub3A_31 : vector<16xf32>
    %lt3A = arith.cmpf olt, %abs3A_32, %abs3A : vector<16xf32>
    %jit3A = arith.constant 1 : i32
    %broadcast_in_dim3A_33 = vector.broadcast %jit3A : i32 to vector<16xi32>
    %select_n3A = arith.select %lt3A, %broadcast_in_dim3A_33, %broadcast_in_dim3A_26 : vector<16xi1>, vector<16xi32>
    %select_n3A_34 = arith.select %lt3A, %abs3A_32, %abs3A : vector<16xi1>, vector<16xf32>
    %sub3A_35 = arith.constant 1.963500e-01 : f32
    %sub3A_36 = vector.broadcast %sub3A_35 : f32 to vector<16xf32>
    %sub3A_37 = arith.subf %mul3A_25, %sub3A_36 : vector<16xf32>
    %abs3A_38 = math.absf %sub3A_37 : vector<16xf32>
    %lt3A_39 = arith.cmpf olt, %abs3A_38, %select_n3A_34 : vector<16xf32>
    %jit3A_40 = arith.constant 2 : i32
    %broadcast_in_dim3A_41 = vector.broadcast %jit3A_40 : i32 to vector<16xi32>
    %select_n3A_42 = arith.select %lt3A_39, %broadcast_in_dim3A_41, %select_n3A : vector<16xi1>, vector<16xi32>
    %select_n3A_43 = arith.select %lt3A_39, %abs3A_38, %select_n3A_34 : vector<16xi1>, vector<16xf32>
    %sub3A_44 = arith.constant 2.945250e-01 : f32
    %sub3A_45 = vector.broadcast %sub3A_44 : f32 to vector<16xf32>
    %sub3A_46 = arith.subf %mul3A_25, %sub3A_45 : vector<16xf32>
    %abs3A_47 = math.absf %sub3A_46 : vector<16xf32>
    %lt3A_48 = arith.cmpf olt, %abs3A_47, %select_n3A_43 : vector<16xf32>
    %jit3A_49 = arith.constant 3 : i32
    %broadcast_in_dim3A_50 = vector.broadcast %jit3A_49 : i32 to vector<16xi32>
    %select_n3A_51 = arith.select %lt3A_48, %broadcast_in_dim3A_50, %select_n3A_42 : vector<16xi1>, vector<16xi32>
    %select_n3A_52 = arith.select %lt3A_48, %abs3A_47, %select_n3A_43 : vector<16xi1>, vector<16xf32>
    %sub3A_53 = arith.constant 3.927000e-01 : f32
    %sub3A_54 = vector.broadcast %sub3A_53 : f32 to vector<16xf32>
    %sub3A_55 = arith.subf %mul3A_25, %sub3A_54 : vector<16xf32>
    %abs3A_56 = math.absf %sub3A_55 : vector<16xf32>
    %lt3A_57 = arith.cmpf olt, %abs3A_56, %select_n3A_52 : vector<16xf32>
    %jit3A_58 = arith.constant 4 : i32
    %broadcast_in_dim3A_59 = vector.broadcast %jit3A_58 : i32 to vector<16xi32>
    %select_n3A_60 = arith.select %lt3A_57, %broadcast_in_dim3A_59, %select_n3A_51 : vector<16xi1>, vector<16xi32>
    %select_n3A_61 = arith.select %lt3A_57, %abs3A_56, %select_n3A_52 : vector<16xi1>, vector<16xf32>
    %convert_element_type3A = arith.fptosi %mul3A_6 : vector<16xf32> to vector<16xi32>
    %jit3A_62 = arith.constant 0 : i32
    %jit3A_63 = arith.constant 63 : i32
    %max3A = vector.broadcast %jit3A_62 : i32 to vector<16xi32>
    %max3A_64 = arith.maxsi %max3A, %convert_element_type3A : vector<16xi32>
    %min3A = vector.broadcast %jit3A_63 : i32 to vector<16xi32>
    %min3A_65 = arith.minsi %min3A, %max3A_64 : vector<16xi32>
    %convert_element_type3A_66 = arith.fptosi %mul3A_13 : vector<16xf32> to vector<16xi32>
    %jit3A_67 = arith.constant 0 : i32
    %jit3A_68 = arith.constant 63 : i32
    %max3A_69 = vector.broadcast %jit3A_67 : i32 to vector<16xi32>
    %max3A_70 = arith.maxsi %max3A_69, %convert_element_type3A_66 : vector<16xi32>
    %min3A_71 = vector.broadcast %jit3A_68 : i32 to vector<16xi32>
    %min3A_72 = arith.minsi %min3A_71, %max3A_70 : vector<16xi32>
    %mul3A_73 = arith.constant 64 : i32
    %mul3A_74 = vector.broadcast %mul3A_73 : i32 to vector<16xi32>
    %mul3A_75 = arith.muli %min3A_72, %mul3A_74 : vector<16xi32>
    %add3A_76 = arith.addi %mul3A_75, %min3A_65 : vector<16xi32>
    %swap3A = arith.constant 0 : index
    %swap3A_77 = tpu.vector_load %arg6[%swap3A] {strides = array<i32>} : memref<32xi32, #tpu.memory_space<vmem>>, vector<16xi32>,
    tpu.vector_store %arg6[%swap3A], %add3A_76 {strides = array<i32>} : memref<32xi32, #tpu.memory_space<vmem>>, vector<16xi32>,
    %mul3A_78 = arith.constant 26 : i32
    %mul3A_79 = vector.broadcast %mul3A_78 : i32 to vector<16xi32>
    %mul3A_80 = arith.muli %select_n3A_60, %mul3A_79 : vector<16xi32>
    %swap3A_81 = arith.constant 0 : index
    %swap3A_82 = tpu.vector_load %arg7[%swap3A_81] {strides = array<i32>} : memref<32xi32, #tpu.memory_space<vmem>>, vector<16xi32>,
    tpu.vector_store %arg7[%swap3A_81], %mul3A_80 {strides = array<i32>} : memref<32xi32, #tpu.memory_space<vmem>>, vector<16xi32>,
    %get3A_83 = arith.constant 0 : i32
    %get3A_84 = arith.index_cast %get3A_83 : i32 to index
    %get3A_85 = arith.constant 16 : index
    %get3A_86 = tpu.vector_load %arg5[%get3A_84, %get3A_85] {strides = array<i32>} : memref<6x32xf32, #tpu.memory_space<vmem>>, vector<16xf32>,
    %mul3A_87 = arith.constant 6.400000e+01 : f32
    %mul3A_88 = vector.broadcast %mul3A_87 : f32 to vector<16xf32>
    %mul3A_89 = arith.mulf %get3A_86, %mul3A_88 : vector<16xf32>
    %get3A_90 = arith.constant 1 : i32
    %get3A_91 = arith.index_cast %get3A_90 : i32 to index
    %get3A_92 = arith.constant 16 : index
    %get3A_93 = tpu.vector_load %arg5[%get3A_91, %get3A_92] {strides = array<i32>} : memref<6x32xf32, #tpu.memory_space<vmem>>, vector<16xf32>,
    %mul3A_94 = arith.constant 6.400000e+01 : f32
    %mul3A_95 = vector.broadcast %mul3A_94 : f32 to vector<16xf32>
    %mul3A_96 = arith.mulf %get3A_93, %mul3A_95 : vector<16xf32>
    %get3A_97 = arith.constant 4 : i32
    %get3A_98 = arith.index_cast %get3A_97 : i32 to index
    %get3A_99 = arith.constant 16 : index
    %get3A_100 = tpu.vector_load %arg5[%get3A_98, %get3A_99] {strides = array<i32>} : memref<6x32xf32, #tpu.memory_space<vmem>>, vector<16xf32>,
    %mul3A_101 = arith.constant 3.14159274 : f32
    %mul3A_102 = vector.broadcast %mul3A_101 : f32 to vector<16xf32>
    %mul3A_103 = arith.mulf %get3A_100, %mul3A_102 : vector<16xf32>
    %div3A_104 = arith.constant 8.000000e+00 : f32
    %div3A_105 = vector.broadcast %div3A_104 : f32 to vector<16xf32>
    %div3A_106 = arith.divf %mul3A_103, %div3A_105 : vector<16xf32>
    %mul3A_107 = arith.constant 2.500000e-01 : f32
    %mul3A_108 = vector.broadcast %mul3A_107 : f32 to vector<16xf32>
    %mul3A_109 = arith.mulf %div3A_106, %mul3A_108 : vector<16xf32>
    %broadcast_in_dim3A_110 = arith.constant 0 : i32
    %broadcast_in_dim3A_111 = vector.broadcast %broadcast_in_dim3A_110 : i32 to vector<16xi32>
    %sub3A_112 = arith.constant 0.000000e+00 : f32
    %sub3A_113 = vector.broadcast %sub3A_112 : f32 to vector<16xf32>
    %sub3A_114 = arith.subf %mul3A_109, %sub3A_113 : vector<16xf32>
    %abs3A_115 = math.absf %sub3A_114 : vector<16xf32>
    %sub3A_116 = arith.constant 0.0981749966 : f32
    %sub3A_117 = vector.broadcast %sub3A_116 : f32 to vector<16xf32>
    %sub3A_118 = arith.subf %mul3A_109, %sub3A_117 : vector<16xf32>
    %abs3A_119 = math.absf %sub3A_118 : vector<16xf32>
    %lt3A_120 = arith.cmpf olt, %abs3A_119, %abs3A_115 : vector<16xf32>
    %jit3A_121 = arith.constant 1 : i32
    %broadcast_in_dim3A_122 = vector.broadcast %jit3A_121 : i32 to vector<16xi32>
    %select_n3A_123 = arith.select %lt3A_120, %broadcast_in_dim3A_122, %broadcast_in_dim3A_111 : vector<16xi1>, vector<16xi32>
    %select_n3A_124 = arith.select %lt3A_120, %abs3A_119, %abs3A_115 : vector<16xi1>, vector<16xf32>
    %sub3A_125 = arith.constant 1.963500e-01 : f32
    %sub3A_126 = vector.broadcast %sub3A_125 : f32 to vector<16xf32>
    %sub3A_127 = arith.subf %mul3A_109, %sub3A_126 : vector<16xf32>
    %abs3A_128 = math.absf %sub3A_127 : vector<16xf32>
    %lt3A_129 = arith.cmpf olt, %abs3A_128, %select_n3A_124 : vector<16xf32>
    %jit3A_130 = arith.constant 2 : i32
    %broadcast_in_dim3A_131 = vector.broadcast %jit3A_130 : i32 to vector<16xi32>
    %select_n3A_132 = arith.select %lt3A_129, %broadcast_in_dim3A_131, %select_n3A_123 : vector<16xi1>, vector<16xi32>
    %select_n3A_133 = arith.select %lt3A_129, %abs3A_128, %select_n3A_124 : vector<16xi1>, vector<16xf32>
    %sub3A_134 = arith.constant 2.945250e-01 : f32
    %sub3A_135 = vector.broadcast %sub3A_134 : f32 to vector<16xf32>
    %sub3A_136 = arith.subf %mul3A_109, %sub3A_135 : vector<16xf32>
    %abs3A_137 = math.absf %sub3A_136 : vector<16xf32>
    %lt3A_138 = arith.cmpf olt, %abs3A_137, %select_n3A_133 : vector<16xf32>
    %jit3A_139 = arith.constant 3 : i32
    %broadcast_in_dim3A_140 = vector.broadcast %jit3A_139 : i32 to vector<16xi32>
    %select_n3A_141 = arith.select %lt3A_138, %broadcast_in_dim3A_140, %select_n3A_132 : vector<16xi1>, vector<16xi32>
    %select_n3A_142 = arith.select %lt3A_138, %abs3A_137, %select_n3A_133 : vector<16xi1>, vector<16xf32>
    %sub3A_143 = arith.constant 3.927000e-01 : f32
    %sub3A_144 = vector.broadcast %sub3A_143 : f32 to vector<16xf32>
    %sub3A_145 = arith.subf %mul3A_109, %sub3A_144 : vector<16xf32>
    %abs3A_146 = math.absf %sub3A_145 : vector<16xf32>
    %lt3A_147 = arith.cmpf olt, %abs3A_146, %select_n3A_142 : vector<16xf32>
    %jit3A_148 = arith.constant 4 : i32
    %broadcast_in_dim3A_149 = vector.broadcast %jit3A_148 : i32 to vector<16xi32>
    %select_n3A_150 = arith.select %lt3A_147, %broadcast_in_dim3A_149, %select_n3A_141 : vector<16xi1>, vector<16xi32>
    %select_n3A_151 = arith.select %lt3A_147, %abs3A_146, %select_n3A_142 : vector<16xi1>, vector<16xf32>
    %convert_element_type3A_152 = arith.fptosi %mul3A_89 : vector<16xf32> to vector<16xi32>
    %jit3A_153 = arith.constant 0 : i32
    %jit3A_154 = arith.constant 63 : i32
    %max3A_155 = vector.broadcast %jit3A_153 : i32 to vector<16xi32>
    %max3A_156 = arith.maxsi %max3A_155, %convert_element_type3A_152 : vector<16xi32>
    %min3A_157 = vector.broadcast %jit3A_154 : i32 to vector<16xi32>
    %min3A_158 = arith.minsi %min3A_157, %max3A_156 : vector<16xi32>
    %convert_element_type3A_159 = arith.fptosi %mul3A_96 : vector<16xf32> to vector<16xi32>
    %jit3A_160 = arith.constant 0 : i32
    %jit3A_161 = arith.constant 63 : i32
    %max3A_162 = vector.broadcast %jit3A_160 : i32 to vector<16xi32>
    %max3A_163 = arith.maxsi %max3A_162, %convert_element_type3A_159 : vector<16xi32>
    %min3A_164 = vector.broadcast %jit3A_161 : i32 to vector<16xi32>
    %min3A_165 = arith.minsi %min3A_164, %max3A_163 : vector<16xi32>
    %mul3A_166 = arith.constant 64 : i32
    %mul3A_167 = vector.broadcast %mul3A_166 : i32 to vector<16xi32>
    %mul3A_168 = arith.muli %min3A_165, %mul3A_167 : vector<16xi32>
    %add3A_169 = arith.addi %mul3A_168, %min3A_158 : vector<16xi32>
    %swap3A_170 = arith.constant 16 : index
    %swap3A_171 = tpu.vector_load %arg6[%swap3A_170] {strides = array<i32>} : memref<32xi32, #tpu.memory_space<vmem>>, vector<16xi32>,
    tpu.vector_store %arg6[%swap3A_170], %add3A_169 {strides = array<i32>} : memref<32xi32, #tpu.memory_space<vmem>>, vector<16xi32>,
    %mul3A_172 = arith.constant 26 : i32
    %mul3A_173 = vector.broadcast %mul3A_172 : i32 to vector<16xi32>
    %mul3A_174 = arith.muli %select_n3A_150, %mul3A_173 : vector<16xi32>
    %swap3A_175 = arith.constant 16 : index
    %swap3A_176 = tpu.vector_load %arg7[%swap3A_175] {strides = array<i32>} : memref<32xi32, #tpu.memory_space<vmem>>, vector<16xi32>,
    tpu.vector_store %arg7[%swap3A_175], %mul3A_174 {strides = array<i32>} : memref<32xi32, #tpu.memory_space<vmem>>, vector<16xi32>,
    %eq3A = arith.constant 0 : i32
    %eq3A_177 = vector.broadcast %eq3A : i32 to vector<16xi32>
    %eq3A_178 = arith.cmpi eq, %iota3A, %eq3A_177 : vector<16xi32>
    %get3A_179 = arith.constant 0 : index
    %get3A_180 = tpu.vector_load %arg6[%get3A_179] {strides = array<i32>} : memref<32xi32, #tpu.memory_space<vmem>>, vector<16xi32>,
    %jit3A_181 = arith.constant 0 : i32
    %broadcast_in_dim3A_182 = vector.broadcast %jit3A_181 : i32 to vector<16xi32>
    %select_n3A_183 = arith.select %eq3A_178, %get3A_180, %broadcast_in_dim3A_182 : vector<16xi1>, vector<16xi32>
    %reduce_sum3A = arith.constant true
    %reduce_sum3A_184 = vector.broadcast %reduce_sum3A : i1 to vector<16xi1>
    %reduce_sum3A_185 = tpu.scan <sum>, %select_n3A_183 masked %reduce_sum3A_184 : vector<16xi32>, vector<16xi1> -> vector<16xi32>
    %reduce_sum3A_186 = vector.extract %reduce_sum3A_185[15] : i32 from vector<16xi32>
    %get3A_187 = arith.constant 0 : index
    %get3A_188 = tpu.vector_load %arg7[%get3A_187] {strides = array<i32>} : memref<32xi32, #tpu.memory_space<vmem>>, vector<16xi32>,
    %jit3A_189 = arith.constant 0 : i32
    %broadcast_in_dim3A_190 = vector.broadcast %jit3A_189 : i32 to vector<16xi32>
    %select_n3A_191 = arith.select %eq3A_178, %get3A_188, %broadcast_in_dim3A_190 : vector<16xi1>, vector<16xi32>
    %reduce_sum3A_192 = arith.constant true
    %reduce_sum3A_193 = vector.broadcast %reduce_sum3A_192 : i1 to vector<16xi1>
    %reduce_sum3A_194 = tpu.scan <sum>, %select_n3A_191 masked %reduce_sum3A_193 : vector<16xi32>, vector<16xi1> -> vector<16xi32>
    %reduce_sum3A_195 = vector.extract %reduce_sum3A_194[15] : i32 from vector<16xi32>
    %and3A = arith.constant 7 : i32
    %and3A_196 = arith.andi %reduce_sum3A_186, %and3A : i32
    %mul3A_197 = arith.constant 4096 : i32
    %mul3A_198 = arith.muli %add3A, %mul3A_197 : i32
    %add3A_199 = arith.addi %mul3A_198, %reduce_sum3A_186 : i32
    %sub3A_200 = arith.subi %add3A_199, %and3A_196 : i32
    %multiple_of3A = tpu.assume_multiple %sub3A_200, 8 : i32
    %dma_start3A = arith.constant 0 : i32
    %dma_start3A_201 = arith.constant 0 : i32
    %dma_start3A_202 = arith.constant 0 : i32
    %dma_start3A_203 = tpu.memref_slice %arg8[%dma_start3A, %dma_start3A_201, %dma_start3A_202] : memref<20x8x130xf32, #tpu.memory_space<vmem>> -> memref<1x8x130xf32, #tpu.memory_space<vmem>>
    %dma_start3A_204 = tpu.memref_squeeze %dma_start3A_203 : memref<1x8x130xf32, #tpu.memory_space<vmem>> -> memref<8x130xf32, #tpu.memory_space<vmem>>
    %dma_start3A_205 = arith.constant 0 : i32
    %dma_start3A_206 = tpu.memref_slice %arg2[%multiple_of3A, %dma_start3A_205] : memref<131072x130xf32, #tpu.memory_space<hbm>> -> memref<8x130xf32, #tpu.memory_space<hbm>>
    %dma_start3A_207 = arith.constant 0 : i32
    %dma_start3A_208 = arith.constant 0 : i32
    %dma_start3A_209 = tpu.memref_slice %arg8[%dma_start3A, %dma_start3A_207, %dma_start3A_208] : memref<20x8x130xf32, #tpu.memory_space<vmem>> -> memref<1x8x130xf32, #tpu.memory_space<vmem>>
    %dma_start3A_210 = tpu.memref_squeeze %dma_start3A_209 : memref<1x8x130xf32, #tpu.memory_space<vmem>> -> memref<8x130xf32, #tpu.memory_space<vmem>>
    %dma_start3A_211 = arith.constant 0 : i32
    %dma_start3A_212 = tpu.memref_slice %arg2[%multiple_of3A, %dma_start3A_211] : memref<131072x130xf32, #tpu.memory_space<hbm>> -> memref<8x130xf32, #tpu.memory_space<hbm>>
    tpu.enqueue_dma source(%dma_start3A_212 : memref<8x130xf32, #tpu.memory_space<hbm>>) target(%dma_start3A_210 : memref<8x130xf32, #tpu.memory_space<vmem>>) target_semaphore(%arg10 : memref<!tpu.dma_semaphore, #tpu.memory_space<semaphore_mem>>)
    %eq3A_213 = arith.constant 1 : i32
    %eq3A_214 = vector.broadcast %eq3A_213 : i32 to vector<16xi32>
    %eq3A_215 = arith.cmpi eq, %iota3A, %eq3A_214 : vector<16xi32>
    %get3A_216 = arith.constant 0 : index
    %get3A_217 = tpu.vector_load %arg6[%get3A_216] {strides = array<i32>} : memref<32xi32, #tpu.memory_space<vmem>>, vector<16xi32>,
    %jit3A_218 = arith.constant 0 : i32
    %broadcast_in_dim3A_219 = vector.broadcast %jit3A_218 : i32 to vector<16xi32>
    %select_n3A_220 = arith.select %eq3A_215, %get3A_217, %broadcast_in_dim3A_219 : vector<16xi1>, vector<16xi32>
    %reduce_sum3A_221 = arith.constant true
    %reduce_sum3A_222 = vector.broadcast %reduce_sum3A_221 : i1 to vector<16xi1>
    %reduce_sum3A_223 = tpu.scan <sum>, %select_n3A_220 masked %reduce_sum3A_222 : vector<16xi32>, vector<16xi1> -> vector<16xi32>
    %reduce_sum3A_224 = vector.extract %reduce_sum3A_223[15] : i32 from vector<16xi32>
    %get3A_225 = arith.constant 0 : index
    %get3A_226 = tpu.vector_load %arg7[%get3A_225] {strides = array<i32>} : memref<32xi32, #tpu.memory_space<vmem>>, vector<16xi32>,
    %jit3A_227 = arith.constant 0 : i32
    %broadcast_in_dim3A_228 = vector.broadcast %jit3A_227 : i32 to vector<16xi32>
    %select_n3A_229 = arith.select %eq3A_215, %get3A_226, %broadcast_in_dim3A_228 : vector<16xi1>, vector<16xi32>
    %reduce_sum3A_230 = arith.constant true
    %reduce_sum3A_231 = vector.broadcast %reduce_sum3A_230 : i1 to vector<16xi1>
    %reduce_sum3A_232 = tpu.scan <sum>, %select_n3A_229 masked %reduce_sum3A_231 : vector<16xi32>, vector<16xi1> -> vector<16xi32>
    %reduce_sum3A_233 = vector.extract %reduce_sum3A_232[15] : i32 from vector<16xi32>
    %and3A_234 = arith.constant 7 : i32
    %and3A_235 = arith.andi %reduce_sum3A_224, %and3A_234 : i32
    %mul3A_236 = arith.constant 4096 : i32
    %mul3A_237 = arith.muli %add3A, %mul3A_236 : i32
    %add3A_238 = arith.addi %mul3A_237, %reduce_sum3A_224 : i32
    %sub3A_239 = arith.subi %add3A_238, %and3A_235 : i32
    %multiple_of3A_240 = tpu.assume_multiple %sub3A_239, 8 : i32
    %dma_start3A_241 = arith.constant 1 : i32
    %dma_start3A_242 = arith.constant 0 : i32
    %dma_start3A_243 = arith.constant 0 : i32
    %dma_start3A_244 = tpu.memref_slice %arg8[%dma_start3A_241, %dma_start3A_242, %dma_start3A_243] : memref<20x8x130xf32, #tpu.memory_space<vmem>> -> memref<1x8x130xf32, #tpu.memory_space<vmem>>
    %dma_start3A_245 = tpu.memref_squeeze %dma_start3A_244 : memref<1x8x130xf32, #tpu.memory_space<vmem>> -> memref<8x130xf32, #tpu.memory_space<vmem>>
    %dma_start3A_246 = arith.constant 0 : i32
    %dma_start3A_247 = tpu.memref_slice %arg2[%multiple_of3A_240, %dma_start3A_246] : memref<131072x130xf32, #tpu.memory_space<hbm>> -> memref<8x130xf32, #tpu.memory_space<hbm>>
    %dma_start3A_248 = arith.constant 0 : i32
    %dma_start3A_249 = arith.constant 0 : i32
    %dma_start3A_250 = tpu.memref_slice %arg8[%dma_start3A_241, %dma_start3A_248, %dma_start3A_249] : memref<20x8x130xf32, #tpu.memory_space<vmem>> -> memref<1x8x130xf32, #tpu.memory_space<vmem>>
    %dma_start3A_251 = tpu.memref_squeeze %dma_start3A_250 : memref<1x8x130xf32, #tpu.memory_space<vmem>> -> memref<8x130xf32, #tpu.memory_space<vmem>>
    %dma_start3A_252 = arith.constant 0 : i32
    %dma_start3A_253 = tpu.memref_slice %arg2[%multiple_of3A_240, %dma_start3A_252] : memref<131072x130xf32, #tpu.memory_space<hbm>> -> memref<8x130xf32, #tpu.memory_space<hbm>>
    tpu.enqueue_dma source(%dma_start3A_253 : memref<8x130xf32, #tpu.memory_space<hbm>>) target(%dma_start3A_251 : memref<8x130xf32, #tpu.memory_space<vmem>>) target_semaphore(%arg10 : memref<!tpu.dma_semaphore, #tpu.memory_space<semaphore_mem>>)
    %eq3A_254 = arith.constant 2 : i32
    %eq3A_255 = vector.broadcast %eq3A_254 : i32 to vector<16xi32>
    %eq3A_256 = arith.cmpi eq, %iota3A, %eq3A_255 : vector<16xi32>
    %get3A_257 = arith.constant 0 : index
    %get3A_258 = tpu.vector_load %arg6[%get3A_257] {strides = array<i32>} : memref<32xi32, #tpu.memory_space<vmem>>, vector<16xi32>,
    %jit3A_259 = arith.constant 0 : i32
    %broadcast_in_dim3A_260 = vector.broadcast %jit3A_259 : i32 to vector<16xi32>
    %select_n3A_261 = arith.select %eq3A_256, %get3A_258, %broadcast_in_dim3A_260 : vector<16xi1>, vector<16xi32>
    %reduce_sum3A_262 = arith.constant true
    %reduce_sum3A_263 = vector.broadcast %reduce_sum3A_262 : i1 to vector<16xi1>
    %reduce_sum3A_264 = tpu.scan <sum>, %select_n3A_261 masked %reduce_sum3A_263 : vector<16xi32>, vector<16xi1> -> vector<16xi32>
    %reduce_sum3A_265 = vector.extract %reduce_sum3A_264[15] : i32 from vector<16xi32>
    %get3A_266 = arith.constant 0 : index
    %get3A_267 = tpu.vector_load %arg7[%get3A_266] {strides = array<i32>} : memref<32xi32, #tpu.memory_space<vmem>>, vector<16xi32>,
    %jit3A_268 = arith.constant 0 : i32
    %broadcast_in_dim3A_269 = vector.broadcast %jit3A_268 : i32 to vector<16xi32>
    %select_n3A_270 = arith.select %eq3A_256, %get3A_267, %broadcast_in_dim3A_269 : vector<16xi1>, vector<16xi32>
    %reduce_sum3A_271 = arith.constant true
    %reduce_sum3A_272 = vector.broadcast %reduce_sum3A_271 : i1 to vector<16xi1>
    %reduce_sum3A_273 = tpu.scan <sum>, %select_n3A_270 masked %reduce_sum3A_272 : vector<16xi32>, vector<16xi1> -> vector<16xi32>
    %reduce_sum3A_274 = vector.extract %reduce_sum3A_273[15] : i32 from vector<16xi32>
    %and3A_275 = arith.constant 7 : i32
    %and3A_276 = arith.andi %reduce_sum3A_265, %and3A_275 : i32
    %mul3A_277 = arith.constant 4096 : i32
    %mul3A_278 = arith.muli %add3A, %mul3A_277 : i32
    %add3A_279 = arith.addi %mul3A_278, %reduce_sum3A_265 : i32
    %sub3A_280 = arith.subi %add3A_279, %and3A_276 : i32
    %multiple_of3A_281 = tpu.assume_multiple %sub3A_280, 8 : i32
    %dma_start3A_282 = arith.constant 2 : i32
    %dma_start3A_283 = arith.constant 0 : i32
    %dma_start3A_284 = arith.constant 0 : i32
    %dma_start3A_285 = tpu.memref_slice %arg8[%dma_start3A_282, %dma_start3A_283, %dma_start3A_284] : memref<20x8x130xf32, #tpu.memory_space<vmem>> -> memref<1x8x130xf32, #tpu.memory_space<vmem>>
    %dma_start3A_286 = tpu.memref_squeeze %dma_start3A_285 : memref<1x8x130xf32, #tpu.memory_space<vmem>> -> memref<8x130xf32, #tpu.memory_space<vmem>>
    %dma_start3A_287 = arith.constant 0 : i32
    %dma_start3A_288 = tpu.memref_slice %arg2[%multiple_of3A_281, %dma_start3A_287] : memref<131072x130xf32, #tpu.memory_space<hbm>> -> memref<8x130xf32, #tpu.memory_space<hbm>>
    %dma_start3A_289 = arith.constant 0 : i32
    %dma_start3A_290 = arith.constant 0 : i32
    %dma_start3A_291 = tpu.memref_slice %arg8[%dma_start3A_282, %dma_start3A_289, %dma_start3A_290] : memref<20x8x130xf32, #tpu.memory_space<vmem>> -> memref<1x8x130xf32, #tpu.memory_space<vmem>>
    %dma_start3A_292 = tpu.memref_squeeze %dma_start3A_291 : memref<1x8x130xf32, #tpu.memory_space<vmem>> -> memref<8x130xf32, #tpu.memory_space<vmem>>
    %dma_start3A_293 = arith.constant 0 : i32
    %dma_start3A_294 = tpu.memref_slice %arg2[%multiple_of3A_281, %dma_start3A_293] : memref<131072x130xf32, #tpu.memory_space<hbm>> -> memref<8x130xf32, #tpu.memory_space<hbm>>
    tpu.enqueue_dma source(%dma_start3A_294 : memref<8x130xf32, #tpu.memory_space<hbm>>) target(%dma_start3A_292 : memref<8x130xf32, #tpu.memory_space<vmem>>) target_semaphore(%arg10 : memref<!tpu.dma_semaphore, #tpu.memory_space<semaphore_mem>>)
    %eq3A_295 = arith.constant 3 : i32
    %eq3A_296 = vector.broadcast %eq3A_295 : i32 to vector<16xi32>
    %eq3A_297 = arith.cmpi eq, %iota3A, %eq3A_296 : vector<16xi32>
    %get3A_298 = arith.constant 0 : index
    %get3A_299 = tpu.vector_load %arg6[%get3A_298] {strides = array<i32>} : memref<32xi32, #tpu.memory_space<vmem>>, vector<16xi32>,
    %jit3A_300 = arith.constant 0 : i32
    %broadcast_in_dim3A_301 = vector.broadcast %jit3A_300 : i32 to vector<16xi32>
    %select_n3A_302 = arith.select %eq3A_297, %get3A_299, %broadcast_in_dim3A_301 : vector<16xi1>, vector<16xi32>
    %reduce_sum3A_303 = arith.constant true
    %reduce_sum3A_304 = vector.broadcast %reduce_sum3A_303 : i1 to vector<16xi1>
    %reduce_sum3A_305 = tpu.scan <sum>, %select_n3A_302 masked %reduce_sum3A_304 : vector<16xi32>, vector<16xi1> -> vector<16xi32>
    %reduce_sum3A_306 = vector.extract %reduce_sum3A_305[15] : i32 from vector<16xi32>
    %get3A_307 = arith.constant 0 : index
    %get3A_308 = tpu.vector_load %arg7[%get3A_307] {strides = array<i32>} : memref<32xi32, #tpu.memory_space<vmem>>, vector<16xi32>,
    %jit3A_309 = arith.constant 0 : i32
    %broadcast_in_dim3A_310 = vector.broadcast %jit3A_309 : i32 to vector<16xi32>
    %select_n3A_311 = arith.select %eq3A_297, %get3A_308, %broadcast_in_dim3A_310 : vector<16xi1>, vector<16xi32>
    %reduce_sum3A_312 = arith.constant true
    %reduce_sum3A_313 = vector.broadcast %reduce_sum3A_312 : i1 to vector<16xi1>
    %reduce_sum3A_314 = tpu.scan <sum>, %select_n3A_311 masked %reduce_sum3A_313 : vector<16xi32>, vector<16xi1> -> vector<16xi32>
    %reduce_sum3A_315 = vector.extract %reduce_sum3A_314[15] : i32 from vector<16xi32>
    %and3A_316 = arith.constant 7 : i32
    %and3A_317 = arith.andi %reduce_sum3A_306, %and3A_316 : i32
    %mul3A_318 = arith.constant 4096 : i32
    %mul3A_319 = arith.muli %add3A, %mul3A_318 : i32
    %add3A_320 = arith.addi %mul3A_319, %reduce_sum3A_306 : i32
    %sub3A_321 = arith.subi %add3A_320, %and3A_317 : i32
    %multiple_of3A_322 = tpu.assume_multiple %sub3A_321, 8 : i32
    %dma_start3A_323 = arith.constant 3 : i32
    %dma_start3A_324 = arith.constant 0 : i32
    %dma_start3A_325 = arith.constant 0 : i32
    %dma_start3A_326 = tpu.memref_slice %arg8[%dma_start3A_323, %dma_start3A_324, %dma_start3A_325] : memref<20x8x130xf32, #tpu.memory_space<vmem>> -> memref<1x8x130xf32, #tpu.memory_space<vmem>>
    %dma_start3A_327 = tpu.memref_squeeze %dma_start3A_326 : memref<1x8x130xf32, #tpu.memory_space<vmem>> -> memref<8x130xf32, #tpu.memory_space<vmem>>
    %dma_start3A_328 = arith.constant 0 : i32
    %dma_start3A_329 = tpu.memref_slice %arg2[%multiple_of3A_322, %dma_start3A_328] : memref<131072x130xf32, #tpu.memory_space<hbm>> -> memref<8x130xf32, #tpu.memory_space<hbm>>
    %dma_start3A_330 = arith.constant 0 : i32
    %dma_start3A_331 = arith.constant 0 : i32
    %dma_start3A_332 = tpu.memref_slice %arg8[%dma_start3A_323, %dma_start3A_330, %dma_start3A_331] : memref<20x8x130xf32, #tpu.memory_space<vmem>> -> memref<1x8x130xf32, #tpu.memory_space<vmem>>
    %dma_start3A_333 = tpu.memref_squeeze %dma_start3A_332 : memref<1x8x130xf32, #tpu.memory_space<vmem>> -> memref<8x130xf32, #tpu.memory_space<vmem>>
    %dma_start3A_334 = arith.constant 0 : i32
    %dma_start3A_335 = tpu.memref_slice %arg2[%multiple_of3A_322, %dma_start3A_334] : memref<131072x130xf32, #tpu.memory_space<hbm>> -> memref<8x130xf32, #tpu.memory_space<hbm>>
    tpu.enqueue_dma source(%dma_start3A_335 : memref<8x130xf32, #tpu.memory_space<hbm>>) target(%dma_start3A_333 : memref<8x130xf32, #tpu.memory_space<vmem>>) target_semaphore(%arg10 : memref<!tpu.dma_semaphore, #tpu.memory_space<semaphore_mem>>)
    %eq3A_336 = arith.constant 4 : i32
    %eq3A_337 = vector.broadcast %eq3A_336 : i32 to vector<16xi32>
    %eq3A_338 = arith.cmpi eq, %iota3A, %eq3A_337 : vector<16xi32>
    %get3A_339 = arith.constant 0 : index
    %get3A_340 = tpu.vector_load %arg6[%get3A_339] {strides = array<i32>} : memref<32xi32, #tpu.memory_space<vmem>>, vector<16xi32>,
    %jit3A_341 = arith.constant 0 : i32
    %broadcast_in_dim3A_342 = vector.broadcast %jit3A_341 : i32 to vector<16xi32>
    %select_n3A_343 = arith.select %eq3A_338, %get3A_340, %broadcast_in_dim3A_342 : vector<16xi1>, vector<16xi32>
    %reduce_sum3A_344 = arith.constant true
    %reduce_sum3A_345 = vector.broadcast %reduce_sum3A_344 : i1 to vector<16xi1>
    %reduce_sum3A_346 = tpu.scan <sum>, %select_n3A_343 masked %reduce_sum3A_345 : vector<16xi32>, vector<16xi1> -> vector<16xi32>
    %reduce_sum3A_347 = vector.extract %reduce_sum3A_346[15] : i32 from vector<16xi32>
    %get3A_348 = arith.constant 0 : index
    %get3A_349 = tpu.vector_load %arg7[%get3A_348] {strides = array<i32>} : memref<32xi32, #tpu.memory_space<vmem>>, vector<16xi32>,
    %jit3A_350 = arith.constant 0 : i32
    %broadcast_in_dim3A_351 = vector.broadcast %jit3A_350 : i32 to vector<16xi32>
    %select_n3A_352 = arith.select %eq3A_338, %get3A_349, %broadcast_in_dim3A_351 : vector<16xi1>, vector<16xi32>
    %reduce_sum3A_353 = arith.constant true
    %reduce_sum3A_354 = vector.broadcast %reduce_sum3A_353 : i1 to vector<16xi1>
    %reduce_sum3A_355 = tpu.scan <sum>, %select_n3A_352 masked %reduce_sum3A_354 : vector<16xi32>, vector<16xi1> -> vector<16xi32>
    %reduce_sum3A_356 = vector.extract %reduce_sum3A_355[15] : i32 from vector<16xi32>
    %and3A_357 = arith.constant 7 : i32
    %and3A_358 = arith.andi %reduce_sum3A_347, %and3A_357 : i32
    %mul3A_359 = arith.constant 4096 : i32
    %mul3A_360 = arith.muli %add3A, %mul3A_359 : i32
    %add3A_361 = arith.addi %mul3A_360, %reduce_sum3A_347 : i32
    %sub3A_362 = arith.subi %add3A_361, %and3A_358 : i32
    %multiple_of3A_363 = tpu.assume_multiple %sub3A_362, 8 : i32
    %dma_start3A_364 = arith.constant 4 : i32
    %dma_start3A_365 = arith.constant 0 : i32
    %dma_start3A_366 = arith.constant 0 : i32
    %dma_start3A_367 = tpu.memref_slice %arg8[%dma_start3A_364, %dma_start3A_365, %dma_start3A_366] : memref<20x8x130xf32, #tpu.memory_space<vmem>> -> memref<1x8x130xf32, #tpu.memory_space<vmem>>
    %dma_start3A_368 = tpu.memref_squeeze %dma_start3A_367 : memref<1x8x130xf32, #tpu.memory_space<vmem>> -> memref<8x130xf32, #tpu.memory_space<vmem>>
    %dma_start3A_369 = arith.constant 0 : i32
    %dma_start3A_370 = tpu.memref_slice %arg2[%multiple_of3A_363, %dma_start3A_369] : memref<131072x130xf32, #tpu.memory_space<hbm>> -> memref<8x130xf32, #tpu.memory_space<hbm>>
    %dma_start3A_371 = arith.constant 0 : i32
    %dma_start3A_372 = arith.constant 0 : i32
    %dma_start3A_373 = tpu.memref_slice %arg8[%dma_start3A_364, %dma_start3A_371, %dma_start3A_372] : memref<20x8x130xf32, #tpu.memory_space<vmem>> -> memref<1x8x130xf32, #tpu.memory_space<vmem>>
    %dma_start3A_374 = tpu.memref_squeeze %dma_start3A_373 : memref<1x8x130xf32, #tpu.memory_space<vmem>> -> memref<8x130xf32, #tpu.memory_space<vmem>>
    %dma_start3A_375 = arith.constant 0 : i32
    %dma_start3A_376 = tpu.memref_slice %arg2[%multiple_of3A_363, %dma_start3A_375] : memref<131072x130xf32, #tpu.memory_space<hbm>> -> memref<8x130xf32, #tpu.memory_space<hbm>>
    tpu.enqueue_dma source(%dma_start3A_376 : memref<8x130xf32, #tpu.memory_space<hbm>>) target(%dma_start3A_374 : memref<8x130xf32, #tpu.memory_space<vmem>>) target_semaphore(%arg10 : memref<!tpu.dma_semaphore, #tpu.memory_space<semaphore_mem>>)
    %eq3A_377 = arith.constant 5 : i32
    %eq3A_378 = vector.broadcast %eq3A_377 : i32 to vector<16xi32>
    %eq3A_379 = arith.cmpi eq, %iota3A, %eq3A_378 : vector<16xi32>
    %get3A_380 = arith.constant 0 : index
    %get3A_381 = tpu.vector_load %arg6[%get3A_380] {strides = array<i32>} : memref<32xi32, #tpu.memory_space<vmem>>, vector<16xi32>,
    %jit3A_382 = arith.constant 0 : i32
    %broadcast_in_dim3A_383 = vector.broadcast %jit3A_382 : i32 to vector<16xi32>
    %select_n3A_384 = arith.select %eq3A_379, %get3A_381, %broadcast_in_dim3A_383 : vector<16xi1>, vector<16xi32>
    %reduce_sum3A_385 = arith.constant true
    %reduce_sum3A_386 = vector.broadcast %reduce_sum3A_385 : i1 to vector<16xi1>
    %reduce_sum3A_387 = tpu.scan <sum>, %select_n3A_384 masked %reduce_sum3A_386 : vector<16xi32>, vector<16xi1> -> vector<16xi32>
    %reduce_sum3A_388 = vector.extract %reduce_sum3A_387[15] : i32 from vector<16xi32>
    %get3A_389 = arith.constant 0 : index
    %get3A_390 = tpu.vector_load %arg7[%get3A_389] {strides = array<i32>} : memref<32xi32, #tpu.memory_space<vmem>>, vector<16xi32>,
    %jit3A_391 = arith.constant 0 : i32
    %broadcast_in_dim3A_392 = vector.broadcast %jit3A_391 : i32 to vector<16xi32>
    %select_n3A_393 = arith.select %eq3A_379, %get3A_390, %broadcast_in_dim3A_392 : vector<16xi1>, vector<16xi32>
    %reduce_sum3A_394 = arith.constant true
    %reduce_sum3A_395 = vector.broadcast %reduce_sum3A_394 : i1 to vector<16xi1>
    %reduce_sum3A_396 = tpu.scan <sum>, %select_n3A_393 masked %reduce_sum3A_395 : vector<16xi32>, vector<16xi1> -> vector<16xi32>
    %reduce_sum3A_397 = vector.extract %reduce_sum3A_396[15] : i32 from vector<16xi32>
    %and3A_398 = arith.constant 7 : i32
    %and3A_399 = arith.andi %reduce_sum3A_388, %and3A_398 : i32
    %mul3A_400 = arith.constant 4096 : i32
    %mul3A_401 = arith.muli %add3A, %mul3A_400 : i32
    %add3A_402 = arith.addi %mul3A_401, %reduce_sum3A_388 : i32
    %sub3A_403 = arith.subi %add3A_402, %and3A_399 : i32
    %multiple_of3A_404 = tpu.assume_multiple %sub3A_403, 8 : i32
    %dma_start3A_405 = arith.constant 5 : i32
    %dma_start3A_406 = arith.constant 0 : i32
    %dma_start3A_407 = arith.constant 0 : i32
    %dma_start3A_408 = tpu.memref_slice %arg8[%dma_start3A_405, %dma_start3A_406, %dma_start3A_407] : memref<20x8x130xf32, #tpu.memory_space<vmem>> -> memref<1x8x130xf32, #tpu.memory_space<vmem>>
    %dma_start3A_409 = tpu.memref_squeeze %dma_start3A_408 : memref<1x8x130xf32, #tpu.memory_space<vmem>> -> memref<8x130xf32, #tpu.memory_space<vmem>>
    %dma_start3A_410 = arith.constant 0 : i32
    %dma_start3A_411 = tpu.memref_slice %arg2[%multiple_of3A_404, %dma_start3A_410] : memref<131072x130xf32, #tpu.memory_space<hbm>> -> memref<8x130xf32, #tpu.memory_space<hbm>>
    %dma_start3A_412 = arith.constant 0 : i32
    %dma_start3A_413 = arith.constant 0 : i32
    %dma_start3A_414 = tpu.memref_slice %arg8[%dma_start3A_405, %dma_start3A_412, %dma_start3A_413] : memref<20x8x130xf32, #tpu.memory_space<vmem>> -> memref<1x8x130xf32, #tpu.memory_space<vmem>>
    %dma_start3A_415 = tpu.memref_squeeze %dma_start3A_414 : memref<1x8x130xf32, #tpu.memory_space<vmem>> -> memref<8x130xf32, #tpu.memory_space<vmem>>
    %dma_start3A_416 = arith.constant 0 : i32
    %dma_start3A_417 = tpu.memref_slice %arg2[%multiple_of3A_404, %dma_start3A_416] : memref<131072x130xf32, #tpu.memory_space<hbm>> -> memref<8x130xf32, #tpu.memory_space<hbm>>
    tpu.enqueue_dma source(%dma_start3A_417 : memref<8x130xf32, #tpu.memory_space<hbm>>) target(%dma_start3A_415 : memref<8x130xf32, #tpu.memory_space<vmem>>) target_semaphore(%arg10 : memref<!tpu.dma_semaphore, #tpu.memory_space<semaphore_mem>>)
    %eq3A_418 = arith.constant 6 : i32
    %eq3A_419 = vector.broadcast %eq3A_418 : i32 to vector<16xi32>
    %eq3A_420 = arith.cmpi eq, %iota3A, %eq3A_419 : vector<16xi32>
    %get3A_421 = arith.constant 0 : index
    %get3A_422 = tpu.vector_load %arg6[%get3A_421] {strides = array<i32>} : memref<32xi32, #tpu.memory_space<vmem>>, vector<16xi32>,
    %jit3A_423 = arith.constant 0 : i32
    %broadcast_in_dim3A_424 = vector.broadcast %jit3A_423 : i32 to vector<16xi32>
    %select_n3A_425 = arith.select %eq3A_420, %get3A_422, %broadcast_in_dim3A_424 : vector<16xi1>, vector<16xi32>
    %reduce_sum3A_426 = arith.constant true
    %reduce_sum3A_427 = vector.broadcast %reduce_sum3A_426 : i1 to vector<16xi1>
    %reduce_sum3A_428 = tpu.scan <sum>, %select_n3A_425 masked %reduce_sum3A_427 : vector<16xi32>, vector<16xi1> -> vector<16xi32>
    %reduce_sum3A_429 = vector.extract %reduce_sum3A_428[15] : i32 from vector<16xi32>
    %get3A_430 = arith.constant 0 : index
    %get3A_431 = tpu.vector_load %arg7[%get3A_430] {strides = array<i32>} : memref<32xi32, #tpu.memory_space<vmem>>, vector<16xi32>,
    %jit3A_432 = arith.constant 0 : i32
    %broadcast_in_dim3A_433 = vector.broadcast %jit3A_432 : i32 to vector<16xi32>
    %select_n3A_434 = arith.select %eq3A_420, %get3A_431, %broadcast_in_dim3A_433 : vector<16xi1>, vector<16xi32>
    %reduce_sum3A_435 = arith.constant true
    %reduce_sum3A_436 = vector.broadcast %reduce_sum3A_435 : i1 to vector<16xi1>
    %reduce_sum3A_437 = tpu.scan <sum>, %select_n3A_434 masked %reduce_sum3A_436 : vector<16xi32>, vector<16xi1> -> vector<16xi32>
    %reduce_sum3A_438 = vector.extract %reduce_sum3A_437[15] : i32 from vector<16xi32>
    %and3A_439 = arith.constant 7 : i32
    %and3A_440 = arith.andi %reduce_sum3A_429, %and3A_439 : i32
    %mul3A_441 = arith.constant 4096 : i32
    %mul3A_442 = arith.muli %add3A, %mul3A_441 : i32
    %add3A_443 = arith.addi %mul3A_442, %reduce_sum3A_429 : i32
    %sub3A_444 = arith.subi %add3A_443, %and3A_440 : i32
    %multiple_of3A_445 = tpu.assume_multiple %sub3A_444, 8 : i32
    %dma_start3A_446 = arith.constant 6 : i32
    %dma_start3A_447 = arith.constant 0 : i32
    %dma_start3A_448 = arith.constant 0 : i32
    %dma_start3A_449 = tpu.memref_slice %arg8[%dma_start3A_446, %dma_start3A_447, %dma_start3A_448] : memref<20x8x130xf32, #tpu.memory_space<vmem>> -> memref<1x8x130xf32, #tpu.memory_space<vmem>>
    %dma_start3A_450 = tpu.memref_squeeze %dma_start3A_449 : memref<1x8x130xf32, #tpu.memory_space<vmem>> -> memref<8x130xf32, #tpu.memory_space<vmem>>
    %dma_start3A_451 = arith.constant 0 : i32
    %dma_start3A_452 = tpu.memref_slice %arg2[%multiple_of3A_445, %dma_start3A_451] : memref<131072x130xf32, #tpu.memory_space<hbm>> -> memref<8x130xf32, #tpu.memory_space<hbm>>
    %dma_start3A_453 = arith.constant 0 : i32
    %dma_start3A_454 = arith.constant 0 : i32
    %dma_start3A_455 = tpu.memref_slice %arg8[%dma_start3A_446, %dma_start3A_453, %dma_start3A_454] : memref<20x8x130xf32, #tpu.memory_space<vmem>> -> memref<1x8x130xf32, #tpu.memory_space<vmem>>
    %dma_start3A_456 = tpu.memref_squeeze %dma_start3A_455 : memref<1x8x130xf32, #tpu.memory_space<vmem>> -> memref<8x130xf32, #tpu.memory_space<vmem>>
    %dma_start3A_457 = arith.constant 0 : i32
    %dma_start3A_458 = tpu.memref_slice %arg2[%multiple_of3A_445, %dma_start3A_457] : memref<131072x130xf32, #tpu.memory_space<hbm>> -> memref<8x130xf32, #tpu.memory_space<hbm>>
    tpu.enqueue_dma source(%dma_start3A_458 : memref<8x130xf32, #tpu.memory_space<hbm>>) target(%dma_start3A_456 : memref<8x130xf32, #tpu.memory_space<vmem>>) target_semaphore(%arg10 : memref<!tpu.dma_semaphore, #tpu.memory_space<semaphore_mem>>)
    %eq3A_459 = arith.constant 7 : i32
    %eq3A_460 = vector.broadcast %eq3A_459 : i32 to vector<16xi32>
    %eq3A_461 = arith.cmpi eq, %iota3A, %eq3A_460 : vector<16xi32>
    %get3A_462 = arith.constant 0 : index
    %get3A_463 = tpu.vector_load %arg6[%get3A_462] {strides = array<i32>} : memref<32xi32, #tpu.memory_space<vmem>>, vector<16xi32>,
    %jit3A_464 = arith.constant 0 : i32
    %broadcast_in_dim3A_465 = vector.broadcast %jit3A_464 : i32 to vector<16xi32>
    %select_n3A_466 = arith.select %eq3A_461, %get3A_463, %broadcast_in_dim3A_465 : vector<16xi1>, vector<16xi32>
    %reduce_sum3A_467 = arith.constant true
    %reduce_sum3A_468 = vector.broadcast %reduce_sum3A_467 : i1 to vector<16xi1>
    %reduce_sum3A_469 = tpu.scan <sum>, %select_n3A_466 masked %reduce_sum3A_468 : vector<16xi32>, vector<16xi1> -> vector<16xi32>
    %reduce_sum3A_470 = vector.extract %reduce_sum3A_469[15] : i32 from vector<16xi32>
    %get3A_471 = arith.constant 0 : index
    %get3A_472 = tpu.vector_load %arg7[%get3A_471] {strides = array<i32>} : memref<32xi32, #tpu.memory_space<vmem>>, vector<16xi32>,
    %jit3A_473 = arith.constant 0 : i32
    %broadcast_in_dim3A_474 = vector.broadcast %jit3A_473 : i32 to vector<16xi32>
    %select_n3A_475 = arith.select %eq3A_461, %get3A_472, %broadcast_in_dim3A_474 : vector<16xi1>, vector<16xi32>
    %reduce_sum3A_476 = arith.constant true
    %reduce_sum3A_477 = vector.broadcast %reduce_sum3A_476 : i1 to vector<16xi1>
    %reduce_sum3A_478 = tpu.scan <sum>, %select_n3A_475 masked %reduce_sum3A_477 : vector<16xi32>, vector<16xi1> -> vector<16xi32>
    %reduce_sum3A_479 = vector.extract %reduce_sum3A_478[15] : i32 from vector<16xi32>
    %and3A_480 = arith.constant 7 : i32
    %and3A_481 = arith.andi %reduce_sum3A_470, %and3A_480 : i32
    %mul3A_482 = arith.constant 4096 : i32
    %mul3A_483 = arith.muli %add3A, %mul3A_482 : i32
    %add3A_484 = arith.addi %mul3A_483, %reduce_sum3A_470 : i32
    %sub3A_485 = arith.subi %add3A_484, %and3A_481 : i32
    %multiple_of3A_486 = tpu.assume_multiple %sub3A_485, 8 : i32
    %dma_start3A_487 = arith.constant 7 : i32
    %dma_start3A_488 = arith.constant 0 : i32
    %dma_start3A_489 = arith.constant 0 : i32
    %dma_start3A_490 = tpu.memref_slice %arg8[%dma_start3A_487, %dma_start3A_488, %dma_start3A_489] : memref<20x8x130xf32, #tpu.memory_space<vmem>> -> memref<1x8x130xf32, #tpu.memory_space<vmem>>
    %dma_start3A_491 = tpu.memref_squeeze %dma_start3A_490 : memref<1x8x130xf32, #tpu.memory_space<vmem>> -> memref<8x130xf32, #tpu.memory_space<vmem>>
    %dma_start3A_492 = arith.constant 0 : i32
    %dma_start3A_493 = tpu.memref_slice %arg2[%multiple_of3A_486, %dma_start3A_492] : memref<131072x130xf32, #tpu.memory_space<hbm>> -> memref<8x130xf32, #tpu.memory_space<hbm>>
    %dma_start3A_494 = arith.constant 0 : i32
    %dma_start3A_495 = arith.constant 0 : i32
    %dma_start3A_496 = tpu.memref_slice %arg8[%dma_start3A_487, %dma_start3A_494, %dma_start3A_495] : memref<20x8x130xf32, #tpu.memory_space<vmem>> -> memref<1x8x130xf32, #tpu.memory_space<vmem>>
    %dma_start3A_497 = tpu.memref_squeeze %dma_start3A_496 : memref<1x8x130xf32, #tpu.memory_space<vmem>> -> memref<8x130xf32, #tpu.memory_space<vmem>>
    %dma_start3A_498 = arith.constant 0 : i32
    %dma_start3A_499 = tpu.memref_slice %arg2[%multiple_of3A_486, %dma_start3A_498] : memref<131072x130xf32, #tpu.memory_space<hbm>> -> memref<8x130xf32, #tpu.memory_space<hbm>>
    tpu.enqueue_dma source(%dma_start3A_499 : memref<8x130xf32, #tpu.memory_space<hbm>>) target(%dma_start3A_497 : memref<8x130xf32, #tpu.memory_space<vmem>>) target_semaphore(%arg10 : memref<!tpu.dma_semaphore, #tpu.memory_space<semaphore_mem>>)
    %eq3A_500 = arith.constant 8 : i32
    %eq3A_501 = vector.broadcast %eq3A_500 : i32 to vector<16xi32>
    %eq3A_502 = arith.cmpi eq, %iota3A, %eq3A_501 : vector<16xi32>
    %get3A_503 = arith.constant 0 : index
    %get3A_504 = tpu.vector_load %arg6[%get3A_503] {strides = array<i32>} : memref<32xi32, #tpu.memory_space<vmem>>, vector<16xi32>,
    %jit3A_505 = arith.constant 0 : i32
    %broadcast_in_dim3A_506 = vector.broadcast %jit3A_505 : i32 to vector<16xi32>
    %select_n3A_507 = arith.select %eq3A_502, %get3A_504, %broadcast_in_dim3A_506 : vector<16xi1>, vector<16xi32>
    %reduce_sum3A_508 = arith.constant true
    %reduce_sum3A_509 = vector.broadcast %reduce_sum3A_508 : i1 to vector<16xi1>
    %reduce_sum3A_510 = tpu.scan <sum>, %select_n3A_507 masked %reduce_sum3A_509 : vector<16xi32>, vector<16xi1> -> vector<16xi32>
    %reduce_sum3A_511 = vector.extract %reduce_sum3A_510[15] : i32 from vector<16xi32>
    %get3A_512 = arith.constant 0 : index
    %get3A_513 = tpu.vector_load %arg7[%get3A_512] {strides = array<i32>} : memref<32xi32, #tpu.memory_space<vmem>>, vector<16xi32>,
    %jit3A_514 = arith.constant 0 : i32
    %broadcast_in_dim3A_515 = vector.broadcast %jit3A_514 : i32 to vector<16xi32>
    %select_n3A_516 = arith.select %eq3A_502, %get3A_513, %broadcast_in_dim3A_515 : vector<16xi1>, vector<16xi32>
    %reduce_sum3A_517 = arith.constant true
    %reduce_sum3A_518 = vector.broadcast %reduce_sum3A_517 : i1 to vector<16xi1>
    %reduce_sum3A_519 = tpu.scan <sum>, %select_n3A_516 masked %reduce_sum3A_518 : vector<16xi32>, vector<16xi1> -> vector<16xi32>
    %reduce_sum3A_520 = vector.extract %reduce_sum3A_519[15] : i32 from vector<16xi32>
    %and3A_521 = arith.constant 7 : i32
    %and3A_522 = arith.andi %reduce_sum3A_511, %and3A_521 : i32
    %mul3A_523 = arith.constant 4096 : i32
    %mul3A_524 = arith.muli %add3A, %mul3A_523 : i32
    %add3A_525 = arith.addi %mul3A_524, %reduce_sum3A_511 : i32
    %sub3A_526 = arith.subi %add3A_525, %and3A_522 : i32
    %multiple_of3A_527 = tpu.assume_multiple %sub3A_526, 8 : i32
    %dma_start3A_528 = arith.constant 8 : i32
    %dma_start3A_529 = arith.constant 0 : i32
    %dma_start3A_530 = arith.constant 0 : i32
    %dma_start3A_531 = tpu.memref_slice %arg8[%dma_start3A_528, %dma_start3A_529, %dma_start3A_530] : memref<20x8x130xf32, #tpu.memory_space<vmem>> -> memref<1x8x130xf32, #tpu.memory_space<vmem>>
    %dma_start3A_532 = tpu.memref_squeeze %dma_start3A_531 : memref<1x8x130xf32, #tpu.memory_space<vmem>> -> memref<8x130xf32, #tpu.memory_space<vmem>>
    %dma_start3A_533 = arith.constant 0 : i32
    %dma_start3A_534 = tpu.memref_slice %arg2[%multiple_of3A_527, %dma_start3A_533] : memref<131072x130xf32, #tpu.memory_space<hbm>> -> memref<8x130xf32, #tpu.memory_space<hbm>>
    %dma_start3A_535 = arith.constant 0 : i32
    %dma_start3A_536 = arith.constant 0 : i32
    %dma_start3A_537 = tpu.memref_slice %arg8[%dma_start3A_528, %dma_start3A_535, %dma_start3A_536] : memref<20x8x130xf32, #tpu.memory_space<vmem>> -> memref<1x8x130xf32, #tpu.memory_space<vmem>>
    %dma_start3A_538 = tpu.memref_squeeze %dma_start3A_537 : memref<1x8x130xf32, #tpu.memory_space<vmem>> -> memref<8x130xf32, #tpu.memory_space<vmem>>
    %dma_start3A_539 = arith.constant 0 : i32
    %dma_start3A_540 = tpu.memref_slice %arg2[%multiple_of3A_527, %dma_start3A_539] : memref<131072x130xf32, #tpu.memory_space<hbm>> -> memref<8x130xf32, #tpu.memory_space<hbm>>
    tpu.enqueue_dma source(%dma_start3A_540 : memref<8x130xf32, #tpu.memory_space<hbm>>) target(%dma_start3A_538 : memref<8x130xf32, #tpu.memory_space<vmem>>) target_semaphore(%arg10 : memref<!tpu.dma_semaphore, #tpu.memory_space<semaphore_mem>>)
    %eq3A_541 = arith.constant 9 : i32
    %eq3A_542 = vector.broadcast %eq3A_541 : i32 to vector<16xi32>
    %eq3A_543 = arith.cmpi eq, %iota3A, %eq3A_542 : vector<16xi32>
    %get3A_544 = arith.constant 0 : index
    %get3A_545 = tpu.vector_load %arg6[%get3A_544] {strides = array<i32>} : memref<32xi32, #tpu.memory_space<vmem>>, vector<16xi32>,
    %jit3A_546 = arith.constant 0 : i32
    %broadcast_in_dim3A_547 = vector.broadcast %jit3A_546 : i32 to vector<16xi32>
    %select_n3A_548 = arith.select %eq3A_543, %get3A_545, %broadcast_in_dim3A_547 : vector<16xi1>, vector<16xi32>
    %reduce_sum3A_549 = arith.constant true
    %reduce_sum3A_550 = vector.broadcast %reduce_sum3A_549 : i1 to vector<16xi1>
    %reduce_sum3A_551 = tpu.scan <sum>, %select_n3A_548 masked %reduce_sum3A_550 : vector<16xi32>, vector<16xi1> -> vector<16xi32>
    %reduce_sum3A_552 = vector.extract %reduce_sum3A_551[15] : i32 from vector<16xi32>
    %get3A_553 = arith.constant 0 : index
    %get3A_554 = tpu.vector_load %arg7[%get3A_553] {strides = array<i32>} : memref<32xi32, #tpu.memory_space<vmem>>, vector<16xi32>,
    %jit3A_555 = arith.constant 0 : i32
    %broadcast_in_dim3A_556 = vector.broadcast %jit3A_555 : i32 to vector<16xi32>
    %select_n3A_557 = arith.select %eq3A_543, %get3A_554, %broadcast_in_dim3A_556 : vector<16xi1>, vector<16xi32>
    %reduce_sum3A_558 = arith.constant true
    %reduce_sum3A_559 = vector.broadcast %reduce_sum3A_558 : i1 to vector<16xi1>
    %reduce_sum3A_560 = tpu.scan <sum>, %select_n3A_557 masked %reduce_sum3A_559 : vector<16xi32>, vector<16xi1> -> vector<16xi32>
    %reduce_sum3A_561 = vector.extract %reduce_sum3A_560[15] : i32 from vector<16xi32>
    %and3A_562 = arith.constant 7 : i32
    %and3A_563 = arith.andi %reduce_sum3A_552, %and3A_562 : i32
    %mul3A_564 = arith.constant 4096 : i32
    %mul3A_565 = arith.muli %add3A, %mul3A_564 : i32
    %add3A_566 = arith.addi %mul3A_565, %reduce_sum3A_552 : i32
    %sub3A_567 = arith.subi %add3A_566, %and3A_563 : i32
    %multiple_of3A_568 = tpu.assume_multiple %sub3A_567, 8 : i32
    %dma_start3A_569 = arith.constant 9 : i32
    %dma_start3A_570 = arith.constant 0 : i32
    %dma_start3A_571 = arith.constant 0 : i32
    %dma_start3A_572 = tpu.memref_slice %arg8[%dma_start3A_569, %dma_start3A_570, %dma_start3A_571] : memref<20x8x130xf32, #tpu.memory_space<vmem>> -> memref<1x8x130xf32, #tpu.memory_space<vmem>>
    %dma_start3A_573 = tpu.memref_squeeze %dma_start3A_572 : memref<1x8x130xf32, #tpu.memory_space<vmem>> -> memref<8x130xf32, #tpu.memory_space<vmem>>
    %dma_start3A_574 = arith.constant 0 : i32
    %dma_start3A_575 = tpu.memref_slice %arg2[%multiple_of3A_568, %dma_start3A_574] : memref<131072x130xf32, #tpu.memory_space<hbm>> -> memref<8x130xf32, #tpu.memory_space<hbm>>
    %dma_start3A_576 = arith.constant 0 : i32
    %dma_start3A_577 = arith.constant 0 : i32
    %dma_start3A_578 = tpu.memref_slice %arg8[%dma_start3A_569, %dma_start3A_576, %dma_start3A_577] : memref<20x8x130xf32, #tpu.memory_space<vmem>> -> memref<1x8x130xf32, #tpu.memory_space<vmem>>
    %dma_start3A_579 = tpu.memref_squeeze %dma_start3A_578 : memref<1x8x130xf32, #tpu.memory_space<vmem>> -> memref<8x130xf32, #tpu.memory_space<vmem>>
    %dma_start3A_580 = arith.constant 0 : i32
    %dma_start3A_581 = tpu.memref_slice %arg2[%multiple_of3A_568, %dma_start3A_580] : memref<131072x130xf32, #tpu.memory_space<hbm>> -> memref<8x130xf32, #tpu.memory_space<hbm>>
    tpu.enqueue_dma source(%dma_start3A_581 : memref<8x130xf32, #tpu.memory_space<hbm>>) target(%dma_start3A_579 : memref<8x130xf32, #tpu.memory_space<vmem>>) target_semaphore(%arg10 : memref<!tpu.dma_semaphore, #tpu.memory_space<semaphore_mem>>)
    %eq3A_582 = arith.constant 10 : i32
    %eq3A_583 = vector.broadcast %eq3A_582 : i32 to vector<16xi32>
    %eq3A_584 = arith.cmpi eq, %iota3A, %eq3A_583 : vector<16xi32>
    %get3A_585 = arith.constant 0 : index
    %get3A_586 = tpu.vector_load %arg6[%get3A_585] {strides = array<i32>} : memref<32xi32, #tpu.memory_space<vmem>>, vector<16xi32>,
    %jit3A_587 = arith.constant 0 : i32
    %broadcast_in_dim3A_588 = vector.broadcast %jit3A_587 : i32 to vector<16xi32>
    %select_n3A_589 = arith.select %eq3A_584, %get3A_586, %broadcast_in_dim3A_588 : vector<16xi1>, vector<16xi32>
    %reduce_sum3A_590 = arith.constant true
    %reduce_sum3A_591 = vector.broadcast %reduce_sum3A_590 : i1 to vector<16xi1>
    %reduce_sum3A_592 = tpu.scan <sum>, %select_n3A_589 masked %reduce_sum3A_591 : vector<16xi32>, vector<16xi1> -> vector<16xi32>
    %reduce_sum3A_593 = vector.extract %reduce_sum3A_592[15] : i32 from vector<16xi32>
    %get3A_594 = arith.constant 0 : index
    %get3A_595 = tpu.vector_load %arg7[%get3A_594] {strides = array<i32>} : memref<32xi32, #tpu.memory_space<vmem>>, vector<16xi32>,
    %jit3A_596 = arith.constant 0 : i32
    %broadcast_in_dim3A_597 = vector.broadcast %jit3A_596 : i32 to vector<16xi32>
    %select_n3A_598 = arith.select %eq3A_584, %get3A_595, %broadcast_in_dim3A_597 : vector<16xi1>, vector<16xi32>
    %reduce_sum3A_599 = arith.constant true
    %reduce_sum3A_600 = vector.broadcast %reduce_sum3A_599 : i1 to vector<16xi1>
    %reduce_sum3A_601 = tpu.scan <sum>, %select_n3A_598 masked %reduce_sum3A_600 : vector<16xi32>, vector<16xi1> -> vector<16xi32>
    %reduce_sum3A_602 = vector.extract %reduce_sum3A_601[15] : i32 from vector<16xi32>
    %and3A_603 = arith.constant 7 : i32
    %and3A_604 = arith.andi %reduce_sum3A_593, %and3A_603 : i32
    %mul3A_605 = arith.constant 4096 : i32
    %mul3A_606 = arith.muli %add3A, %mul3A_605 : i32
    %add3A_607 = arith.addi %mul3A_606, %reduce_sum3A_593 : i32
    %sub3A_608 = arith.subi %add3A_607, %and3A_604 : i32
    %multiple_of3A_609 = tpu.assume_multiple %sub3A_608, 8 : i32
    %dma_start3A_610 = arith.constant 10 : i32
    %dma_start3A_611 = arith.constant 0 : i32
    %dma_start3A_612 = arith.constant 0 : i32
    %dma_start3A_613 = tpu.memref_slice %arg8[%dma_start3A_610, %dma_start3A_611, %dma_start3A_612] : memref<20x8x130xf32, #tpu.memory_space<vmem>> -> memref<1x8x130xf32, #tpu.memory_space<vmem>>
    %dma_start3A_614 = tpu.memref_squeeze %dma_start3A_613 : memref<1x8x130xf32, #tpu.memory_space<vmem>> -> memref<8x130xf32, #tpu.memory_space<vmem>>
    %dma_start3A_615 = arith.constant 0 : i32
    %dma_start3A_616 = tpu.memref_slice %arg2[%multiple_of3A_609, %dma_start3A_615] : memref<131072x130xf32, #tpu.memory_space<hbm>> -> memref<8x130xf32, #tpu.memory_space<hbm>>
    %dma_start3A_617 = arith.constant 0 : i32
    %dma_start3A_618 = arith.constant 0 : i32
    %dma_start3A_619 = tpu.memref_slice %arg8[%dma_start3A_610, %dma_start3A_617, %dma_start3A_618] : memref<20x8x130xf32, #tpu.memory_space<vmem>> -> memref<1x8x130xf32, #tpu.memory_space<vmem>>
    %dma_start3A_620 = tpu.memref_squeeze %dma_start3A_619 : memref<1x8x130xf32, #tpu.memory_space<vmem>> -> memref<8x130xf32, #tpu.memory_space<vmem>>
    %dma_start3A_621 = arith.constant 0 : i32
    %dma_start3A_622 = tpu.memref_slice %arg2[%multiple_of3A_609, %dma_start3A_621] : memref<131072x130xf32, #tpu.memory_space<hbm>> -> memref<8x130xf32, #tpu.memory_space<hbm>>
    tpu.enqueue_dma source(%dma_start3A_622 : memref<8x130xf32, #tpu.memory_space<hbm>>) target(%dma_start3A_620 : memref<8x130xf32, #tpu.memory_space<vmem>>) target_semaphore(%arg10 : memref<!tpu.dma_semaphore, #tpu.memory_space<semaphore_mem>>)
    %eq3A_623 = arith.constant 11 : i32
    %eq3A_624 = vector.broadcast %eq3A_623 : i32 to vector<16xi32>
    %eq3A_625 = arith.cmpi eq, %iota3A, %eq3A_624 : vector<16xi32>
    %get3A_626 = arith.constant 0 : index
    %get3A_627 = tpu.vector_load %arg6[%get3A_626] {strides = array<i32>} : memref<32xi32, #tpu.memory_space<vmem>>, vector<16xi32>,
    %jit3A_628 = arith.constant 0 : i32
    %broadcast_in_dim3A_629 = vector.broadcast %jit3A_628 : i32 to vector<16xi32>
    %select_n3A_630 = arith.select %eq3A_625, %get3A_627, %broadcast_in_dim3A_629 : vector<16xi1>, vector<16xi32>
    %reduce_sum3A_631 = arith.constant true
    %reduce_sum3A_632 = vector.broadcast %reduce_sum3A_631 : i1 to vector<16xi1>
    %reduce_sum3A_633 = tpu.scan <sum>, %select_n3A_630 masked %reduce_sum3A_632 : vector<16xi32>, vector<16xi1> -> vector<16xi32>
    %reduce_sum3A_634 = vector.extract %reduce_sum3A_633[15] : i32 from vector<16xi32>
    %get3A_635 = arith.constant 0 : index
    %get3A_636 = tpu.vector_load %arg7[%get3A_635] {strides = array<i32>} : memref<32xi32, #tpu.memory_space<vmem>>, vector<16xi32>,
    %jit3A_637 = arith.constant 0 : i32
    %broadcast_in_dim3A_638 = vector.broadcast %jit3A_637 : i32 to vector<16xi32>
    %select_n3A_639 = arith.select %eq3A_625, %get3A_636, %broadcast_in_dim3A_638 : vector<16xi1>, vector<16xi32>
    %reduce_sum3A_640 = arith.constant true
    %reduce_sum3A_641 = vector.broadcast %reduce_sum3A_640 : i1 to vector<16xi1>
    %reduce_sum3A_642 = tpu.scan <sum>, %select_n3A_639 masked %reduce_sum3A_641 : vector<16xi32>, vector<16xi1> -> vector<16xi32>
    %reduce_sum3A_643 = vector.extract %reduce_sum3A_642[15] : i32 from vector<16xi32>
    %and3A_644 = arith.constant 7 : i32
    %and3A_645 = arith.andi %reduce_sum3A_634, %and3A_644 : i32
    %mul3A_646 = arith.constant 4096 : i32
    %mul3A_647 = arith.muli %add3A, %mul3A_646 : i32
    %add3A_648 = arith.addi %mul3A_647, %reduce_sum3A_634 : i32
    %sub3A_649 = arith.subi %add3A_648, %and3A_645 : i32
    %multiple_of3A_650 = tpu.assume_multiple %sub3A_649, 8 : i32
    %dma_start3A_651 = arith.constant 11 : i32
    %dma_start3A_652 = arith.constant 0 : i32
    %dma_start3A_653 = arith.constant 0 : i32
    %dma_start3A_654 = tpu.memref_slice %arg8[%dma_start3A_651, %dma_start3A_652, %dma_start3A_653] : memref<20x8x130xf32, #tpu.memory_space<vmem>> -> memref<1x8x130xf32, #tpu.memory_space<vmem>>
    %dma_start3A_655 = tpu.memref_squeeze %dma_start3A_654 : memref<1x8x130xf32, #tpu.memory_space<vmem>> -> memref<8x130xf32, #tpu.memory_space<vmem>>
    %dma_start3A_656 = arith.constant 0 : i32
    %dma_start3A_657 = tpu.memref_slice %arg2[%multiple_of3A_650, %dma_start3A_656] : memref<131072x130xf32, #tpu.memory_space<hbm>> -> memref<8x130xf32, #tpu.memory_space<hbm>>
    %dma_start3A_658 = arith.constant 0 : i32
    %dma_start3A_659 = arith.constant 0 : i32
    %dma_start3A_660 = tpu.memref_slice %arg8[%dma_start3A_651, %dma_start3A_658, %dma_start3A_659] : memref<20x8x130xf32, #tpu.memory_space<vmem>> -> memref<1x8x130xf32, #tpu.memory_space<vmem>>
    %dma_start3A_661 = tpu.memref_squeeze %dma_start3A_660 : memref<1x8x130xf32, #tpu.memory_space<vmem>> -> memref<8x130xf32, #tpu.memory_space<vmem>>
    %dma_start3A_662 = arith.constant 0 : i32
    %dma_start3A_663 = tpu.memref_slice %arg2[%multiple_of3A_650, %dma_start3A_662] : memref<131072x130xf32, #tpu.memory_space<hbm>> -> memref<8x130xf32, #tpu.memory_space<hbm>>
    tpu.enqueue_dma source(%dma_start3A_663 : memref<8x130xf32, #tpu.memory_space<hbm>>) target(%dma_start3A_661 : memref<8x130xf32, #tpu.memory_space<vmem>>) target_semaphore(%arg10 : memref<!tpu.dma_semaphore, #tpu.memory_space<semaphore_mem>>)
    %eq3A_664 = arith.constant 12 : i32
    %eq3A_665 = vector.broadcast %eq3A_664 : i32 to vector<16xi32>
    %eq3A_666 = arith.cmpi eq, %iota3A, %eq3A_665 : vector<16xi32>
    %get3A_667 = arith.constant 0 : index
    %get3A_668 = tpu.vector_load %arg6[%get3A_667] {strides = array<i32>} : memref<32xi32, #tpu.memory_space<vmem>>, vector<16xi32>,
    %jit3A_669 = arith.constant 0 : i32
    %broadcast_in_dim3A_670 = vector.broadcast %jit3A_669 : i32 to vector<16xi32>
    %select_n3A_671 = arith.select %eq3A_666, %get3A_668, %broadcast_in_dim3A_670 : vector<16xi1>, vector<16xi32>
    %reduce_sum3A_672 = arith.constant true
    %reduce_sum3A_673 = vector.broadcast %reduce_sum3A_672 : i1 to vector<16xi1>
    %reduce_sum3A_674 = tpu.scan <sum>, %select_n3A_671 masked %reduce_sum3A_673 : vector<16xi32>, vector<16xi1> -> vector<16xi32>
    %reduce_sum3A_675 = vector.extract %reduce_sum3A_674[15] : i32 from vector<16xi32>
    %get3A_676 = arith.constant 0 : index
    %get3A_677 = tpu.vector_load %arg7[%get3A_676] {strides = array<i32>} : memref<32xi32, #tpu.memory_space<vmem>>, vector<16xi32>,
    %jit3A_678 = arith.constant 0 : i32
    %broadcast_in_dim3A_679 = vector.broadcast %jit3A_678 : i32 to vector<16xi32>
    %select_n3A_680 = arith.select %eq3A_666, %get3A_677, %broadcast_in_dim3A_679 : vector<16xi1>, vector<16xi32>
    %reduce_sum3A_681 = arith.constant true
    %reduce_sum3A_682 = vector.broadcast %reduce_sum3A_681 : i1 to vector<16xi1>
    %reduce_sum3A_683 = tpu.scan <sum>, %select_n3A_680 masked %reduce_sum3A_682 : vector<16xi32>, vector<16xi1> -> vector<16xi32>
    %reduce_sum3A_684 = vector.extract %reduce_sum3A_683[15] : i32 from vector<16xi32>
    %and3A_685 = arith.constant 7 : i32
    %and3A_686 = arith.andi %reduce_sum3A_675, %and3A_685 : i32
    %mul3A_687 = arith.constant 4096 : i32
    %mul3A_688 = arith.muli %add3A, %mul3A_687 : i32
    %add3A_689 = arith.addi %mul3A_688, %reduce_sum3A_675 : i32
    %sub3A_690 = arith.subi %add3A_689, %and3A_686 : i32
    %multiple_of3A_691 = tpu.assume_multiple %sub3A_690, 8 : i32
    %dma_start3A_692 = arith.constant 12 : i32
    %dma_start3A_693 = arith.constant 0 : i32
    %dma_start3A_694 = arith.constant 0 : i32
    %dma_start3A_695 = tpu.memref_slice %arg8[%dma_start3A_692, %dma_start3A_693, %dma_start3A_694] : memref<20x8x130xf32, #tpu.memory_space<vmem>> -> memref<1x8x130xf32, #tpu.memory_space<vmem>>
    %dma_start3A_696 = tpu.memref_squeeze %dma_start3A_695 : memref<1x8x130xf32, #tpu.memory_space<vmem>> -> memref<8x130xf32, #tpu.memory_space<vmem>>
    %dma_start3A_697 = arith.constant 0 : i32
    %dma_start3A_698 = tpu.memref_slice %arg2[%multiple_of3A_691, %dma_start3A_697] : memref<131072x130xf32, #tpu.memory_space<hbm>> -> memref<8x130xf32, #tpu.memory_space<hbm>>
    %dma_start3A_699 = arith.constant 0 : i32
    %dma_start3A_700 = arith.constant 0 : i32
    %dma_start3A_701 = tpu.memref_slice %arg8[%dma_start3A_692, %dma_start3A_699, %dma_start3A_700] : memref<20x8x130xf32, #tpu.memory_space<vmem>> -> memref<1x8x130xf32, #tpu.memory_space<vmem>>
    %dma_start3A_702 = tpu.memref_squeeze %dma_start3A_701 : memref<1x8x130xf32, #tpu.memory_space<vmem>> -> memref<8x130xf32, #tpu.memory_space<vmem>>
    %dma_start3A_703 = arith.constant 0 : i32
    %dma_start3A_704 = tpu.memref_slice %arg2[%multiple_of3A_691, %dma_start3A_703] : memref<131072x130xf32, #tpu.memory_space<hbm>> -> memref<8x130xf32, #tpu.memory_space<hbm>>
    tpu.enqueue_dma source(%dma_start3A_704 : memref<8x130xf32, #tpu.memory_space<hbm>>) target(%dma_start3A_702 : memref<8x130xf32, #tpu.memory_space<vmem>>) target_semaphore(%arg10 : memref<!tpu.dma_semaphore, #tpu.memory_space<semaphore_mem>>)
    %eq3A_705 = arith.constant 13 : i32
    %eq3A_706 = vector.broadcast %eq3A_705 : i32 to vector<16xi32>
    %eq3A_707 = arith.cmpi eq, %iota3A, %eq3A_706 : vector<16xi32>
    %get3A_708 = arith.constant 0 : index
    %get3A_709 = tpu.vector_load %arg6[%get3A_708] {strides = array<i32>} : memref<32xi32, #tpu.memory_space<vmem>>, vector<16xi32>,
    %jit3A_710 = arith.constant 0 : i32
    %broadcast_in_dim3A_711 = vector.broadcast %jit3A_710 : i32 to vector<16xi32>
    %select_n3A_712 = arith.select %eq3A_707, %get3A_709, %broadcast_in_dim3A_711 : vector<16xi1>, vector<16xi32>
    %reduce_sum3A_713 = arith.constant true
    %reduce_sum3A_714 = vector.broadcast %reduce_sum3A_713 : i1 to vector<16xi1>
    %reduce_sum3A_715 = tpu.scan <sum>, %select_n3A_712 masked %reduce_sum3A_714 : vector<16xi32>, vector<16xi1> -> vector<16xi32>
    %reduce_sum3A_716 = vector.extract %reduce_sum3A_715[15] : i32 from vector<16xi32>
    %get3A_717 = arith.constant 0 : index
    %get3A_718 = tpu.vector_load %arg7[%get3A_717] {strides = array<i32>} : memref<32xi32, #tpu.memory_space<vmem>>, vector<16xi32>,
    %jit3A_719 = arith.constant 0 : i32
    %broadcast_in_dim3A_720 = vector.broadcast %jit3A_719 : i32 to vector<16xi32>
    %select_n3A_721 = arith.select %eq3A_707, %get3A_718, %broadcast_in_dim3A_720 : vector<16xi1>, vector<16xi32>
    %reduce_sum3A_722 = arith.constant true
    %reduce_sum3A_723 = vector.broadcast %reduce_sum3A_722 : i1 to vector<16xi1>
    %reduce_sum3A_724 = tpu.scan <sum>, %select_n3A_721 masked %reduce_sum3A_723 : vector<16xi32>, vector<16xi1> -> vector<16xi32>
    %reduce_sum3A_725 = vector.extract %reduce_sum3A_724[15] : i32 from vector<16xi32>
    %and3A_726 = arith.constant 7 : i32
    %and3A_727 = arith.andi %reduce_sum3A_716, %and3A_726 : i32
    %mul3A_728 = arith.constant 4096 : i32
    %mul3A_729 = arith.muli %add3A, %mul3A_728 : i32
    %add3A_730 = arith.addi %mul3A_729, %reduce_sum3A_716 : i32
    %sub3A_731 = arith.subi %add3A_730, %and3A_727 : i32
    %multiple_of3A_732 = tpu.assume_multiple %sub3A_731, 8 : i32
    %dma_start3A_733 = arith.constant 13 : i32
    %dma_start3A_734 = arith.constant 0 : i32
    %dma_start3A_735 = arith.constant 0 : i32
    %dma_start3A_736 = tpu.memref_slice %arg8[%dma_start3A_733, %dma_start3A_734, %dma_start3A_735] : memref<20x8x130xf32, #tpu.memory_space<vmem>> -> memref<1x8x130xf32, #tpu.memory_space<vmem>>
    %dma_start3A_737 = tpu.memref_squeeze %dma_start3A_736 : memref<1x8x130xf32, #tpu.memory_space<vmem>> -> memref<8x130xf32, #tpu.memory_space<vmem>>
    %dma_start3A_738 = arith.constant 0 : i32
    %dma_start3A_739 = tpu.memref_slice %arg2[%multiple_of3A_732, %dma_start3A_738] : memref<131072x130xf32, #tpu.memory_space<hbm>> -> memref<8x130xf32, #tpu.memory_space<hbm>>
    %dma_start3A_740 = arith.constant 0 : i32
    %dma_start3A_741 = arith.constant 0 : i32
    %dma_start3A_742 = tpu.memref_slice %arg8[%dma_start3A_733, %dma_start3A_740, %dma_start3A_741] : memref<20x8x130xf32, #tpu.memory_space<vmem>> -> memref<1x8x130xf32, #tpu.memory_space<vmem>>
    %dma_start3A_743 = tpu.memref_squeeze %dma_start3A_742 : memref<1x8x130xf32, #tpu.memory_space<vmem>> -> memref<8x130xf32, #tpu.memory_space<vmem>>
    %dma_start3A_744 = arith.constant 0 : i32
    %dma_start3A_745 = tpu.memref_slice %arg2[%multiple_of3A_732, %dma_start3A_744] : memref<131072x130xf32, #tpu.memory_space<hbm>> -> memref<8x130xf32, #tpu.memory_space<hbm>>
    tpu.enqueue_dma source(%dma_start3A_745 : memref<8x130xf32, #tpu.memory_space<hbm>>) target(%dma_start3A_743 : memref<8x130xf32, #tpu.memory_space<vmem>>) target_semaphore(%arg10 : memref<!tpu.dma_semaphore, #tpu.memory_space<semaphore_mem>>)
    %eq3A_746 = arith.constant 14 : i32
    %eq3A_747 = vector.broadcast %eq3A_746 : i32 to vector<16xi32>
    %eq3A_748 = arith.cmpi eq, %iota3A, %eq3A_747 : vector<16xi32>
    %get3A_749 = arith.constant 0 : index
    %get3A_750 = tpu.vector_load %arg6[%get3A_749] {strides = array<i32>} : memref<32xi32, #tpu.memory_space<vmem>>, vector<16xi32>,
    %jit3A_751 = arith.constant 0 : i32
    %broadcast_in_dim3A_752 = vector.broadcast %jit3A_751 : i32 to vector<16xi32>
    %select_n3A_753 = arith.select %eq3A_748, %get3A_750, %broadcast_in_dim3A_752 : vector<16xi1>, vector<16xi32>
    %reduce_sum3A_754 = arith.constant true
    %reduce_sum3A_755 = vector.broadcast %reduce_sum3A_754 : i1 to vector<16xi1>
    %reduce_sum3A_756 = tpu.scan <sum>, %select_n3A_753 masked %reduce_sum3A_755 : vector<16xi32>, vector<16xi1> -> vector<16xi32>
    %reduce_sum3A_757 = vector.extract %reduce_sum3A_756[15] : i32 from vector<16xi32>
    %get3A_758 = arith.constant 0 : index
    %get3A_759 = tpu.vector_load %arg7[%get3A_758] {strides = array<i32>} : memref<32xi32, #tpu.memory_space<vmem>>, vector<16xi32>,
    %jit3A_760 = arith.constant 0 : i32
    %broadcast_in_dim3A_761 = vector.broadcast %jit3A_760 : i32 to vector<16xi32>
    %select_n3A_762 = arith.select %eq3A_748, %get3A_759, %broadcast_in_dim3A_761 : vector<16xi1>, vector<16xi32>
    %reduce_sum3A_763 = arith.constant true
    %reduce_sum3A_764 = vector.broadcast %reduce_sum3A_763 : i1 to vector<16xi1>
    %reduce_sum3A_765 = tpu.scan <sum>, %select_n3A_762 masked %reduce_sum3A_764 : vector<16xi32>, vector<16xi1> -> vector<16xi32>
    %reduce_sum3A_766 = vector.extract %reduce_sum3A_765[15] : i32 from vector<16xi32>
    %and3A_767 = arith.constant 7 : i32
    %and3A_768 = arith.andi %reduce_sum3A_757, %and3A_767 : i32
    %mul3A_769 = arith.constant 4096 : i32
    %mul3A_770 = arith.muli %add3A, %mul3A_769 : i32
    %add3A_771 = arith.addi %mul3A_770, %reduce_sum3A_757 : i32
    %sub3A_772 = arith.subi %add3A_771, %and3A_768 : i32
    %multiple_of3A_773 = tpu.assume_multiple %sub3A_772, 8 : i32
    %dma_start3A_774 = arith.constant 14 : i32
    %dma_start3A_775 = arith.constant 0 : i32
    %dma_start3A_776 = arith.constant 0 : i32
    %dma_start3A_777 = tpu.memref_slice %arg8[%dma_start3A_774, %dma_start3A_775, %dma_start3A_776] : memref<20x8x130xf32, #tpu.memory_space<vmem>> -> memref<1x8x130xf32, #tpu.memory_space<vmem>>
    %dma_start3A_778 = tpu.memref_squeeze %dma_start3A_777 : memref<1x8x130xf32, #tpu.memory_space<vmem>> -> memref<8x130xf32, #tpu.memory_space<vmem>>
    %dma_start3A_779 = arith.constant 0 : i32
    %dma_start3A_780 = tpu.memref_slice %arg2[%multiple_of3A_773, %dma_start3A_779] : memref<131072x130xf32, #tpu.memory_space<hbm>> -> memref<8x130xf32, #tpu.memory_space<hbm>>
    %dma_start3A_781 = arith.constant 0 : i32
    %dma_start3A_782 = arith.constant 0 : i32
    %dma_start3A_783 = tpu.memref_slice %arg8[%dma_start3A_774, %dma_start3A_781, %dma_start3A_782] : memref<20x8x130xf32, #tpu.memory_space<vmem>> -> memref<1x8x130xf32, #tpu.memory_space<vmem>>
    %dma_start3A_784 = tpu.memref_squeeze %dma_start3A_783 : memref<1x8x130xf32, #tpu.memory_space<vmem>> -> memref<8x130xf32, #tpu.memory_space<vmem>>
    %dma_start3A_785 = arith.constant 0 : i32
    %dma_start3A_786 = tpu.memref_slice %arg2[%multiple_of3A_773, %dma_start3A_785] : memref<131072x130xf32, #tpu.memory_space<hbm>> -> memref<8x130xf32, #tpu.memory_space<hbm>>
    tpu.enqueue_dma source(%dma_start3A_786 : memref<8x130xf32, #tpu.memory_space<hbm>>) target(%dma_start3A_784 : memref<8x130xf32, #tpu.memory_space<vmem>>) target_semaphore(%arg10 : memref<!tpu.dma_semaphore, #tpu.memory_space<semaphore_mem>>)
    %eq3A_787 = arith.constant 15 : i32
    %eq3A_788 = vector.broadcast %eq3A_787 : i32 to vector<16xi32>
    %eq3A_789 = arith.cmpi eq, %iota3A, %eq3A_788 : vector<16xi32>
    %get3A_790 = arith.constant 0 : index
    %get3A_791 = tpu.vector_load %arg6[%get3A_790] {strides = array<i32>} : memref<32xi32, #tpu.memory_space<vmem>>, vector<16xi32>,
    %jit3A_792 = arith.constant 0 : i32
    %broadcast_in_dim3A_793 = vector.broadcast %jit3A_792 : i32 to vector<16xi32>
    %select_n3A_794 = arith.select %eq3A_789, %get3A_791, %broadcast_in_dim3A_793 : vector<16xi1>, vector<16xi32>
    %reduce_sum3A_795 = arith.constant true
    %reduce_sum3A_796 = vector.broadcast %reduce_sum3A_795 : i1 to vector<16xi1>
    %reduce_sum3A_797 = tpu.scan <sum>, %select_n3A_794 masked %reduce_sum3A_796 : vector<16xi32>, vector<16xi1> -> vector<16xi32>
    %reduce_sum3A_798 = vector.extract %reduce_sum3A_797[15] : i32 from vector<16xi32>
    %get3A_799 = arith.constant 0 : index
    %get3A_800 = tpu.vector_load %arg7[%get3A_799] {strides = array<i32>} : memref<32xi32, #tpu.memory_space<vmem>>, vector<16xi32>,
    %jit3A_801 = arith.constant 0 : i32
    %broadcast_in_dim3A_802 = vector.broadcast %jit3A_801 : i32 to vector<16xi32>
    %select_n3A_803 = arith.select %eq3A_789, %get3A_800, %broadcast_in_dim3A_802 : vector<16xi1>, vector<16xi32>
    %reduce_sum3A_804 = arith.constant true
    %reduce_sum3A_805 = vector.broadcast %reduce_sum3A_804 : i1 to vector<16xi1>
    %reduce_sum3A_806 = tpu.scan <sum>, %select_n3A_803 masked %reduce_sum3A_805 : vector<16xi32>, vector<16xi1> -> vector<16xi32>
    %reduce_sum3A_807 = vector.extract %reduce_sum3A_806[15] : i32 from vector<16xi32>
    %and3A_808 = arith.constant 7 : i32
    %and3A_809 = arith.andi %reduce_sum3A_798, %and3A_808 : i32
    %mul3A_810 = arith.constant 4096 : i32
    %mul3A_811 = arith.muli %add3A, %mul3A_810 : i32
    %add3A_812 = arith.addi %mul3A_811, %reduce_sum3A_798 : i32
    %sub3A_813 = arith.subi %add3A_812, %and3A_809 : i32
    %multiple_of3A_814 = tpu.assume_multiple %sub3A_813, 8 : i32
    %dma_start3A_815 = arith.constant 15 : i32
    %dma_start3A_816 = arith.constant 0 : i32
    %dma_start3A_817 = arith.constant 0 : i32
    %dma_start3A_818 = tpu.memref_slice %arg8[%dma_start3A_815, %dma_start3A_816, %dma_start3A_817] : memref<20x8x130xf32, #tpu.memory_space<vmem>> -> memref<1x8x130xf32, #tpu.memory_space<vmem>>
    %dma_start3A_819 = tpu.memref_squeeze %dma_start3A_818 : memref<1x8x130xf32, #tpu.memory_space<vmem>> -> memref<8x130xf32, #tpu.memory_space<vmem>>
    %dma_start3A_820 = arith.constant 0 : i32
    %dma_start3A_821 = tpu.memref_slice %arg2[%multiple_of3A_814, %dma_start3A_820] : memref<131072x130xf32, #tpu.memory_space<hbm>> -> memref<8x130xf32, #tpu.memory_space<hbm>>
    %dma_start3A_822 = arith.constant 0 : i32
    %dma_start3A_823 = arith.constant 0 : i32
    %dma_start3A_824 = tpu.memref_slice %arg8[%dma_start3A_815, %dma_start3A_822, %dma_start3A_823] : memref<20x8x130xf32, #tpu.memory_space<vmem>> -> memref<1x8x130xf32, #tpu.memory_space<vmem>>
    %dma_start3A_825 = tpu.memref_squeeze %dma_start3A_824 : memref<1x8x130xf32, #tpu.memory_space<vmem>> -> memref<8x130xf32, #tpu.memory_space<vmem>>
    %dma_start3A_826 = arith.constant 0 : i32
    %dma_start3A_827 = tpu.memref_slice %arg2[%multiple_of3A_814, %dma_start3A_826] : memref<131072x130xf32, #tpu.memory_space<hbm>> -> memref<8x130xf32, #tpu.memory_space<hbm>>
    tpu.enqueue_dma source(%dma_start3A_827 : memref<8x130xf32, #tpu.memory_space<hbm>>) target(%dma_start3A_825 : memref<8x130xf32, #tpu.memory_space<vmem>>) target_semaphore(%arg10 : memref<!tpu.dma_semaphore, #tpu.memory_space<semaphore_mem>>)
    %eq3A_828 = arith.constant 0 : i32
    %eq3A_829 = vector.broadcast %eq3A_828 : i32 to vector<16xi32>
    %eq3A_830 = arith.cmpi eq, %iota3A, %eq3A_829 : vector<16xi32>
    %get3A_831 = arith.constant 16 : index
    %get3A_832 = tpu.vector_load %arg6[%get3A_831] {strides = array<i32>} : memref<32xi32, #tpu.memory_space<vmem>>, vector<16xi32>,
    %jit3A_833 = arith.constant 0 : i32
    %broadcast_in_dim3A_834 = vector.broadcast %jit3A_833 : i32 to vector<16xi32>
    %select_n3A_835 = arith.select %eq3A_830, %get3A_832, %broadcast_in_dim3A_834 : vector<16xi1>, vector<16xi32>
    %reduce_sum3A_836 = arith.constant true
    %reduce_sum3A_837 = vector.broadcast %reduce_sum3A_836 : i1 to vector<16xi1>
    %reduce_sum3A_838 = tpu.scan <sum>, %select_n3A_835 masked %reduce_sum3A_837 : vector<16xi32>, vector<16xi1> -> vector<16xi32>
    %reduce_sum3A_839 = vector.extract %reduce_sum3A_838[15] : i32 from vector<16xi32>
    %get3A_840 = arith.constant 16 : index
    %get3A_841 = tpu.vector_load %arg7[%get3A_840] {strides = array<i32>} : memref<32xi32, #tpu.memory_space<vmem>>, vector<16xi32>,
    %jit3A_842 = arith.constant 0 : i32
    %broadcast_in_dim3A_843 = vector.broadcast %jit3A_842 : i32 to vector<16xi32>
    %select_n3A_844 = arith.select %eq3A_830, %get3A_841, %broadcast_in_dim3A_843 : vector<16xi1>, vector<16xi32>
    %reduce_sum3A_845 = arith.constant true
    %reduce_sum3A_846 = vector.broadcast %reduce_sum3A_845 : i1 to vector<16xi1>
    %reduce_sum3A_847 = tpu.scan <sum>, %select_n3A_844 masked %reduce_sum3A_846 : vector<16xi32>, vector<16xi1> -> vector<16xi32>
    %reduce_sum3A_848 = vector.extract %reduce_sum3A_847[15] : i32 from vector<16xi32>
    %and3A_849 = arith.constant 7 : i32
    %and3A_850 = arith.andi %reduce_sum3A_839, %and3A_849 : i32
    %mul3A_851 = arith.constant 4096 : i32
    %mul3A_852 = arith.muli %add3A, %mul3A_851 : i32
    %add3A_853 = arith.addi %mul3A_852, %reduce_sum3A_839 : i32
    %sub3A_854 = arith.subi %add3A_853, %and3A_850 : i32
    %multiple_of3A_855 = tpu.assume_multiple %sub3A_854, 8 : i32
    %dma_start3A_856 = arith.constant 16 : i32
    %dma_start3A_857 = arith.constant 0 : i32
    %dma_start3A_858 = arith.constant 0 : i32
    %dma_start3A_859 = tpu.memref_slice %arg8[%dma_start3A_856, %dma_start3A_857, %dma_start3A_858] : memref<20x8x130xf32, #tpu.memory_space<vmem>> -> memref<1x8x130xf32, #tpu.memory_space<vmem>>
    %dma_start3A_860 = tpu.memref_squeeze %dma_start3A_859 : memref<1x8x130xf32, #tpu.memory_space<vmem>> -> memref<8x130xf32, #tpu.memory_space<vmem>>
    %dma_start3A_861 = arith.constant 0 : i32
    %dma_start3A_862 = tpu.memref_slice %arg2[%multiple_of3A_855, %dma_start3A_861] : memref<131072x130xf32, #tpu.memory_space<hbm>> -> memref<8x130xf32, #tpu.memory_space<hbm>>
    %dma_start3A_863 = arith.constant 0 : i32
    %dma_start3A_864 = arith.constant 0 : i32
    %dma_start3A_865 = tpu.memref_slice %arg8[%dma_start3A_856, %dma_start3A_863, %dma_start3A_864] : memref<20x8x130xf32, #tpu.memory_space<vmem>> -> memref<1x8x130xf32, #tpu.memory_space<vmem>>
    %dma_start3A_866 = tpu.memref_squeeze %dma_start3A_865 : memref<1x8x130xf32, #tpu.memory_space<vmem>> -> memref<8x130xf32, #tpu.memory_space<vmem>>
    %dma_start3A_867 = arith.constant 0 : i32
    %dma_start3A_868 = tpu.memref_slice %arg2[%multiple_of3A_855, %dma_start3A_867] : memref<131072x130xf32, #tpu.memory_space<hbm>> -> memref<8x130xf32, #tpu.memory_space<hbm>>
    tpu.enqueue_dma source(%dma_start3A_868 : memref<8x130xf32, #tpu.memory_space<hbm>>) target(%dma_start3A_866 : memref<8x130xf32, #tpu.memory_space<vmem>>) target_semaphore(%arg10 : memref<!tpu.dma_semaphore, #tpu.memory_space<semaphore_mem>>)
    %eq3A_869 = arith.constant 1 : i32
    %eq3A_870 = vector.broadcast %eq3A_869 : i32 to vector<16xi32>
    %eq3A_871 = arith.cmpi eq, %iota3A, %eq3A_870 : vector<16xi32>
    %get3A_872 = arith.constant 16 : index
    %get3A_873 = tpu.vector_load %arg6[%get3A_872] {strides = array<i32>} : memref<32xi32, #tpu.memory_space<vmem>>, vector<16xi32>,
    %jit3A_874 = arith.constant 0 : i32
    %broadcast_in_dim3A_875 = vector.broadcast %jit3A_874 : i32 to vector<16xi32>
    %select_n3A_876 = arith.select %eq3A_871, %get3A_873, %broadcast_in_dim3A_875 : vector<16xi1>, vector<16xi32>
    %reduce_sum3A_877 = arith.constant true
    %reduce_sum3A_878 = vector.broadcast %reduce_sum3A_877 : i1 to vector<16xi1>
    %reduce_sum3A_879 = tpu.scan <sum>, %select_n3A_876 masked %reduce_sum3A_878 : vector<16xi32>, vector<16xi1> -> vector<16xi32>
    %reduce_sum3A_880 = vector.extract %reduce_sum3A_879[15] : i32 from vector<16xi32>
    %get3A_881 = arith.constant 16 : index
    %get3A_882 = tpu.vector_load %arg7[%get3A_881] {strides = array<i32>} : memref<32xi32, #tpu.memory_space<vmem>>, vector<16xi32>,
    %jit3A_883 = arith.constant 0 : i32
    %broadcast_in_dim3A_884 = vector.broadcast %jit3A_883 : i32 to vector<16xi32>
    %select_n3A_885 = arith.select %eq3A_871, %get3A_882, %broadcast_in_dim3A_884 : vector<16xi1>, vector<16xi32>
    %reduce_sum3A_886 = arith.constant true
    %reduce_sum3A_887 = vector.broadcast %reduce_sum3A_886 : i1 to vector<16xi1>
    %reduce_sum3A_888 = tpu.scan <sum>, %select_n3A_885 masked %reduce_sum3A_887 : vector<16xi32>, vector<16xi1> -> vector<16xi32>
    %reduce_sum3A_889 = vector.extract %reduce_sum3A_888[15] : i32 from vector<16xi32>
    %and3A_890 = arith.constant 7 : i32
    %and3A_891 = arith.andi %reduce_sum3A_880, %and3A_890 : i32
    %mul3A_892 = arith.constant 4096 : i32
    %mul3A_893 = arith.muli %add3A, %mul3A_892 : i32
    %add3A_894 = arith.addi %mul3A_893, %reduce_sum3A_880 : i32
    %sub3A_895 = arith.subi %add3A_894, %and3A_891 : i32
    %multiple_of3A_896 = tpu.assume_multiple %sub3A_895, 8 : i32
    %dma_start3A_897 = arith.constant 17 : i32
    %dma_start3A_898 = arith.constant 0 : i32
    %dma_start3A_899 = arith.constant 0 : i32
    %dma_start3A_900 = tpu.memref_slice %arg8[%dma_start3A_897, %dma_start3A_898, %dma_start3A_899] : memref<20x8x130xf32, #tpu.memory_space<vmem>> -> memref<1x8x130xf32, #tpu.memory_space<vmem>>
    %dma_start3A_901 = tpu.memref_squeeze %dma_start3A_900 : memref<1x8x130xf32, #tpu.memory_space<vmem>> -> memref<8x130xf32, #tpu.memory_space<vmem>>
    %dma_start3A_902 = arith.constant 0 : i32
    %dma_start3A_903 = tpu.memref_slice %arg2[%multiple_of3A_896, %dma_start3A_902] : memref<131072x130xf32, #tpu.memory_space<hbm>> -> memref<8x130xf32, #tpu.memory_space<hbm>>
    %dma_start3A_904 = arith.constant 0 : i32
    %dma_start3A_905 = arith.constant 0 : i32
    %dma_start3A_906 = tpu.memref_slice %arg8[%dma_start3A_897, %dma_start3A_904, %dma_start3A_905] : memref<20x8x130xf32, #tpu.memory_space<vmem>> -> memref<1x8x130xf32, #tpu.memory_space<vmem>>
    %dma_start3A_907 = tpu.memref_squeeze %dma_start3A_906 : memref<1x8x130xf32, #tpu.memory_space<vmem>> -> memref<8x130xf32, #tpu.memory_space<vmem>>
    %dma_start3A_908 = arith.constant 0 : i32
    %dma_start3A_909 = tpu.memref_slice %arg2[%multiple_of3A_896, %dma_start3A_908] : memref<131072x130xf32, #tpu.memory_space<hbm>> -> memref<8x130xf32, #tpu.memory_space<hbm>>
    tpu.enqueue_dma source(%dma_start3A_909 : memref<8x130xf32, #tpu.memory_space<hbm>>) target(%dma_start3A_907 : memref<8x130xf32, #tpu.memory_space<vmem>>) target_semaphore(%arg10 : memref<!tpu.dma_semaphore, #tpu.memory_space<semaphore_mem>>)
    %eq3A_910 = arith.constant 2 : i32
    %eq3A_911 = vector.broadcast %eq3A_910 : i32 to vector<16xi32>
    %eq3A_912 = arith.cmpi eq, %iota3A, %eq3A_911 : vector<16xi32>
    %get3A_913 = arith.constant 16 : index
    %get3A_914 = tpu.vector_load %arg6[%get3A_913] {strides = array<i32>} : memref<32xi32, #tpu.memory_space<vmem>>, vector<16xi32>,
    %jit3A_915 = arith.constant 0 : i32
    %broadcast_in_dim3A_916 = vector.broadcast %jit3A_915 : i32 to vector<16xi32>
    %select_n3A_917 = arith.select %eq3A_912, %get3A_914, %broadcast_in_dim3A_916 : vector<16xi1>, vector<16xi32>
    %reduce_sum3A_918 = arith.constant true
    %reduce_sum3A_919 = vector.broadcast %reduce_sum3A_918 : i1 to vector<16xi1>
    %reduce_sum3A_920 = tpu.scan <sum>, %select_n3A_917 masked %reduce_sum3A_919 : vector<16xi32>, vector<16xi1> -> vector<16xi32>
    %reduce_sum3A_921 = vector.extract %reduce_sum3A_920[15] : i32 from vector<16xi32>
    %get3A_922 = arith.constant 16 : index
    %get3A_923 = tpu.vector_load %arg7[%get3A_922] {strides = array<i32>} : memref<32xi32, #tpu.memory_space<vmem>>, vector<16xi32>,
    %jit3A_924 = arith.constant 0 : i32
    %broadcast_in_dim3A_925 = vector.broadcast %jit3A_924 : i32 to vector<16xi32>
    %select_n3A_926 = arith.select %eq3A_912, %get3A_923, %broadcast_in_dim3A_925 : vector<16xi1>, vector<16xi32>
    %reduce_sum3A_927 = arith.constant true
    %reduce_sum3A_928 = vector.broadcast %reduce_sum3A_927 : i1 to vector<16xi1>
    %reduce_sum3A_929 = tpu.scan <sum>, %select_n3A_926 masked %reduce_sum3A_928 : vector<16xi32>, vector<16xi1> -> vector<16xi32>
    %reduce_sum3A_930 = vector.extract %reduce_sum3A_929[15] : i32 from vector<16xi32>
    %and3A_931 = arith.constant 7 : i32
    %and3A_932 = arith.andi %reduce_sum3A_921, %and3A_931 : i32
    %mul3A_933 = arith.constant 4096 : i32
    %mul3A_934 = arith.muli %add3A, %mul3A_933 : i32
    %add3A_935 = arith.addi %mul3A_934, %reduce_sum3A_921 : i32
    %sub3A_936 = arith.subi %add3A_935, %and3A_932 : i32
    %multiple_of3A_937 = tpu.assume_multiple %sub3A_936, 8 : i32
    %dma_start3A_938 = arith.constant 18 : i32
    %dma_start3A_939 = arith.constant 0 : i32
    %dma_start3A_940 = arith.constant 0 : i32
    %dma_start3A_941 = tpu.memref_slice %arg8[%dma_start3A_938, %dma_start3A_939, %dma_start3A_940] : memref<20x8x130xf32, #tpu.memory_space<vmem>> -> memref<1x8x130xf32, #tpu.memory_space<vmem>>
    %dma_start3A_942 = tpu.memref_squeeze %dma_start3A_941 : memref<1x8x130xf32, #tpu.memory_space<vmem>> -> memref<8x130xf32, #tpu.memory_space<vmem>>
    %dma_start3A_943 = arith.constant 0 : i32
    %dma_start3A_944 = tpu.memref_slice %arg2[%multiple_of3A_937, %dma_start3A_943] : memref<131072x130xf32, #tpu.memory_space<hbm>> -> memref<8x130xf32, #tpu.memory_space<hbm>>
    %dma_start3A_945 = arith.constant 0 : i32
    %dma_start3A_946 = arith.constant 0 : i32
    %dma_start3A_947 = tpu.memref_slice %arg8[%dma_start3A_938, %dma_start3A_945, %dma_start3A_946] : memref<20x8x130xf32, #tpu.memory_space<vmem>> -> memref<1x8x130xf32, #tpu.memory_space<vmem>>
    %dma_start3A_948 = tpu.memref_squeeze %dma_start3A_947 : memref<1x8x130xf32, #tpu.memory_space<vmem>> -> memref<8x130xf32, #tpu.memory_space<vmem>>
    %dma_start3A_949 = arith.constant 0 : i32
    %dma_start3A_950 = tpu.memref_slice %arg2[%multiple_of3A_937, %dma_start3A_949] : memref<131072x130xf32, #tpu.memory_space<hbm>> -> memref<8x130xf32, #tpu.memory_space<hbm>>
    tpu.enqueue_dma source(%dma_start3A_950 : memref<8x130xf32, #tpu.memory_space<hbm>>) target(%dma_start3A_948 : memref<8x130xf32, #tpu.memory_space<vmem>>) target_semaphore(%arg10 : memref<!tpu.dma_semaphore, #tpu.memory_space<semaphore_mem>>)
    %eq3A_951 = arith.constant 3 : i32
    %eq3A_952 = vector.broadcast %eq3A_951 : i32 to vector<16xi32>
    %eq3A_953 = arith.cmpi eq, %iota3A, %eq3A_952 : vector<16xi32>
    %get3A_954 = arith.constant 16 : index
    %get3A_955 = tpu.vector_load %arg6[%get3A_954] {strides = array<i32>} : memref<32xi32, #tpu.memory_space<vmem>>, vector<16xi32>,
    %jit3A_956 = arith.constant 0 : i32
    %broadcast_in_dim3A_957 = vector.broadcast %jit3A_956 : i32 to vector<16xi32>
    %select_n3A_958 = arith.select %eq3A_953, %get3A_955, %broadcast_in_dim3A_957 : vector<16xi1>, vector<16xi32>
    %reduce_sum3A_959 = arith.constant true
    %reduce_sum3A_960 = vector.broadcast %reduce_sum3A_959 : i1 to vector<16xi1>
    %reduce_sum3A_961 = tpu.scan <sum>, %select_n3A_958 masked %reduce_sum3A_960 : vector<16xi32>, vector<16xi1> -> vector<16xi32>
    %reduce_sum3A_962 = vector.extract %reduce_sum3A_961[15] : i32 from vector<16xi32>
    %get3A_963 = arith.constant 16 : index
    %get3A_964 = tpu.vector_load %arg7[%get3A_963] {strides = array<i32>} : memref<32xi32, #tpu.memory_space<vmem>>, vector<16xi32>,
    %jit3A_965 = arith.constant 0 : i32
    %broadcast_in_dim3A_966 = vector.broadcast %jit3A_965 : i32 to vector<16xi32>
    %select_n3A_967 = arith.select %eq3A_953, %get3A_964, %broadcast_in_dim3A_966 : vector<16xi1>, vector<16xi32>
    %reduce_sum3A_968 = arith.constant true
    %reduce_sum3A_969 = vector.broadcast %reduce_sum3A_968 : i1 to vector<16xi1>
    %reduce_sum3A_970 = tpu.scan <sum>, %select_n3A_967 masked %reduce_sum3A_969 : vector<16xi32>, vector<16xi1> -> vector<16xi32>
    %reduce_sum3A_971 = vector.extract %reduce_sum3A_970[15] : i32 from vector<16xi32>
    %and3A_972 = arith.constant 7 : i32
    %and3A_973 = arith.andi %reduce_sum3A_962, %and3A_972 : i32
    %mul3A_974 = arith.constant 4096 : i32
    %mul3A_975 = arith.muli %add3A, %mul3A_974 : i32
    %add3A_976 = arith.addi %mul3A_975, %reduce_sum3A_962 : i32
    %sub3A_977 = arith.subi %add3A_976, %and3A_973 : i32
    %multiple_of3A_978 = tpu.assume_multiple %sub3A_977, 8 : i32
    %dma_start3A_979 = arith.constant 19 : i32
    %dma_start3A_980 = arith.constant 0 : i32
    %dma_start3A_981 = arith.constant 0 : i32
    %dma_start3A_982 = tpu.memref_slice %arg8[%dma_start3A_979, %dma_start3A_980, %dma_start3A_981] : memref<20x8x130xf32, #tpu.memory_space<vmem>> -> memref<1x8x130xf32, #tpu.memory_space<vmem>>
    %dma_start3A_983 = tpu.memref_squeeze %dma_start3A_982 : memref<1x8x130xf32, #tpu.memory_space<vmem>> -> memref<8x130xf32, #tpu.memory_space<vmem>>
    %dma_start3A_984 = arith.constant 0 : i32
    %dma_start3A_985 = tpu.memref_slice %arg2[%multiple_of3A_978, %dma_start3A_984] : memref<131072x130xf32, #tpu.memory_space<hbm>> -> memref<8x130xf32, #tpu.memory_space<hbm>>
    %dma_start3A_986 = arith.constant 0 : i32
    %dma_start3A_987 = arith.constant 0 : i32
    %dma_start3A_988 = tpu.memref_slice %arg8[%dma_start3A_979, %dma_start3A_986, %dma_start3A_987] : memref<20x8x130xf32, #tpu.memory_space<vmem>> -> memref<1x8x130xf32, #tpu.memory_space<vmem>>
    %dma_start3A_989 = tpu.memref_squeeze %dma_start3A_988 : memref<1x8x130xf32, #tpu.memory_space<vmem>> -> memref<8x130xf32, #tpu.memory_space<vmem>>
    %dma_start3A_990 = arith.constant 0 : i32
    %dma_start3A_991 = tpu.memref_slice %arg2[%multiple_of3A_978, %dma_start3A_990] : memref<131072x130xf32, #tpu.memory_space<hbm>> -> memref<8x130xf32, #tpu.memory_space<hbm>>
    tpu.enqueue_dma source(%dma_start3A_991 : memref<8x130xf32, #tpu.memory_space<hbm>>) target(%dma_start3A_989 : memref<8x130xf32, #tpu.memory_space<vmem>>) target_semaphore(%arg10 : memref<!tpu.dma_semaphore, #tpu.memory_space<semaphore_mem>>)
    %dma_wait3A = arith.constant 0 : i32
    %dma_wait3A_992 = arith.constant 0 : i32
    %dma_wait3A_993 = arith.constant 0 : i32
    %dma_wait3A_994 = tpu.memref_slice %arg8[%dma_wait3A, %dma_wait3A_992, %dma_wait3A_993] : memref<20x8x130xf32, #tpu.memory_space<vmem>> -> memref<1x8x130xf32, #tpu.memory_space<vmem>>
    %dma_wait3A_995 = tpu.memref_squeeze %dma_wait3A_994 : memref<1x8x130xf32, #tpu.memory_space<vmem>> -> memref<8x130xf32, #tpu.memory_space<vmem>>
    %dma_wait3A_996 = arith.constant 0 : i32
    %dma_wait3A_997 = tpu.memref_slice %arg2[%multiple_of3A, %dma_wait3A_996] : memref<131072x130xf32, #tpu.memory_space<hbm>> -> memref<8x130xf32, #tpu.memory_space<hbm>>
    %dma_wait3A_998 = arith.constant 0 : i32
    %dma_wait3A_999 = arith.constant 0 : i32
    %dma_wait3A_1000 = tpu.memref_slice %arg8[%dma_wait3A, %dma_wait3A_998, %dma_wait3A_999] : memref<20x8x130xf32, #tpu.memory_space<vmem>> -> memref<1x8x130xf32, #tpu.memory_space<vmem>>
    %dma_wait3A_1001 = tpu.memref_squeeze %dma_wait3A_1000 : memref<1x8x130xf32, #tpu.memory_space<vmem>> -> memref<8x130xf32, #tpu.memory_space<vmem>>
    %dma_wait3A_1002 = arith.constant 0 : i32
    %dma_wait3A_1003 = tpu.memref_slice %arg2[%multiple_of3A, %dma_wait3A_1002] : memref<131072x130xf32, #tpu.memory_space<hbm>> -> memref<8x130xf32, #tpu.memory_space<hbm>>
    tpu.wait_dma2 semaphore(%arg10 : memref<!tpu.dma_semaphore, #tpu.memory_space<semaphore_mem>>) src(%dma_wait3A_1003 : memref<8x130xf32, #tpu.memory_space<hbm>>) dst(%dma_wait3A_1001 : memref<8x130xf32, #tpu.memory_space<vmem>>)
    %dma_wait3A_1004 = arith.constant 1 : i32
    %dma_wait3A_1005 = arith.constant 0 : i32
    %dma_wait3A_1006 = arith.constant 0 : i32
    %dma_wait3A_1007 = tpu.memref_slice %arg8[%dma_wait3A_1004, %dma_wait3A_1005, %dma_wait3A_1006] : memref<20x8x130xf32, #tpu.memory_space<vmem>> -> memref<1x8x130xf32, #tpu.memory_space<vmem>>
    %dma_wait3A_1008 = tpu.memref_squeeze %dma_wait3A_1007 : memref<1x8x130xf32, #tpu.memory_space<vmem>> -> memref<8x130xf32, #tpu.memory_space<vmem>>
    %dma_wait3A_1009 = arith.constant 0 : i32
    %dma_wait3A_1010 = tpu.memref_slice %arg2[%multiple_of3A_240, %dma_wait3A_1009] : memref<131072x130xf32, #tpu.memory_space<hbm>> -> memref<8x130xf32, #tpu.memory_space<hbm>>
    %dma_wait3A_1011 = arith.constant 0 : i32
    %dma_wait3A_1012 = arith.constant 0 : i32
    %dma_wait3A_1013 = tpu.memref_slice %arg8[%dma_wait3A_1004, %dma_wait3A_1011, %dma_wait3A_1012] : memref<20x8x130xf32, #tpu.memory_space<vmem>> -> memref<1x8x130xf32, #tpu.memory_space<vmem>>
    %dma_wait3A_1014 = tpu.memref_squeeze %dma_wait3A_1013 : memref<1x8x130xf32, #tpu.memory_space<vmem>> -> memref<8x130xf32, #tpu.memory_space<vmem>>
    %dma_wait3A_1015 = arith.constant 0 : i32
    %dma_wait3A_1016 = tpu.memref_slice %arg2[%multiple_of3A_240, %dma_wait3A_1015] : memref<131072x130xf32, #tpu.memory_space<hbm>> -> memref<8x130xf32, #tpu.memory_space<hbm>>
    tpu.wait_dma2 semaphore(%arg10 : memref<!tpu.dma_semaphore, #tpu.memory_space<semaphore_mem>>) src(%dma_wait3A_1016 : memref<8x130xf32, #tpu.memory_space<hbm>>) dst(%dma_wait3A_1014 : memref<8x130xf32, #tpu.memory_space<vmem>>)
    %dma_wait3A_1017 = arith.constant 2 : i32
    %dma_wait3A_1018 = arith.constant 0 : i32
    %dma_wait3A_1019 = arith.constant 0 : i32
    %dma_wait3A_1020 = tpu.memref_slice %arg8[%dma_wait3A_1017, %dma_wait3A_1018, %dma_wait3A_1019] : memref<20x8x130xf32, #tpu.memory_space<vmem>> -> memref<1x8x130xf32, #tpu.memory_space<vmem>>
    %dma_wait3A_1021 = tpu.memref_squeeze %dma_wait3A_1020 : memref<1x8x130xf32, #tpu.memory_space<vmem>> -> memref<8x130xf32, #tpu.memory_space<vmem>>
    %dma_wait3A_1022 = arith.constant 0 : i32
    %dma_wait3A_1023 = tpu.memref_slice %arg2[%multiple_of3A_281, %dma_wait3A_1022] : memref<131072x130xf32, #tpu.memory_space<hbm>> -> memref<8x130xf32, #tpu.memory_space<hbm>>
    %dma_wait3A_1024 = arith.constant 0 : i32
    %dma_wait3A_1025 = arith.constant 0 : i32
    %dma_wait3A_1026 = tpu.memref_slice %arg8[%dma_wait3A_1017, %dma_wait3A_1024, %dma_wait3A_1025] : memref<20x8x130xf32, #tpu.memory_space<vmem>> -> memref<1x8x130xf32, #tpu.memory_space<vmem>>
    %dma_wait3A_1027 = tpu.memref_squeeze %dma_wait3A_1026 : memref<1x8x130xf32, #tpu.memory_space<vmem>> -> memref<8x130xf32, #tpu.memory_space<vmem>>
    %dma_wait3A_1028 = arith.constant 0 : i32
    %dma_wait3A_1029 = tpu.memref_slice %arg2[%multiple_of3A_281, %dma_wait3A_1028] : memref<131072x130xf32, #tpu.memory_space<hbm>> -> memref<8x130xf32, #tpu.memory_space<hbm>>
    tpu.wait_dma2 semaphore(%arg10 : memref<!tpu.dma_semaphore, #tpu.memory_space<semaphore_mem>>) src(%dma_wait3A_1029 : memref<8x130xf32, #tpu.memory_space<hbm>>) dst(%dma_wait3A_1027 : memref<8x130xf32, #tpu.memory_space<vmem>>)
    %dma_wait3A_1030 = arith.constant 3 : i32
    %dma_wait3A_1031 = arith.constant 0 : i32
    %dma_wait3A_1032 = arith.constant 0 : i32
    %dma_wait3A_1033 = tpu.memref_slice %arg8[%dma_wait3A_1030, %dma_wait3A_1031, %dma_wait3A_1032] : memref<20x8x130xf32, #tpu.memory_space<vmem>> -> memref<1x8x130xf32, #tpu.memory_space<vmem>>
    %dma_wait3A_1034 = tpu.memref_squeeze %dma_wait3A_1033 : memref<1x8x130xf32, #tpu.memory_space<vmem>> -> memref<8x130xf32, #tpu.memory_space<vmem>>
    %dma_wait3A_1035 = arith.constant 0 : i32
    %dma_wait3A_1036 = tpu.memref_slice %arg2[%multiple_of3A_322, %dma_wait3A_1035] : memref<131072x130xf32, #tpu.memory_space<hbm>> -> memref<8x130xf32, #tpu.memory_space<hbm>>
    %dma_wait3A_1037 = arith.constant 0 : i32
    %dma_wait3A_1038 = arith.constant 0 : i32
    %dma_wait3A_1039 = tpu.memref_slice %arg8[%dma_wait3A_1030, %dma_wait3A_1037, %dma_wait3A_1038] : memref<20x8x130xf32, #tpu.memory_space<vmem>> -> memref<1x8x130xf32, #tpu.memory_space<vmem>>
    %dma_wait3A_1040 = tpu.memref_squeeze %dma_wait3A_1039 : memref<1x8x130xf32, #tpu.memory_space<vmem>> -> memref<8x130xf32, #tpu.memory_space<vmem>>
    %dma_wait3A_1041 = arith.constant 0 : i32
    %dma_wait3A_1042 = tpu.memref_slice %arg2[%multiple_of3A_322, %dma_wait3A_1041] : memref<131072x130xf32, #tpu.memory_space<hbm>> -> memref<8x130xf32, #tpu.memory_space<hbm>>
    tpu.wait_dma2 semaphore(%arg10 : memref<!tpu.dma_semaphore, #tpu.memory_space<semaphore_mem>>) src(%dma_wait3A_1042 : memref<8x130xf32, #tpu.memory_space<hbm>>) dst(%dma_wait3A_1040 : memref<8x130xf32, #tpu.memory_space<vmem>>)
    %dma_wait3A_1043 = arith.constant 4 : i32
    %dma_wait3A_1044 = arith.constant 0 : i32
    %dma_wait3A_1045 = arith.constant 0 : i32
    %dma_wait3A_1046 = tpu.memref_slice %arg8[%dma_wait3A_1043, %dma_wait3A_1044, %dma_wait3A_1045] : memref<20x8x130xf32, #tpu.memory_space<vmem>> -> memref<1x8x130xf32, #tpu.memory_space<vmem>>
    %dma_wait3A_1047 = tpu.memref_squeeze %dma_wait3A_1046 : memref<1x8x130xf32, #tpu.memory_space<vmem>> -> memref<8x130xf32, #tpu.memory_space<vmem>>
    %dma_wait3A_1048 = arith.constant 0 : i32
    %dma_wait3A_1049 = tpu.memref_slice %arg2[%multiple_of3A_363, %dma_wait3A_1048] : memref<131072x130xf32, #tpu.memory_space<hbm>> -> memref<8x130xf32, #tpu.memory_space<hbm>>
    %dma_wait3A_1050 = arith.constant 0 : i32
    %dma_wait3A_1051 = arith.constant 0 : i32
    %dma_wait3A_1052 = tpu.memref_slice %arg8[%dma_wait3A_1043, %dma_wait3A_1050, %dma_wait3A_1051] : memref<20x8x130xf32, #tpu.memory_space<vmem>> -> memref<1x8x130xf32, #tpu.memory_space<vmem>>
    %dma_wait3A_1053 = tpu.memref_squeeze %dma_wait3A_1052 : memref<1x8x130xf32, #tpu.memory_space<vmem>> -> memref<8x130xf32, #tpu.memory_space<vmem>>
    %dma_wait3A_1054 = arith.constant 0 : i32
    %dma_wait3A_1055 = tpu.memref_slice %arg2[%multiple_of3A_363, %dma_wait3A_1054] : memref<131072x130xf32, #tpu.memory_space<hbm>> -> memref<8x130xf32, #tpu.memory_space<hbm>>
    tpu.wait_dma2 semaphore(%arg10 : memref<!tpu.dma_semaphore, #tpu.memory_space<semaphore_mem>>) src(%dma_wait3A_1055 : memref<8x130xf32, #tpu.memory_space<hbm>>) dst(%dma_wait3A_1053 : memref<8x130xf32, #tpu.memory_space<vmem>>)
    %dma_wait3A_1056 = arith.constant 5 : i32
    %dma_wait3A_1057 = arith.constant 0 : i32
    %dma_wait3A_1058 = arith.constant 0 : i32
    %dma_wait3A_1059 = tpu.memref_slice %arg8[%dma_wait3A_1056, %dma_wait3A_1057, %dma_wait3A_1058] : memref<20x8x130xf32, #tpu.memory_space<vmem>> -> memref<1x8x130xf32, #tpu.memory_space<vmem>>
    %dma_wait3A_1060 = tpu.memref_squeeze %dma_wait3A_1059 : memref<1x8x130xf32, #tpu.memory_space<vmem>> -> memref<8x130xf32, #tpu.memory_space<vmem>>
    %dma_wait3A_1061 = arith.constant 0 : i32
    %dma_wait3A_1062 = tpu.memref_slice %arg2[%multiple_of3A_404, %dma_wait3A_1061] : memref<131072x130xf32, #tpu.memory_space<hbm>> -> memref<8x130xf32, #tpu.memory_space<hbm>>
    %dma_wait3A_1063 = arith.constant 0 : i32
    %dma_wait3A_1064 = arith.constant 0 : i32
    %dma_wait3A_1065 = tpu.memref_slice %arg8[%dma_wait3A_1056, %dma_wait3A_1063, %dma_wait3A_1064] : memref<20x8x130xf32, #tpu.memory_space<vmem>> -> memref<1x8x130xf32, #tpu.memory_space<vmem>>
    %dma_wait3A_1066 = tpu.memref_squeeze %dma_wait3A_1065 : memref<1x8x130xf32, #tpu.memory_space<vmem>> -> memref<8x130xf32, #tpu.memory_space<vmem>>
    %dma_wait3A_1067 = arith.constant 0 : i32
    %dma_wait3A_1068 = tpu.memref_slice %arg2[%multiple_of3A_404, %dma_wait3A_1067] : memref<131072x130xf32, #tpu.memory_space<hbm>> -> memref<8x130xf32, #tpu.memory_space<hbm>>
    tpu.wait_dma2 semaphore(%arg10 : memref<!tpu.dma_semaphore, #tpu.memory_space<semaphore_mem>>) src(%dma_wait3A_1068 : memref<8x130xf32, #tpu.memory_space<hbm>>) dst(%dma_wait3A_1066 : memref<8x130xf32, #tpu.memory_space<vmem>>)
    %dma_wait3A_1069 = arith.constant 6 : i32
    %dma_wait3A_1070 = arith.constant 0 : i32
    %dma_wait3A_1071 = arith.constant 0 : i32
    %dma_wait3A_1072 = tpu.memref_slice %arg8[%dma_wait3A_1069, %dma_wait3A_1070, %dma_wait3A_1071] : memref<20x8x130xf32, #tpu.memory_space<vmem>> -> memref<1x8x130xf32, #tpu.memory_space<vmem>>
    %dma_wait3A_1073 = tpu.memref_squeeze %dma_wait3A_1072 : memref<1x8x130xf32, #tpu.memory_space<vmem>> -> memref<8x130xf32, #tpu.memory_space<vmem>>
    %dma_wait3A_1074 = arith.constant 0 : i32
    %dma_wait3A_1075 = tpu.memref_slice %arg2[%multiple_of3A_445, %dma_wait3A_1074] : memref<131072x130xf32, #tpu.memory_space<hbm>> -> memref<8x130xf32, #tpu.memory_space<hbm>>
    %dma_wait3A_1076 = arith.constant 0 : i32
    %dma_wait3A_1077 = arith.constant 0 : i32
    %dma_wait3A_1078 = tpu.memref_slice %arg8[%dma_wait3A_1069, %dma_wait3A_1076, %dma_wait3A_1077] : memref<20x8x130xf32, #tpu.memory_space<vmem>> -> memref<1x8x130xf32, #tpu.memory_space<vmem>>
    %dma_wait3A_1079 = tpu.memref_squeeze %dma_wait3A_1078 : memref<1x8x130xf32, #tpu.memory_space<vmem>> -> memref<8x130xf32, #tpu.memory_space<vmem>>
    %dma_wait3A_1080 = arith.constant 0 : i32
    %dma_wait3A_1081 = tpu.memref_slice %arg2[%multiple_of3A_445, %dma_wait3A_1080] : memref<131072x130xf32, #tpu.memory_space<hbm>> -> memref<8x130xf32, #tpu.memory_space<hbm>>
    tpu.wait_dma2 semaphore(%arg10 : memref<!tpu.dma_semaphore, #tpu.memory_space<semaphore_mem>>) src(%dma_wait3A_1081 : memref<8x130xf32, #tpu.memory_space<hbm>>) dst(%dma_wait3A_1079 : memref<8x130xf32, #tpu.memory_space<vmem>>)
    %dma_wait3A_1082 = arith.constant 7 : i32
    %dma_wait3A_1083 = arith.constant 0 : i32
    %dma_wait3A_1084 = arith.constant 0 : i32
    %dma_wait3A_1085 = tpu.memref_slice %arg8[%dma_wait3A_1082, %dma_wait3A_1083, %dma_wait3A_1084] : memref<20x8x130xf32, #tpu.memory_space<vmem>> -> memref<1x8x130xf32, #tpu.memory_space<vmem>>
    %dma_wait3A_1086 = tpu.memref_squeeze %dma_wait3A_1085 : memref<1x8x130xf32, #tpu.memory_space<vmem>> -> memref<8x130xf32, #tpu.memory_space<vmem>>
    %dma_wait3A_1087 = arith.constant 0 : i32
    %dma_wait3A_1088 = tpu.memref_slice %arg2[%multiple_of3A_486, %dma_wait3A_1087] : memref<131072x130xf32, #tpu.memory_space<hbm>> -> memref<8x130xf32, #tpu.memory_space<hbm>>
    %dma_wait3A_1089 = arith.constant 0 : i32
    %dma_wait3A_1090 = arith.constant 0 : i32
    %dma_wait3A_1091 = tpu.memref_slice %arg8[%dma_wait3A_1082, %dma_wait3A_1089, %dma_wait3A_1090] : memref<20x8x130xf32, #tpu.memory_space<vmem>> -> memref<1x8x130xf32, #tpu.memory_space<vmem>>
    %dma_wait3A_1092 = tpu.memref_squeeze %dma_wait3A_1091 : memref<1x8x130xf32, #tpu.memory_space<vmem>> -> memref<8x130xf32, #tpu.memory_space<vmem>>
    %dma_wait3A_1093 = arith.constant 0 : i32
    %dma_wait3A_1094 = tpu.memref_slice %arg2[%multiple_of3A_486, %dma_wait3A_1093] : memref<131072x130xf32, #tpu.memory_space<hbm>> -> memref<8x130xf32, #tpu.memory_space<hbm>>
    tpu.wait_dma2 semaphore(%arg10 : memref<!tpu.dma_semaphore, #tpu.memory_space<semaphore_mem>>) src(%dma_wait3A_1094 : memref<8x130xf32, #tpu.memory_space<hbm>>) dst(%dma_wait3A_1092 : memref<8x130xf32, #tpu.memory_space<vmem>>)
    %dma_wait3A_1095 = arith.constant 8 : i32
    %dma_wait3A_1096 = arith.constant 0 : i32
    %dma_wait3A_1097 = arith.constant 0 : i32
    %dma_wait3A_1098 = tpu.memref_slice %arg8[%dma_wait3A_1095, %dma_wait3A_1096, %dma_wait3A_1097] : memref<20x8x130xf32, #tpu.memory_space<vmem>> -> memref<1x8x130xf32, #tpu.memory_space<vmem>>
    %dma_wait3A_1099 = tpu.memref_squeeze %dma_wait3A_1098 : memref<1x8x130xf32, #tpu.memory_space<vmem>> -> memref<8x130xf32, #tpu.memory_space<vmem>>
    %dma_wait3A_1100 = arith.constant 0 : i32
    %dma_wait3A_1101 = tpu.memref_slice %arg2[%multiple_of3A_527, %dma_wait3A_1100] : memref<131072x130xf32, #tpu.memory_space<hbm>> -> memref<8x130xf32, #tpu.memory_space<hbm>>
    %dma_wait3A_1102 = arith.constant 0 : i32
    %dma_wait3A_1103 = arith.constant 0 : i32
    %dma_wait3A_1104 = tpu.memref_slice %arg8[%dma_wait3A_1095, %dma_wait3A_1102, %dma_wait3A_1103] : memref<20x8x130xf32, #tpu.memory_space<vmem>> -> memref<1x8x130xf32, #tpu.memory_space<vmem>>
    %dma_wait3A_1105 = tpu.memref_squeeze %dma_wait3A_1104 : memref<1x8x130xf32, #tpu.memory_space<vmem>> -> memref<8x130xf32, #tpu.memory_space<vmem>>
    %dma_wait3A_1106 = arith.constant 0 : i32
    %dma_wait3A_1107 = tpu.memref_slice %arg2[%multiple_of3A_527, %dma_wait3A_1106] : memref<131072x130xf32, #tpu.memory_space<hbm>> -> memref<8x130xf32, #tpu.memory_space<hbm>>
    tpu.wait_dma2 semaphore(%arg10 : memref<!tpu.dma_semaphore, #tpu.memory_space<semaphore_mem>>) src(%dma_wait3A_1107 : memref<8x130xf32, #tpu.memory_space<hbm>>) dst(%dma_wait3A_1105 : memref<8x130xf32, #tpu.memory_space<vmem>>)
    %dma_wait3A_1108 = arith.constant 9 : i32
    %dma_wait3A_1109 = arith.constant 0 : i32
    %dma_wait3A_1110 = arith.constant 0 : i32
    %dma_wait3A_1111 = tpu.memref_slice %arg8[%dma_wait3A_1108, %dma_wait3A_1109, %dma_wait3A_1110] : memref<20x8x130xf32, #tpu.memory_space<vmem>> -> memref<1x8x130xf32, #tpu.memory_space<vmem>>
    %dma_wait3A_1112 = tpu.memref_squeeze %dma_wait3A_1111 : memref<1x8x130xf32, #tpu.memory_space<vmem>> -> memref<8x130xf32, #tpu.memory_space<vmem>>
    %dma_wait3A_1113 = arith.constant 0 : i32
    %dma_wait3A_1114 = tpu.memref_slice %arg2[%multiple_of3A_568, %dma_wait3A_1113] : memref<131072x130xf32, #tpu.memory_space<hbm>> -> memref<8x130xf32, #tpu.memory_space<hbm>>
    %dma_wait3A_1115 = arith.constant 0 : i32
    %dma_wait3A_1116 = arith.constant 0 : i32
    %dma_wait3A_1117 = tpu.memref_slice %arg8[%dma_wait3A_1108, %dma_wait3A_1115, %dma_wait3A_1116] : memref<20x8x130xf32, #tpu.memory_space<vmem>> -> memref<1x8x130xf32, #tpu.memory_space<vmem>>
    %dma_wait3A_1118 = tpu.memref_squeeze %dma_wait3A_1117 : memref<1x8x130xf32, #tpu.memory_space<vmem>> -> memref<8x130xf32, #tpu.memory_space<vmem>>
    %dma_wait3A_1119 = arith.constant 0 : i32
    %dma_wait3A_1120 = tpu.memref_slice %arg2[%multiple_of3A_568, %dma_wait3A_1119] : memref<131072x130xf32, #tpu.memory_space<hbm>> -> memref<8x130xf32, #tpu.memory_space<hbm>>
    tpu.wait_dma2 semaphore(%arg10 : memref<!tpu.dma_semaphore, #tpu.memory_space<semaphore_mem>>) src(%dma_wait3A_1120 : memref<8x130xf32, #tpu.memory_space<hbm>>) dst(%dma_wait3A_1118 : memref<8x130xf32, #tpu.memory_space<vmem>>)
    %dma_wait3A_1121 = arith.constant 10 : i32
    %dma_wait3A_1122 = arith.constant 0 : i32
    %dma_wait3A_1123 = arith.constant 0 : i32
    %dma_wait3A_1124 = tpu.memref_slice %arg8[%dma_wait3A_1121, %dma_wait3A_1122, %dma_wait3A_1123] : memref<20x8x130xf32, #tpu.memory_space<vmem>> -> memref<1x8x130xf32, #tpu.memory_space<vmem>>
    %dma_wait3A_1125 = tpu.memref_squeeze %dma_wait3A_1124 : memref<1x8x130xf32, #tpu.memory_space<vmem>> -> memref<8x130xf32, #tpu.memory_space<vmem>>
    %dma_wait3A_1126 = arith.constant 0 : i32
    %dma_wait3A_1127 = tpu.memref_slice %arg2[%multiple_of3A_609, %dma_wait3A_1126] : memref<131072x130xf32, #tpu.memory_space<hbm>> -> memref<8x130xf32, #tpu.memory_space<hbm>>
    %dma_wait3A_1128 = arith.constant 0 : i32
    %dma_wait3A_1129 = arith.constant 0 : i32
    %dma_wait3A_1130 = tpu.memref_slice %arg8[%dma_wait3A_1121, %dma_wait3A_1128, %dma_wait3A_1129] : memref<20x8x130xf32, #tpu.memory_space<vmem>> -> memref<1x8x130xf32, #tpu.memory_space<vmem>>
    %dma_wait3A_1131 = tpu.memref_squeeze %dma_wait3A_1130 : memref<1x8x130xf32, #tpu.memory_space<vmem>> -> memref<8x130xf32, #tpu.memory_space<vmem>>
    %dma_wait3A_1132 = arith.constant 0 : i32
    %dma_wait3A_1133 = tpu.memref_slice %arg2[%multiple_of3A_609, %dma_wait3A_1132] : memref<131072x130xf32, #tpu.memory_space<hbm>> -> memref<8x130xf32, #tpu.memory_space<hbm>>
    tpu.wait_dma2 semaphore(%arg10 : memref<!tpu.dma_semaphore, #tpu.memory_space<semaphore_mem>>) src(%dma_wait3A_1133 : memref<8x130xf32, #tpu.memory_space<hbm>>) dst(%dma_wait3A_1131 : memref<8x130xf32, #tpu.memory_space<vmem>>)
    %dma_wait3A_1134 = arith.constant 11 : i32
    %dma_wait3A_1135 = arith.constant 0 : i32
    %dma_wait3A_1136 = arith.constant 0 : i32
    %dma_wait3A_1137 = tpu.memref_slice %arg8[%dma_wait3A_1134, %dma_wait3A_1135, %dma_wait3A_1136] : memref<20x8x130xf32, #tpu.memory_space<vmem>> -> memref<1x8x130xf32, #tpu.memory_space<vmem>>
    %dma_wait3A_1138 = tpu.memref_squeeze %dma_wait3A_1137 : memref<1x8x130xf32, #tpu.memory_space<vmem>> -> memref<8x130xf32, #tpu.memory_space<vmem>>
    %dma_wait3A_1139 = arith.constant 0 : i32
    %dma_wait3A_1140 = tpu.memref_slice %arg2[%multiple_of3A_650, %dma_wait3A_1139] : memref<131072x130xf32, #tpu.memory_space<hbm>> -> memref<8x130xf32, #tpu.memory_space<hbm>>
    %dma_wait3A_1141 = arith.constant 0 : i32
    %dma_wait3A_1142 = arith.constant 0 : i32
    %dma_wait3A_1143 = tpu.memref_slice %arg8[%dma_wait3A_1134, %dma_wait3A_1141, %dma_wait3A_1142] : memref<20x8x130xf32, #tpu.memory_space<vmem>> -> memref<1x8x130xf32, #tpu.memory_space<vmem>>
    %dma_wait3A_1144 = tpu.memref_squeeze %dma_wait3A_1143 : memref<1x8x130xf32, #tpu.memory_space<vmem>> -> memref<8x130xf32, #tpu.memory_space<vmem>>
    %dma_wait3A_1145 = arith.constant 0 : i32
    %dma_wait3A_1146 = tpu.memref_slice %arg2[%multiple_of3A_650, %dma_wait3A_1145] : memref<131072x130xf32, #tpu.memory_space<hbm>> -> memref<8x130xf32, #tpu.memory_space<hbm>>
    tpu.wait_dma2 semaphore(%arg10 : memref<!tpu.dma_semaphore, #tpu.memory_space<semaphore_mem>>) src(%dma_wait3A_1146 : memref<8x130xf32, #tpu.memory_space<hbm>>) dst(%dma_wait3A_1144 : memref<8x130xf32, #tpu.memory_space<vmem>>)
    %dma_wait3A_1147 = arith.constant 12 : i32
    %dma_wait3A_1148 = arith.constant 0 : i32
    %dma_wait3A_1149 = arith.constant 0 : i32
    %dma_wait3A_1150 = tpu.memref_slice %arg8[%dma_wait3A_1147, %dma_wait3A_1148, %dma_wait3A_1149] : memref<20x8x130xf32, #tpu.memory_space<vmem>> -> memref<1x8x130xf32, #tpu.memory_space<vmem>>
    %dma_wait3A_1151 = tpu.memref_squeeze %dma_wait3A_1150 : memref<1x8x130xf32, #tpu.memory_space<vmem>> -> memref<8x130xf32, #tpu.memory_space<vmem>>
    %dma_wait3A_1152 = arith.constant 0 : i32
    %dma_wait3A_1153 = tpu.memref_slice %arg2[%multiple_of3A_691, %dma_wait3A_1152] : memref<131072x130xf32, #tpu.memory_space<hbm>> -> memref<8x130xf32, #tpu.memory_space<hbm>>
    %dma_wait3A_1154 = arith.constant 0 : i32
    %dma_wait3A_1155 = arith.constant 0 : i32
    %dma_wait3A_1156 = tpu.memref_slice %arg8[%dma_wait3A_1147, %dma_wait3A_1154, %dma_wait3A_1155] : memref<20x8x130xf32, #tpu.memory_space<vmem>> -> memref<1x8x130xf32, #tpu.memory_space<vmem>>
    %dma_wait3A_1157 = tpu.memref_squeeze %dma_wait3A_1156 : memref<1x8x130xf32, #tpu.memory_space<vmem>> -> memref<8x130xf32, #tpu.memory_space<vmem>>
    %dma_wait3A_1158 = arith.constant 0 : i32
    %dma_wait3A_1159 = tpu.memref_slice %arg2[%multiple_of3A_691, %dma_wait3A_1158] : memref<131072x130xf32, #tpu.memory_space<hbm>> -> memref<8x130xf32, #tpu.memory_space<hbm>>
    tpu.wait_dma2 semaphore(%arg10 : memref<!tpu.dma_semaphore, #tpu.memory_space<semaphore_mem>>) src(%dma_wait3A_1159 : memref<8x130xf32, #tpu.memory_space<hbm>>) dst(%dma_wait3A_1157 : memref<8x130xf32, #tpu.memory_space<vmem>>)
    %dma_wait3A_1160 = arith.constant 13 : i32
    %dma_wait3A_1161 = arith.constant 0 : i32
    %dma_wait3A_1162 = arith.constant 0 : i32
    %dma_wait3A_1163 = tpu.memref_slice %arg8[%dma_wait3A_1160, %dma_wait3A_1161, %dma_wait3A_1162] : memref<20x8x130xf32, #tpu.memory_space<vmem>> -> memref<1x8x130xf32, #tpu.memory_space<vmem>>
    %dma_wait3A_1164 = tpu.memref_squeeze %dma_wait3A_1163 : memref<1x8x130xf32, #tpu.memory_space<vmem>> -> memref<8x130xf32, #tpu.memory_space<vmem>>
    %dma_wait3A_1165 = arith.constant 0 : i32
    %dma_wait3A_1166 = tpu.memref_slice %arg2[%multiple_of3A_732, %dma_wait3A_1165] : memref<131072x130xf32, #tpu.memory_space<hbm>> -> memref<8x130xf32, #tpu.memory_space<hbm>>
    %dma_wait3A_1167 = arith.constant 0 : i32
    %dma_wait3A_1168 = arith.constant 0 : i32
    %dma_wait3A_1169 = tpu.memref_slice %arg8[%dma_wait3A_1160, %dma_wait3A_1167, %dma_wait3A_1168] : memref<20x8x130xf32, #tpu.memory_space<vmem>> -> memref<1x8x130xf32, #tpu.memory_space<vmem>>
    %dma_wait3A_1170 = tpu.memref_squeeze %dma_wait3A_1169 : memref<1x8x130xf32, #tpu.memory_space<vmem>> -> memref<8x130xf32, #tpu.memory_space<vmem>>
    %dma_wait3A_1171 = arith.constant 0 : i32
    %dma_wait3A_1172 = tpu.memref_slice %arg2[%multiple_of3A_732, %dma_wait3A_1171] : memref<131072x130xf32, #tpu.memory_space<hbm>> -> memref<8x130xf32, #tpu.memory_space<hbm>>
    tpu.wait_dma2 semaphore(%arg10 : memref<!tpu.dma_semaphore, #tpu.memory_space<semaphore_mem>>) src(%dma_wait3A_1172 : memref<8x130xf32, #tpu.memory_space<hbm>>) dst(%dma_wait3A_1170 : memref<8x130xf32, #tpu.memory_space<vmem>>)
    %dma_wait3A_1173 = arith.constant 14 : i32
    %dma_wait3A_1174 = arith.constant 0 : i32
    %dma_wait3A_1175 = arith.constant 0 : i32
    %dma_wait3A_1176 = tpu.memref_slice %arg8[%dma_wait3A_1173, %dma_wait3A_1174, %dma_wait3A_1175] : memref<20x8x130xf32, #tpu.memory_space<vmem>> -> memref<1x8x130xf32, #tpu.memory_space<vmem>>
    %dma_wait3A_1177 = tpu.memref_squeeze %dma_wait3A_1176 : memref<1x8x130xf32, #tpu.memory_space<vmem>> -> memref<8x130xf32, #tpu.memory_space<vmem>>
    %dma_wait3A_1178 = arith.constant 0 : i32
    %dma_wait3A_1179 = tpu.memref_slice %arg2[%multiple_of3A_773, %dma_wait3A_1178] : memref<131072x130xf32, #tpu.memory_space<hbm>> -> memref<8x130xf32, #tpu.memory_space<hbm>>
    %dma_wait3A_1180 = arith.constant 0 : i32
    %dma_wait3A_1181 = arith.constant 0 : i32
    %dma_wait3A_1182 = tpu.memref_slice %arg8[%dma_wait3A_1173, %dma_wait3A_1180, %dma_wait3A_1181] : memref<20x8x130xf32, #tpu.memory_space<vmem>> -> memref<1x8x130xf32, #tpu.memory_space<vmem>>
    %dma_wait3A_1183 = tpu.memref_squeeze %dma_wait3A_1182 : memref<1x8x130xf32, #tpu.memory_space<vmem>> -> memref<8x130xf32, #tpu.memory_space<vmem>>
    %dma_wait3A_1184 = arith.constant 0 : i32
    %dma_wait3A_1185 = tpu.memref_slice %arg2[%multiple_of3A_773, %dma_wait3A_1184] : memref<131072x130xf32, #tpu.memory_space<hbm>> -> memref<8x130xf32, #tpu.memory_space<hbm>>
    tpu.wait_dma2 semaphore(%arg10 : memref<!tpu.dma_semaphore, #tpu.memory_space<semaphore_mem>>) src(%dma_wait3A_1185 : memref<8x130xf32, #tpu.memory_space<hbm>>) dst(%dma_wait3A_1183 : memref<8x130xf32, #tpu.memory_space<vmem>>)
    %dma_wait3A_1186 = arith.constant 15 : i32
    %dma_wait3A_1187 = arith.constant 0 : i32
    %dma_wait3A_1188 = arith.constant 0 : i32
    %dma_wait3A_1189 = tpu.memref_slice %arg8[%dma_wait3A_1186, %dma_wait3A_1187, %dma_wait3A_1188] : memref<20x8x130xf32, #tpu.memory_space<vmem>> -> memref<1x8x130xf32, #tpu.memory_space<vmem>>
    %dma_wait3A_1190 = tpu.memref_squeeze %dma_wait3A_1189 : memref<1x8x130xf32, #tpu.memory_space<vmem>> -> memref<8x130xf32, #tpu.memory_space<vmem>>
    %dma_wait3A_1191 = arith.constant 0 : i32
    %dma_wait3A_1192 = tpu.memref_slice %arg2[%multiple_of3A_814, %dma_wait3A_1191] : memref<131072x130xf32, #tpu.memory_space<hbm>> -> memref<8x130xf32, #tpu.memory_space<hbm>>
    %dma_wait3A_1193 = arith.constant 0 : i32
    %dma_wait3A_1194 = arith.constant 0 : i32
    %dma_wait3A_1195 = tpu.memref_slice %arg8[%dma_wait3A_1186, %dma_wait3A_1193, %dma_wait3A_1194] : memref<20x8x130xf32, #tpu.memory_space<vmem>> -> memref<1x8x130xf32, #tpu.memory_space<vmem>>
    %dma_wait3A_1196 = tpu.memref_squeeze %dma_wait3A_1195 : memref<1x8x130xf32, #tpu.memory_space<vmem>> -> memref<8x130xf32, #tpu.memory_space<vmem>>
    %dma_wait3A_1197 = arith.constant 0 : i32
    %dma_wait3A_1198 = tpu.memref_slice %arg2[%multiple_of3A_814, %dma_wait3A_1197] : memref<131072x130xf32, #tpu.memory_space<hbm>> -> memref<8x130xf32, #tpu.memory_space<hbm>>
    tpu.wait_dma2 semaphore(%arg10 : memref<!tpu.dma_semaphore, #tpu.memory_space<semaphore_mem>>) src(%dma_wait3A_1198 : memref<8x130xf32, #tpu.memory_space<hbm>>) dst(%dma_wait3A_1196 : memref<8x130xf32, #tpu.memory_space<vmem>>)
    %dma_wait3A_1199 = arith.constant 16 : i32
    %dma_wait3A_1200 = arith.constant 0 : i32
    %dma_wait3A_1201 = arith.constant 0 : i32
    %dma_wait3A_1202 = tpu.memref_slice %arg8[%dma_wait3A_1199, %dma_wait3A_1200, %dma_wait3A_1201] : memref<20x8x130xf32, #tpu.memory_space<vmem>> -> memref<1x8x130xf32, #tpu.memory_space<vmem>>
    %dma_wait3A_1203 = tpu.memref_squeeze %dma_wait3A_1202 : memref<1x8x130xf32, #tpu.memory_space<vmem>> -> memref<8x130xf32, #tpu.memory_space<vmem>>
    %dma_wait3A_1204 = arith.constant 0 : i32
    %dma_wait3A_1205 = tpu.memref_slice %arg2[%multiple_of3A_855, %dma_wait3A_1204] : memref<131072x130xf32, #tpu.memory_space<hbm>> -> memref<8x130xf32, #tpu.memory_space<hbm>>
    %dma_wait3A_1206 = arith.constant 0 : i32
    %dma_wait3A_1207 = arith.constant 0 : i32
    %dma_wait3A_1208 = tpu.memref_slice %arg8[%dma_wait3A_1199, %dma_wait3A_1206, %dma_wait3A_1207] : memref<20x8x130xf32, #tpu.memory_space<vmem>> -> memref<1x8x130xf32, #tpu.memory_space<vmem>>
    %dma_wait3A_1209 = tpu.memref_squeeze %dma_wait3A_1208 : memref<1x8x130xf32, #tpu.memory_space<vmem>> -> memref<8x130xf32, #tpu.memory_space<vmem>>
    %dma_wait3A_1210 = arith.constant 0 : i32
    %dma_wait3A_1211 = tpu.memref_slice %arg2[%multiple_of3A_855, %dma_wait3A_1210] : memref<131072x130xf32, #tpu.memory_space<hbm>> -> memref<8x130xf32, #tpu.memory_space<hbm>>
    tpu.wait_dma2 semaphore(%arg10 : memref<!tpu.dma_semaphore, #tpu.memory_space<semaphore_mem>>) src(%dma_wait3A_1211 : memref<8x130xf32, #tpu.memory_space<hbm>>) dst(%dma_wait3A_1209 : memref<8x130xf32, #tpu.memory_space<vmem>>)
    %dma_wait3A_1212 = arith.constant 17 : i32
    %dma_wait3A_1213 = arith.constant 0 : i32
    %dma_wait3A_1214 = arith.constant 0 : i32
    %dma_wait3A_1215 = tpu.memref_slice %arg8[%dma_wait3A_1212, %dma_wait3A_1213, %dma_wait3A_1214] : memref<20x8x130xf32, #tpu.memory_space<vmem>> -> memref<1x8x130xf32, #tpu.memory_space<vmem>>
    %dma_wait3A_1216 = tpu.memref_squeeze %dma_wait3A_1215 : memref<1x8x130xf32, #tpu.memory_space<vmem>> -> memref<8x130xf32, #tpu.memory_space<vmem>>
    %dma_wait3A_1217 = arith.constant 0 : i32
    %dma_wait3A_1218 = tpu.memref_slice %arg2[%multiple_of3A_896, %dma_wait3A_1217] : memref<131072x130xf32, #tpu.memory_space<hbm>> -> memref<8x130xf32, #tpu.memory_space<hbm>>
    %dma_wait3A_1219 = arith.constant 0 : i32
    %dma_wait3A_1220 = arith.constant 0 : i32
    %dma_wait3A_1221 = tpu.memref_slice %arg8[%dma_wait3A_1212, %dma_wait3A_1219, %dma_wait3A_1220] : memref<20x8x130xf32, #tpu.memory_space<vmem>> -> memref<1x8x130xf32, #tpu.memory_space<vmem>>
    %dma_wait3A_1222 = tpu.memref_squeeze %dma_wait3A_1221 : memref<1x8x130xf32, #tpu.memory_space<vmem>> -> memref<8x130xf32, #tpu.memory_space<vmem>>
    %dma_wait3A_1223 = arith.constant 0 : i32
    %dma_wait3A_1224 = tpu.memref_slice %arg2[%multiple_of3A_896, %dma_wait3A_1223] : memref<131072x130xf32, #tpu.memory_space<hbm>> -> memref<8x130xf32, #tpu.memory_space<hbm>>
    tpu.wait_dma2 semaphore(%arg10 : memref<!tpu.dma_semaphore, #tpu.memory_space<semaphore_mem>>) src(%dma_wait3A_1224 : memref<8x130xf32, #tpu.memory_space<hbm>>) dst(%dma_wait3A_1222 : memref<8x130xf32, #tpu.memory_space<vmem>>)
    %dma_wait3A_1225 = arith.constant 18 : i32
    %dma_wait3A_1226 = arith.constant 0 : i32
    %dma_wait3A_1227 = arith.constant 0 : i32
    %dma_wait3A_1228 = tpu.memref_slice %arg8[%dma_wait3A_1225, %dma_wait3A_1226, %dma_wait3A_1227] : memref<20x8x130xf32, #tpu.memory_space<vmem>> -> memref<1x8x130xf32, #tpu.memory_space<vmem>>
    %dma_wait3A_1229 = tpu.memref_squeeze %dma_wait3A_1228 : memref<1x8x130xf32, #tpu.memory_space<vmem>> -> memref<8x130xf32, #tpu.memory_space<vmem>>
    %dma_wait3A_1230 = arith.constant 0 : i32
    %dma_wait3A_1231 = tpu.memref_slice %arg2[%multiple_of3A_937, %dma_wait3A_1230] : memref<131072x130xf32, #tpu.memory_space<hbm>> -> memref<8x130xf32, #tpu.memory_space<hbm>>
    %dma_wait3A_1232 = arith.constant 0 : i32
    %dma_wait3A_1233 = arith.constant 0 : i32
    %dma_wait3A_1234 = tpu.memref_slice %arg8[%dma_wait3A_1225, %dma_wait3A_1232, %dma_wait3A_1233] : memref<20x8x130xf32, #tpu.memory_space<vmem>> -> memref<1x8x130xf32, #tpu.memory_space<vmem>>
    %dma_wait3A_1235 = tpu.memref_squeeze %dma_wait3A_1234 : memref<1x8x130xf32, #tpu.memory_space<vmem>> -> memref<8x130xf32, #tpu.memory_space<vmem>>
    %dma_wait3A_1236 = arith.constant 0 : i32
    %dma_wait3A_1237 = tpu.memref_slice %arg2[%multiple_of3A_937, %dma_wait3A_1236] : memref<131072x130xf32, #tpu.memory_space<hbm>> -> memref<8x130xf32, #tpu.memory_space<hbm>>
    tpu.wait_dma2 semaphore(%arg10 : memref<!tpu.dma_semaphore, #tpu.memory_space<semaphore_mem>>) src(%dma_wait3A_1237 : memref<8x130xf32, #tpu.memory_space<hbm>>) dst(%dma_wait3A_1235 : memref<8x130xf32, #tpu.memory_space<vmem>>)
    %dma_wait3A_1238 = arith.constant 19 : i32
    %dma_wait3A_1239 = arith.constant 0 : i32
    %dma_wait3A_1240 = arith.constant 0 : i32
    %dma_wait3A_1241 = tpu.memref_slice %arg8[%dma_wait3A_1238, %dma_wait3A_1239, %dma_wait3A_1240] : memref<20x8x130xf32, #tpu.memory_space<vmem>> -> memref<1x8x130xf32, #tpu.memory_space<vmem>>
    %dma_wait3A_1242 = tpu.memref_squeeze %dma_wait3A_1241 : memref<1x8x130xf32, #tpu.memory_space<vmem>> -> memref<8x130xf32, #tpu.memory_space<vmem>>
    %dma_wait3A_1243 = arith.constant 0 : i32
    %dma_wait3A_1244 = tpu.memref_slice %arg2[%multiple_of3A_978, %dma_wait3A_1243] : memref<131072x130xf32, #tpu.memory_space<hbm>> -> memref<8x130xf32, #tpu.memory_space<hbm>>
    %dma_wait3A_1245 = arith.constant 0 : i32
    %dma_wait3A_1246 = arith.constant 0 : i32
    %dma_wait3A_1247 = tpu.memref_slice %arg8[%dma_wait3A_1238, %dma_wait3A_1245, %dma_wait3A_1246] : memref<20x8x130xf32, #tpu.memory_space<vmem>> -> memref<1x8x130xf32, #tpu.memory_space<vmem>>
    %dma_wait3A_1248 = tpu.memref_squeeze %dma_wait3A_1247 : memref<1x8x130xf32, #tpu.memory_space<vmem>> -> memref<8x130xf32, #tpu.memory_space<vmem>>
    %dma_wait3A_1249 = arith.constant 0 : i32
    %dma_wait3A_1250 = tpu.memref_slice %arg2[%multiple_of3A_978, %dma_wait3A_1249] : memref<131072x130xf32, #tpu.memory_space<hbm>> -> memref<8x130xf32, #tpu.memory_space<hbm>>
    tpu.wait_dma2 semaphore(%arg10 : memref<!tpu.dma_semaphore, #tpu.memory_space<semaphore_mem>>) src(%dma_wait3A_1250 : memref<8x130xf32, #tpu.memory_space<hbm>>) dst(%dma_wait3A_1248 : memref<8x130xf32, #tpu.memory_space<vmem>>)
    %lt3A_1251 = arith.constant 10 : i32
    %lt3A_1252 = vector.broadcast %lt3A_1251 : i32 to vector<16xi32>
    %lt3A_1253 = arith.cmpi slt, %iota3A, %lt3A_1252 : vector<16xi32>
    %broadcast_in_dim3A_1254 = vector.broadcast %and3A_196 : i32 to vector<16xi32>
    %add3A_1255 = vector.broadcast %reduce_sum3A_195 : i32 to vector<16xi32>
    %add3A_1256 = arith.addi %add3A_1255, %iota3A : vector<16xi32>
    %add3A_1257 = arith.constant 16 : i32
    %add3A_1258 = arith.addi %reduce_sum3A_195, %add3A_1257 : i32
    %add3A_1259 = vector.broadcast %add3A_1258 : i32 to vector<16xi32>
    %add3A_1260 = arith.addi %add3A_1259, %iota3A : vector<16xi32>
    %gather3A = arith.constant 0 : i32
    %gather3A_1261 = arith.constant 0 : i32
    %gather3A_1262 = arith.constant 0 : i32
    %gather3A_1263 = tpu.memref_slice %arg8[%gather3A, %gather3A_1261, %gather3A_1262] : memref<20x8x130xf32, #tpu.memory_space<vmem>> -> memref<1x8x130xf32, #tpu.memory_space<vmem>>
    %gather3A_1264 = tpu.memref_squeeze %gather3A_1263 : memref<1x8x130xf32, #tpu.memory_space<vmem>> -> memref<8x130xf32, #tpu.memory_space<vmem>>
    %gather3A_1265 = tpu.vector_load_idx %gather3A_1264[%broadcast_in_dim3A_1254, %add3A_1256] : memref<8x130xf32, #tpu.memory_space<vmem>>[vector<16xi32>, vector<16xi32>], vector<16xf32>,
    %gather3A_1266 = arith.constant 0 : i32
    %gather3A_1267 = arith.constant 0 : i32
    %gather3A_1268 = arith.constant 0 : i32
    %gather3A_1269 = tpu.memref_slice %arg8[%gather3A_1266, %gather3A_1267, %gather3A_1268] : memref<20x8x130xf32, #tpu.memory_space<vmem>> -> memref<1x8x130xf32, #tpu.memory_space<vmem>>
    %gather3A_1270 = tpu.memref_squeeze %gather3A_1269 : memref<1x8x130xf32, #tpu.memory_space<vmem>> -> memref<8x130xf32, #tpu.memory_space<vmem>>
    %gather3A_1271 = tpu.vector_load_idx %gather3A_1270[%broadcast_in_dim3A_1254, %add3A_1260] masked %lt3A_1253 : memref<8x130xf32, #tpu.memory_space<vmem>>[vector<16xi32>, vector<16xi32>], vector<16xf32>, vector<16xi1>
    %swap3A_1272 = arith.constant 0 : i32
    %swap3A_1273 = arith.index_cast %swap3A_1272 : i32 to index
    %swap3A_1274 = arith.constant 0 : index
    %swap3A_1275 = tpu.vector_load %arg9[%swap3A_1273, %swap3A_1274] {strides = array<i32>} : memref<20x32xf32, #tpu.memory_space<vmem>>, vector<16xf32>,
    tpu.vector_store %arg9[%swap3A_1273, %swap3A_1274], %gather3A_1265 {strides = array<i32>} : memref<20x32xf32, #tpu.memory_space<vmem>>, vector<16xf32>,
    %swap3A_1276 = arith.constant 0 : i32
    %swap3A_1277 = arith.index_cast %swap3A_1276 : i32 to index
    %swap3A_1278 = arith.constant 16 : index
    %swap3A_1279 = tpu.vector_load %arg9[%swap3A_1277, %swap3A_1278] {strides = array<i32>} : memref<20x32xf32, #tpu.memory_space<vmem>>, vector<16xf32>,
    tpu.vector_store %arg9[%swap3A_1277, %swap3A_1278], %gather3A_1271 {strides = array<i32>} : memref<20x32xf32, #tpu.memory_space<vmem>>, vector<16xf32>,
    %broadcast_in_dim3A_1280 = vector.broadcast %and3A_235 : i32 to vector<16xi32>
    %add3A_1281 = vector.broadcast %reduce_sum3A_233 : i32 to vector<16xi32>
    %add3A_1282 = arith.addi %add3A_1281, %iota3A : vector<16xi32>
    %add3A_1283 = arith.constant 16 : i32
    %add3A_1284 = arith.addi %reduce_sum3A_233, %add3A_1283 : i32
    %add3A_1285 = vector.broadcast %add3A_1284 : i32 to vector<16xi32>
    %add3A_1286 = arith.addi %add3A_1285, %iota3A : vector<16xi32>
    %gather3A_1287 = arith.constant 1 : i32
    %gather3A_1288 = arith.constant 0 : i32
    %gather3A_1289 = arith.constant 0 : i32
    %gather3A_1290 = tpu.memref_slice %arg8[%gather3A_1287, %gather3A_1288, %gather3A_1289] : memref<20x8x130xf32, #tpu.memory_space<vmem>> -> memref<1x8x130xf32, #tpu.memory_space<vmem>>
    %gather3A_1291 = tpu.memref_squeeze %gather3A_1290 : memref<1x8x130xf32, #tpu.memory_space<vmem>> -> memref<8x130xf32, #tpu.memory_space<vmem>>
    %gather3A_1292 = tpu.vector_load_idx %gather3A_1291[%broadcast_in_dim3A_1280, %add3A_1282] : memref<8x130xf32, #tpu.memory_space<vmem>>[vector<16xi32>, vector<16xi32>], vector<16xf32>,
    %gather3A_1293 = arith.constant 1 : i32
    %gather3A_1294 = arith.constant 0 : i32
    %gather3A_1295 = arith.constant 0 : i32
    %gather3A_1296 = tpu.memref_slice %arg8[%gather3A_1293, %gather3A_1294, %gather3A_1295] : memref<20x8x130xf32, #tpu.memory_space<vmem>> -> memref<1x8x130xf32, #tpu.memory_space<vmem>>
    %gather3A_1297 = tpu.memref_squeeze %gather3A_1296 : memref<1x8x130xf32, #tpu.memory_space<vmem>> -> memref<8x130xf32, #tpu.memory_space<vmem>>
    %gather3A_1298 = tpu.vector_load_idx %gather3A_1297[%broadcast_in_dim3A_1280, %add3A_1286] masked %lt3A_1253 : memref<8x130xf32, #tpu.memory_space<vmem>>[vector<16xi32>, vector<16xi32>], vector<16xf32>, vector<16xi1>
    %swap3A_1299 = arith.constant 1 : i32
    %swap3A_1300 = arith.index_cast %swap3A_1299 : i32 to index
    %swap3A_1301 = arith.constant 0 : index
    %swap3A_1302 = tpu.vector_load %arg9[%swap3A_1300, %swap3A_1301] {strides = array<i32>} : memref<20x32xf32, #tpu.memory_space<vmem>>, vector<16xf32>,
    tpu.vector_store %arg9[%swap3A_1300, %swap3A_1301], %gather3A_1292 {strides = array<i32>} : memref<20x32xf32, #tpu.memory_space<vmem>>, vector<16xf32>,
    %swap3A_1303 = arith.constant 1 : i32
    %swap3A_1304 = arith.index_cast %swap3A_1303 : i32 to index
    %swap3A_1305 = arith.constant 16 : index
    %swap3A_1306 = tpu.vector_load %arg9[%swap3A_1304, %swap3A_1305] {strides = array<i32>} : memref<20x32xf32, #tpu.memory_space<vmem>>, vector<16xf32>,
    tpu.vector_store %arg9[%swap3A_1304, %swap3A_1305], %gather3A_1298 {strides = array<i32>} : memref<20x32xf32, #tpu.memory_space<vmem>>, vector<16xf32>,
    %broadcast_in_dim3A_1307 = vector.broadcast %and3A_276 : i32 to vector<16xi32>
    %add3A_1308 = vector.broadcast %reduce_sum3A_274 : i32 to vector<16xi32>
    %add3A_1309 = arith.addi %add3A_1308, %iota3A : vector<16xi32>
    %add3A_1310 = arith.constant 16 : i32
    %add3A_1311 = arith.addi %reduce_sum3A_274, %add3A_1310 : i32
    %add3A_1312 = vector.broadcast %add3A_1311 : i32 to vector<16xi32>
    %add3A_1313 = arith.addi %add3A_1312, %iota3A : vector<16xi32>
    %gather3A_1314 = arith.constant 2 : i32
    %gather3A_1315 = arith.constant 0 : i32
    %gather3A_1316 = arith.constant 0 : i32
    %gather3A_1317 = tpu.memref_slice %arg8[%gather3A_1314, %gather3A_1315, %gather3A_1316] : memref<20x8x130xf32, #tpu.memory_space<vmem>> -> memref<1x8x130xf32, #tpu.memory_space<vmem>>
    %gather3A_1318 = tpu.memref_squeeze %gather3A_1317 : memref<1x8x130xf32, #tpu.memory_space<vmem>> -> memref<8x130xf32, #tpu.memory_space<vmem>>
    %gather3A_1319 = tpu.vector_load_idx %gather3A_1318[%broadcast_in_dim3A_1307, %add3A_1309] : memref<8x130xf32, #tpu.memory_space<vmem>>[vector<16xi32>, vector<16xi32>], vector<16xf32>,
    %gather3A_1320 = arith.constant 2 : i32
    %gather3A_1321 = arith.constant 0 : i32
    %gather3A_1322 = arith.constant 0 : i32
    %gather3A_1323 = tpu.memref_slice %arg8[%gather3A_1320, %gather3A_1321, %gather3A_1322] : memref<20x8x130xf32, #tpu.memory_space<vmem>> -> memref<1x8x130xf32, #tpu.memory_space<vmem>>
    %gather3A_1324 = tpu.memref_squeeze %gather3A_1323 : memref<1x8x130xf32, #tpu.memory_space<vmem>> -> memref<8x130xf32, #tpu.memory_space<vmem>>
    %gather3A_1325 = tpu.vector_load_idx %gather3A_1324[%broadcast_in_dim3A_1307, %add3A_1313] masked %lt3A_1253 : memref<8x130xf32, #tpu.memory_space<vmem>>[vector<16xi32>, vector<16xi32>], vector<16xf32>, vector<16xi1>
    %swap3A_1326 = arith.constant 2 : i32
    %swap3A_1327 = arith.index_cast %swap3A_1326 : i32 to index
    %swap3A_1328 = arith.constant 0 : index
    %swap3A_1329 = tpu.vector_load %arg9[%swap3A_1327, %swap3A_1328] {strides = array<i32>} : memref<20x32xf32, #tpu.memory_space<vmem>>, vector<16xf32>,
    tpu.vector_store %arg9[%swap3A_1327, %swap3A_1328], %gather3A_1319 {strides = array<i32>} : memref<20x32xf32, #tpu.memory_space<vmem>>, vector<16xf32>,
    %swap3A_1330 = arith.constant 2 : i32
    %swap3A_1331 = arith.index_cast %swap3A_1330 : i32 to index
    %swap3A_1332 = arith.constant 16 : index
    %swap3A_1333 = tpu.vector_load %arg9[%swap3A_1331, %swap3A_1332] {strides = array<i32>} : memref<20x32xf32, #tpu.memory_space<vmem>>, vector<16xf32>,
    tpu.vector_store %arg9[%swap3A_1331, %swap3A_1332], %gather3A_1325 {strides = array<i32>} : memref<20x32xf32, #tpu.memory_space<vmem>>, vector<16xf32>,
    %broadcast_in_dim3A_1334 = vector.broadcast %and3A_317 : i32 to vector<16xi32>
    %add3A_1335 = vector.broadcast %reduce_sum3A_315 : i32 to vector<16xi32>
    %add3A_1336 = arith.addi %add3A_1335, %iota3A : vector<16xi32>
    %add3A_1337 = arith.constant 16 : i32
    %add3A_1338 = arith.addi %reduce_sum3A_315, %add3A_1337 : i32
    %add3A_1339 = vector.broadcast %add3A_1338 : i32 to vector<16xi32>
    %add3A_1340 = arith.addi %add3A_1339, %iota3A : vector<16xi32>
    %gather3A_1341 = arith.constant 3 : i32
    %gather3A_1342 = arith.constant 0 : i32
    %gather3A_1343 = arith.constant 0 : i32
    %gather3A_1344 = tpu.memref_slice %arg8[%gather3A_1341, %gather3A_1342, %gather3A_1343] : memref<20x8x130xf32, #tpu.memory_space<vmem>> -> memref<1x8x130xf32, #tpu.memory_space<vmem>>
    %gather3A_1345 = tpu.memref_squeeze %gather3A_1344 : memref<1x8x130xf32, #tpu.memory_space<vmem>> -> memref<8x130xf32, #tpu.memory_space<vmem>>
    %gather3A_1346 = tpu.vector_load_idx %gather3A_1345[%broadcast_in_dim3A_1334, %add3A_1336] : memref<8x130xf32, #tpu.memory_space<vmem>>[vector<16xi32>, vector<16xi32>], vector<16xf32>,
    %gather3A_1347 = arith.constant 3 : i32
    %gather3A_1348 = arith.constant 0 : i32
    %gather3A_1349 = arith.constant 0 : i32
    %gather3A_1350 = tpu.memref_slice %arg8[%gather3A_1347, %gather3A_1348, %gather3A_1349] : memref<20x8x130xf32, #tpu.memory_space<vmem>> -> memref<1x8x130xf32, #tpu.memory_space<vmem>>
    %gather3A_1351 = tpu.memref_squeeze %gather3A_1350 : memref<1x8x130xf32, #tpu.memory_space<vmem>> -> memref<8x130xf32, #tpu.memory_space<vmem>>
    %gather3A_1352 = tpu.vector_load_idx %gather3A_1351[%broadcast_in_dim3A_1334, %add3A_1340] masked %lt3A_1253 : memref<8x130xf32, #tpu.memory_space<vmem>>[vector<16xi32>, vector<16xi32>], vector<16xf32>, vector<16xi1>
    %swap3A_1353 = arith.constant 3 : i32
    %swap3A_1354 = arith.index_cast %swap3A_1353 : i32 to index
    %swap3A_1355 = arith.constant 0 : index
    %swap3A_1356 = tpu.vector_load %arg9[%swap3A_1354, %swap3A_1355] {strides = array<i32>} : memref<20x32xf32, #tpu.memory_space<vmem>>, vector<16xf32>,
    tpu.vector_store %arg9[%swap3A_1354, %swap3A_1355], %gather3A_1346 {strides = array<i32>} : memref<20x32xf32, #tpu.memory_space<vmem>>, vector<16xf32>,
    %swap3A_1357 = arith.constant 3 : i32
    %swap3A_1358 = arith.index_cast %swap3A_1357 : i32 to index
    %swap3A_1359 = arith.constant 16 : index
    %swap3A_1360 = tpu.vector_load %arg9[%swap3A_1358, %swap3A_1359] {strides = array<i32>} : memref<20x32xf32, #tpu.memory_space<vmem>>, vector<16xf32>,
    tpu.vector_store %arg9[%swap3A_1358, %swap3A_1359], %gather3A_1352 {strides = array<i32>} : memref<20x32xf32, #tpu.memory_space<vmem>>, vector<16xf32>,
    %broadcast_in_dim3A_1361 = vector.broadcast %and3A_358 : i32 to vector<16xi32>
    %add3A_1362 = vector.broadcast %reduce_sum3A_356 : i32 to vector<16xi32>
    %add3A_1363 = arith.addi %add3A_1362, %iota3A : vector<16xi32>
    %add3A_1364 = arith.constant 16 : i32
    %add3A_1365 = arith.addi %reduce_sum3A_356, %add3A_1364 : i32
    %add3A_1366 = vector.broadcast %add3A_1365 : i32 to vector<16xi32>
    %add3A_1367 = arith.addi %add3A_1366, %iota3A : vector<16xi32>
    %gather3A_1368 = arith.constant 4 : i32
    %gather3A_1369 = arith.constant 0 : i32
    %gather3A_1370 = arith.constant 0 : i32
    %gather3A_1371 = tpu.memref_slice %arg8[%gather3A_1368, %gather3A_1369, %gather3A_1370] : memref<20x8x130xf32, #tpu.memory_space<vmem>> -> memref<1x8x130xf32, #tpu.memory_space<vmem>>
    %gather3A_1372 = tpu.memref_squeeze %gather3A_1371 : memref<1x8x130xf32, #tpu.memory_space<vmem>> -> memref<8x130xf32, #tpu.memory_space<vmem>>
    %gather3A_1373 = tpu.vector_load_idx %gather3A_1372[%broadcast_in_dim3A_1361, %add3A_1363] : memref<8x130xf32, #tpu.memory_space<vmem>>[vector<16xi32>, vector<16xi32>], vector<16xf32>,
    %gather3A_1374 = arith.constant 4 : i32
    %gather3A_1375 = arith.constant 0 : i32
    %gather3A_1376 = arith.constant 0 : i32
    %gather3A_1377 = tpu.memref_slice %arg8[%gather3A_1374, %gather3A_1375, %gather3A_1376] : memref<20x8x130xf32, #tpu.memory_space<vmem>> -> memref<1x8x130xf32, #tpu.memory_space<vmem>>
    %gather3A_1378 = tpu.memref_squeeze %gather3A_1377 : memref<1x8x130xf32, #tpu.memory_space<vmem>> -> memref<8x130xf32, #tpu.memory_space<vmem>>
    %gather3A_1379 = tpu.vector_load_idx %gather3A_1378[%broadcast_in_dim3A_1361, %add3A_1367] masked %lt3A_1253 : memref<8x130xf32, #tpu.memory_space<vmem>>[vector<16xi32>, vector<16xi32>], vector<16xf32>, vector<16xi1>
    %swap3A_1380 = arith.constant 4 : i32
    %swap3A_1381 = arith.index_cast %swap3A_1380 : i32 to index
    %swap3A_1382 = arith.constant 0 : index
    %swap3A_1383 = tpu.vector_load %arg9[%swap3A_1381, %swap3A_1382] {strides = array<i32>} : memref<20x32xf32, #tpu.memory_space<vmem>>, vector<16xf32>,
    tpu.vector_store %arg9[%swap3A_1381, %swap3A_1382], %gather3A_1373 {strides = array<i32>} : memref<20x32xf32, #tpu.memory_space<vmem>>, vector<16xf32>,
    %swap3A_1384 = arith.constant 4 : i32
    %swap3A_1385 = arith.index_cast %swap3A_1384 : i32 to index
    %swap3A_1386 = arith.constant 16 : index
    %swap3A_1387 = tpu.vector_load %arg9[%swap3A_1385, %swap3A_1386] {strides = array<i32>} : memref<20x32xf32, #tpu.memory_space<vmem>>, vector<16xf32>,
    tpu.vector_store %arg9[%swap3A_1385, %swap3A_1386], %gather3A_1379 {strides = array<i32>} : memref<20x32xf32, #tpu.memory_space<vmem>>, vector<16xf32>,
    %broadcast_in_dim3A_1388 = vector.broadcast %and3A_399 : i32 to vector<16xi32>
    %add3A_1389 = vector.broadcast %reduce_sum3A_397 : i32 to vector<16xi32>
    %add3A_1390 = arith.addi %add3A_1389, %iota3A : vector<16xi32>
    %add3A_1391 = arith.constant 16 : i32
    %add3A_1392 = arith.addi %reduce_sum3A_397, %add3A_1391 : i32
    %add3A_1393 = vector.broadcast %add3A_1392 : i32 to vector<16xi32>
    %add3A_1394 = arith.addi %add3A_1393, %iota3A : vector<16xi32>
    %gather3A_1395 = arith.constant 5 : i32
    %gather3A_1396 = arith.constant 0 : i32
    %gather3A_1397 = arith.constant 0 : i32
    %gather3A_1398 = tpu.memref_slice %arg8[%gather3A_1395, %gather3A_1396, %gather3A_1397] : memref<20x8x130xf32, #tpu.memory_space<vmem>> -> memref<1x8x130xf32, #tpu.memory_space<vmem>>
    %gather3A_1399 = tpu.memref_squeeze %gather3A_1398 : memref<1x8x130xf32, #tpu.memory_space<vmem>> -> memref<8x130xf32, #tpu.memory_space<vmem>>
    %gather3A_1400 = tpu.vector_load_idx %gather3A_1399[%broadcast_in_dim3A_1388, %add3A_1390] : memref<8x130xf32, #tpu.memory_space<vmem>>[vector<16xi32>, vector<16xi32>], vector<16xf32>,
    %gather3A_1401 = arith.constant 5 : i32
    %gather3A_1402 = arith.constant 0 : i32
    %gather3A_1403 = arith.constant 0 : i32
    %gather3A_1404 = tpu.memref_slice %arg8[%gather3A_1401, %gather3A_1402, %gather3A_1403] : memref<20x8x130xf32, #tpu.memory_space<vmem>> -> memref<1x8x130xf32, #tpu.memory_space<vmem>>
    %gather3A_1405 = tpu.memref_squeeze %gather3A_1404 : memref<1x8x130xf32, #tpu.memory_space<vmem>> -> memref<8x130xf32, #tpu.memory_space<vmem>>
    %gather3A_1406 = tpu.vector_load_idx %gather3A_1405[%broadcast_in_dim3A_1388, %add3A_1394] masked %lt3A_1253 : memref<8x130xf32, #tpu.memory_space<vmem>>[vector<16xi32>, vector<16xi32>], vector<16xf32>, vector<16xi1>
    %swap3A_1407 = arith.constant 5 : i32
    %swap3A_1408 = arith.index_cast %swap3A_1407 : i32 to index
    %swap3A_1409 = arith.constant 0 : index
    %swap3A_1410 = tpu.vector_load %arg9[%swap3A_1408, %swap3A_1409] {strides = array<i32>} : memref<20x32xf32, #tpu.memory_space<vmem>>, vector<16xf32>,
    tpu.vector_store %arg9[%swap3A_1408, %swap3A_1409], %gather3A_1400 {strides = array<i32>} : memref<20x32xf32, #tpu.memory_space<vmem>>, vector<16xf32>,
    %swap3A_1411 = arith.constant 5 : i32
    %swap3A_1412 = arith.index_cast %swap3A_1411 : i32 to index
    %swap3A_1413 = arith.constant 16 : index
    %swap3A_1414 = tpu.vector_load %arg9[%swap3A_1412, %swap3A_1413] {strides = array<i32>} : memref<20x32xf32, #tpu.memory_space<vmem>>, vector<16xf32>,
    tpu.vector_store %arg9[%swap3A_1412, %swap3A_1413], %gather3A_1406 {strides = array<i32>} : memref<20x32xf32, #tpu.memory_space<vmem>>, vector<16xf32>,
    %broadcast_in_dim3A_1415 = vector.broadcast %and3A_440 : i32 to vector<16xi32>
    %add3A_1416 = vector.broadcast %reduce_sum3A_438 : i32 to vector<16xi32>
    %add3A_1417 = arith.addi %add3A_1416, %iota3A : vector<16xi32>
    %add3A_1418 = arith.constant 16 : i32
    %add3A_1419 = arith.addi %reduce_sum3A_438, %add3A_1418 : i32
    %add3A_1420 = vector.broadcast %add3A_1419 : i32 to vector<16xi32>
    %add3A_1421 = arith.addi %add3A_1420, %iota3A : vector<16xi32>
    %gather3A_1422 = arith.constant 6 : i32
    %gather3A_1423 = arith.constant 0 : i32
    %gather3A_1424 = arith.constant 0 : i32
    %gather3A_1425 = tpu.memref_slice %arg8[%gather3A_1422, %gather3A_1423, %gather3A_1424] : memref<20x8x130xf32, #tpu.memory_space<vmem>> -> memref<1x8x130xf32, #tpu.memory_space<vmem>>
    %gather3A_1426 = tpu.memref_squeeze %gather3A_1425 : memref<1x8x130xf32, #tpu.memory_space<vmem>> -> memref<8x130xf32, #tpu.memory_space<vmem>>
    %gather3A_1427 = tpu.vector_load_idx %gather3A_1426[%broadcast_in_dim3A_1415, %add3A_1417] : memref<8x130xf32, #tpu.memory_space<vmem>>[vector<16xi32>, vector<16xi32>], vector<16xf32>,
    %gather3A_1428 = arith.constant 6 : i32
    %gather3A_1429 = arith.constant 0 : i32
    %gather3A_1430 = arith.constant 0 : i32
    %gather3A_1431 = tpu.memref_slice %arg8[%gather3A_1428, %gather3A_1429, %gather3A_1430] : memref<20x8x130xf32, #tpu.memory_space<vmem>> -> memref<1x8x130xf32, #tpu.memory_space<vmem>>
    %gather3A_1432 = tpu.memref_squeeze %gather3A_1431 : memref<1x8x130xf32, #tpu.memory_space<vmem>> -> memref<8x130xf32, #tpu.memory_space<vmem>>
    %gather3A_1433 = tpu.vector_load_idx %gather3A_1432[%broadcast_in_dim3A_1415, %add3A_1421] masked %lt3A_1253 : memref<8x130xf32, #tpu.memory_space<vmem>>[vector<16xi32>, vector<16xi32>], vector<16xf32>, vector<16xi1>
    %swap3A_1434 = arith.constant 6 : i32
    %swap3A_1435 = arith.index_cast %swap3A_1434 : i32 to index
    %swap3A_1436 = arith.constant 0 : index
    %swap3A_1437 = tpu.vector_load %arg9[%swap3A_1435, %swap3A_1436] {strides = array<i32>} : memref<20x32xf32, #tpu.memory_space<vmem>>, vector<16xf32>,
    tpu.vector_store %arg9[%swap3A_1435, %swap3A_1436], %gather3A_1427 {strides = array<i32>} : memref<20x32xf32, #tpu.memory_space<vmem>>, vector<16xf32>,
    %swap3A_1438 = arith.constant 6 : i32
    %swap3A_1439 = arith.index_cast %swap3A_1438 : i32 to index
    %swap3A_1440 = arith.constant 16 : index
    %swap3A_1441 = tpu.vector_load %arg9[%swap3A_1439, %swap3A_1440] {strides = array<i32>} : memref<20x32xf32, #tpu.memory_space<vmem>>, vector<16xf32>,
    tpu.vector_store %arg9[%swap3A_1439, %swap3A_1440], %gather3A_1433 {strides = array<i32>} : memref<20x32xf32, #tpu.memory_space<vmem>>, vector<16xf32>,
    %broadcast_in_dim3A_1442 = vector.broadcast %and3A_481 : i32 to vector<16xi32>
    %add3A_1443 = vector.broadcast %reduce_sum3A_479 : i32 to vector<16xi32>
    %add3A_1444 = arith.addi %add3A_1443, %iota3A : vector<16xi32>
    %add3A_1445 = arith.constant 16 : i32
    %add3A_1446 = arith.addi %reduce_sum3A_479, %add3A_1445 : i32
    %add3A_1447 = vector.broadcast %add3A_1446 : i32 to vector<16xi32>
    %add3A_1448 = arith.addi %add3A_1447, %iota3A : vector<16xi32>
    %gather3A_1449 = arith.constant 7 : i32
    %gather3A_1450 = arith.constant 0 : i32
    %gather3A_1451 = arith.constant 0 : i32
    %gather3A_1452 = tpu.memref_slice %arg8[%gather3A_1449, %gather3A_1450, %gather3A_1451] : memref<20x8x130xf32, #tpu.memory_space<vmem>> -> memref<1x8x130xf32, #tpu.memory_space<vmem>>
    %gather3A_1453 = tpu.memref_squeeze %gather3A_1452 : memref<1x8x130xf32, #tpu.memory_space<vmem>> -> memref<8x130xf32, #tpu.memory_space<vmem>>
    %gather3A_1454 = tpu.vector_load_idx %gather3A_1453[%broadcast_in_dim3A_1442, %add3A_1444] : memref<8x130xf32, #tpu.memory_space<vmem>>[vector<16xi32>, vector<16xi32>], vector<16xf32>,
    %gather3A_1455 = arith.constant 7 : i32
    %gather3A_1456 = arith.constant 0 : i32
    %gather3A_1457 = arith.constant 0 : i32
    %gather3A_1458 = tpu.memref_slice %arg8[%gather3A_1455, %gather3A_1456, %gather3A_1457] : memref<20x8x130xf32, #tpu.memory_space<vmem>> -> memref<1x8x130xf32, #tpu.memory_space<vmem>>
    %gather3A_1459 = tpu.memref_squeeze %gather3A_1458 : memref<1x8x130xf32, #tpu.memory_space<vmem>> -> memref<8x130xf32, #tpu.memory_space<vmem>>
    %gather3A_1460 = tpu.vector_load_idx %gather3A_1459[%broadcast_in_dim3A_1442, %add3A_1448] masked %lt3A_1253 : memref<8x130xf32, #tpu.memory_space<vmem>>[vector<16xi32>, vector<16xi32>], vector<16xf32>, vector<16xi1>
    %swap3A_1461 = arith.constant 7 : i32
    %swap3A_1462 = arith.index_cast %swap3A_1461 : i32 to index
    %swap3A_1463 = arith.constant 0 : index
    %swap3A_1464 = tpu.vector_load %arg9[%swap3A_1462, %swap3A_1463] {strides = array<i32>} : memref<20x32xf32, #tpu.memory_space<vmem>>, vector<16xf32>,
    tpu.vector_store %arg9[%swap3A_1462, %swap3A_1463], %gather3A_1454 {strides = array<i32>} : memref<20x32xf32, #tpu.memory_space<vmem>>, vector<16xf32>,
    %swap3A_1465 = arith.constant 7 : i32
    %swap3A_1466 = arith.index_cast %swap3A_1465 : i32 to index
    %swap3A_1467 = arith.constant 16 : index
    %swap3A_1468 = tpu.vector_load %arg9[%swap3A_1466, %swap3A_1467] {strides = array<i32>} : memref<20x32xf32, #tpu.memory_space<vmem>>, vector<16xf32>,
    tpu.vector_store %arg9[%swap3A_1466, %swap3A_1467], %gather3A_1460 {strides = array<i32>} : memref<20x32xf32, #tpu.memory_space<vmem>>, vector<16xf32>,
    %broadcast_in_dim3A_1469 = vector.broadcast %and3A_522 : i32 to vector<16xi32>
    %add3A_1470 = vector.broadcast %reduce_sum3A_520 : i32 to vector<16xi32>
    %add3A_1471 = arith.addi %add3A_1470, %iota3A : vector<16xi32>
    %add3A_1472 = arith.constant 16 : i32
    %add3A_1473 = arith.addi %reduce_sum3A_520, %add3A_1472 : i32
    %add3A_1474 = vector.broadcast %add3A_1473 : i32 to vector<16xi32>
    %add3A_1475 = arith.addi %add3A_1474, %iota3A : vector<16xi32>
    %gather3A_1476 = arith.constant 8 : i32
    %gather3A_1477 = arith.constant 0 : i32
    %gather3A_1478 = arith.constant 0 : i32
    %gather3A_1479 = tpu.memref_slice %arg8[%gather3A_1476, %gather3A_1477, %gather3A_1478] : memref<20x8x130xf32, #tpu.memory_space<vmem>> -> memref<1x8x130xf32, #tpu.memory_space<vmem>>
    %gather3A_1480 = tpu.memref_squeeze %gather3A_1479 : memref<1x8x130xf32, #tpu.memory_space<vmem>> -> memref<8x130xf32, #tpu.memory_space<vmem>>
    %gather3A_1481 = tpu.vector_load_idx %gather3A_1480[%broadcast_in_dim3A_1469, %add3A_1471] : memref<8x130xf32, #tpu.memory_space<vmem>>[vector<16xi32>, vector<16xi32>], vector<16xf32>,
    %gather3A_1482 = arith.constant 8 : i32
    %gather3A_1483 = arith.constant 0 : i32
    %gather3A_1484 = arith.constant 0 : i32
    %gather3A_1485 = tpu.memref_slice %arg8[%gather3A_1482, %gather3A_1483, %gather3A_1484] : memref<20x8x130xf32, #tpu.memory_space<vmem>> -> memref<1x8x130xf32, #tpu.memory_space<vmem>>
    %gather3A_1486 = tpu.memref_squeeze %gather3A_1485 : memref<1x8x130xf32, #tpu.memory_space<vmem>> -> memref<8x130xf32, #tpu.memory_space<vmem>>
    %gather3A_1487 = tpu.vector_load_idx %gather3A_1486[%broadcast_in_dim3A_1469, %add3A_1475] masked %lt3A_1253 : memref<8x130xf32, #tpu.memory_space<vmem>>[vector<16xi32>, vector<16xi32>], vector<16xf32>, vector<16xi1>
    %swap3A_1488 = arith.constant 8 : i32
    %swap3A_1489 = arith.index_cast %swap3A_1488 : i32 to index
    %swap3A_1490 = arith.constant 0 : index
    %swap3A_1491 = tpu.vector_load %arg9[%swap3A_1489, %swap3A_1490] {strides = array<i32>} : memref<20x32xf32, #tpu.memory_space<vmem>>, vector<16xf32>,
    tpu.vector_store %arg9[%swap3A_1489, %swap3A_1490], %gather3A_1481 {strides = array<i32>} : memref<20x32xf32, #tpu.memory_space<vmem>>, vector<16xf32>,
    %swap3A_1492 = arith.constant 8 : i32
    %swap3A_1493 = arith.index_cast %swap3A_1492 : i32 to index
    %swap3A_1494 = arith.constant 16 : index
    %swap3A_1495 = tpu.vector_load %arg9[%swap3A_1493, %swap3A_1494] {strides = array<i32>} : memref<20x32xf32, #tpu.memory_space<vmem>>, vector<16xf32>,
    tpu.vector_store %arg9[%swap3A_1493, %swap3A_1494], %gather3A_1487 {strides = array<i32>} : memref<20x32xf32, #tpu.memory_space<vmem>>, vector<16xf32>,
    %broadcast_in_dim3A_1496 = vector.broadcast %and3A_563 : i32 to vector<16xi32>
    %add3A_1497 = vector.broadcast %reduce_sum3A_561 : i32 to vector<16xi32>
    %add3A_1498 = arith.addi %add3A_1497, %iota3A : vector<16xi32>
    %add3A_1499 = arith.constant 16 : i32
    %add3A_1500 = arith.addi %reduce_sum3A_561, %add3A_1499 : i32
    %add3A_1501 = vector.broadcast %add3A_1500 : i32 to vector<16xi32>
    %add3A_1502 = arith.addi %add3A_1501, %iota3A : vector<16xi32>
    %gather3A_1503 = arith.constant 9 : i32
    %gather3A_1504 = arith.constant 0 : i32
    %gather3A_1505 = arith.constant 0 : i32
    %gather3A_1506 = tpu.memref_slice %arg8[%gather3A_1503, %gather3A_1504, %gather3A_1505] : memref<20x8x130xf32, #tpu.memory_space<vmem>> -> memref<1x8x130xf32, #tpu.memory_space<vmem>>
    %gather3A_1507 = tpu.memref_squeeze %gather3A_1506 : memref<1x8x130xf32, #tpu.memory_space<vmem>> -> memref<8x130xf32, #tpu.memory_space<vmem>>
    %gather3A_1508 = tpu.vector_load_idx %gather3A_1507[%broadcast_in_dim3A_1496, %add3A_1498] : memref<8x130xf32, #tpu.memory_space<vmem>>[vector<16xi32>, vector<16xi32>], vector<16xf32>,
    %gather3A_1509 = arith.constant 9 : i32
    %gather3A_1510 = arith.constant 0 : i32
    %gather3A_1511 = arith.constant 0 : i32
    %gather3A_1512 = tpu.memref_slice %arg8[%gather3A_1509, %gather3A_1510, %gather3A_1511] : memref<20x8x130xf32, #tpu.memory_space<vmem>> -> memref<1x8x130xf32, #tpu.memory_space<vmem>>
    %gather3A_1513 = tpu.memref_squeeze %gather3A_1512 : memref<1x8x130xf32, #tpu.memory_space<vmem>> -> memref<8x130xf32, #tpu.memory_space<vmem>>
    %gather3A_1514 = tpu.vector_load_idx %gather3A_1513[%broadcast_in_dim3A_1496, %add3A_1502] masked %lt3A_1253 : memref<8x130xf32, #tpu.memory_space<vmem>>[vector<16xi32>, vector<16xi32>], vector<16xf32>, vector<16xi1>
    %swap3A_1515 = arith.constant 9 : i32
    %swap3A_1516 = arith.index_cast %swap3A_1515 : i32 to index
    %swap3A_1517 = arith.constant 0 : index
    %swap3A_1518 = tpu.vector_load %arg9[%swap3A_1516, %swap3A_1517] {strides = array<i32>} : memref<20x32xf32, #tpu.memory_space<vmem>>, vector<16xf32>,
    tpu.vector_store %arg9[%swap3A_1516, %swap3A_1517], %gather3A_1508 {strides = array<i32>} : memref<20x32xf32, #tpu.memory_space<vmem>>, vector<16xf32>,
    %swap3A_1519 = arith.constant 9 : i32
    %swap3A_1520 = arith.index_cast %swap3A_1519 : i32 to index
    %swap3A_1521 = arith.constant 16 : index
    %swap3A_1522 = tpu.vector_load %arg9[%swap3A_1520, %swap3A_1521] {strides = array<i32>} : memref<20x32xf32, #tpu.memory_space<vmem>>, vector<16xf32>,
    tpu.vector_store %arg9[%swap3A_1520, %swap3A_1521], %gather3A_1514 {strides = array<i32>} : memref<20x32xf32, #tpu.memory_space<vmem>>, vector<16xf32>,
    %broadcast_in_dim3A_1523 = vector.broadcast %and3A_604 : i32 to vector<16xi32>
    %add3A_1524 = vector.broadcast %reduce_sum3A_602 : i32 to vector<16xi32>
    %add3A_1525 = arith.addi %add3A_1524, %iota3A : vector<16xi32>
    %add3A_1526 = arith.constant 16 : i32
    %add3A_1527 = arith.addi %reduce_sum3A_602, %add3A_1526 : i32
    %add3A_1528 = vector.broadcast %add3A_1527 : i32 to vector<16xi32>
    %add3A_1529 = arith.addi %add3A_1528, %iota3A : vector<16xi32>
    %gather3A_1530 = arith.constant 10 : i32
    %gather3A_1531 = arith.constant 0 : i32
    %gather3A_1532 = arith.constant 0 : i32
    %gather3A_1533 = tpu.memref_slice %arg8[%gather3A_1530, %gather3A_1531, %gather3A_1532] : memref<20x8x130xf32, #tpu.memory_space<vmem>> -> memref<1x8x130xf32, #tpu.memory_space<vmem>>
    %gather3A_1534 = tpu.memref_squeeze %gather3A_1533 : memref<1x8x130xf32, #tpu.memory_space<vmem>> -> memref<8x130xf32, #tpu.memory_space<vmem>>
    %gather3A_1535 = tpu.vector_load_idx %gather3A_1534[%broadcast_in_dim3A_1523, %add3A_1525] : memref<8x130xf32, #tpu.memory_space<vmem>>[vector<16xi32>, vector<16xi32>], vector<16xf32>,
    %gather3A_1536 = arith.constant 10 : i32
    %gather3A_1537 = arith.constant 0 : i32
    %gather3A_1538 = arith.constant 0 : i32
    %gather3A_1539 = tpu.memref_slice %arg8[%gather3A_1536, %gather3A_1537, %gather3A_1538] : memref<20x8x130xf32, #tpu.memory_space<vmem>> -> memref<1x8x130xf32, #tpu.memory_space<vmem>>
    %gather3A_1540 = tpu.memref_squeeze %gather3A_1539 : memref<1x8x130xf32, #tpu.memory_space<vmem>> -> memref<8x130xf32, #tpu.memory_space<vmem>>
    %gather3A_1541 = tpu.vector_load_idx %gather3A_1540[%broadcast_in_dim3A_1523, %add3A_1529] masked %lt3A_1253 : memref<8x130xf32, #tpu.memory_space<vmem>>[vector<16xi32>, vector<16xi32>], vector<16xf32>, vector<16xi1>
    %swap3A_1542 = arith.constant 10 : i32
    %swap3A_1543 = arith.index_cast %swap3A_1542 : i32 to index
    %swap3A_1544 = arith.constant 0 : index
    %swap3A_1545 = tpu.vector_load %arg9[%swap3A_1543, %swap3A_1544] {strides = array<i32>} : memref<20x32xf32, #tpu.memory_space<vmem>>, vector<16xf32>,
    tpu.vector_store %arg9[%swap3A_1543, %swap3A_1544], %gather3A_1535 {strides = array<i32>} : memref<20x32xf32, #tpu.memory_space<vmem>>, vector<16xf32>,
    %swap3A_1546 = arith.constant 10 : i32
    %swap3A_1547 = arith.index_cast %swap3A_1546 : i32 to index
    %swap3A_1548 = arith.constant 16 : index
    %swap3A_1549 = tpu.vector_load %arg9[%swap3A_1547, %swap3A_1548] {strides = array<i32>} : memref<20x32xf32, #tpu.memory_space<vmem>>, vector<16xf32>,
    tpu.vector_store %arg9[%swap3A_1547, %swap3A_1548], %gather3A_1541 {strides = array<i32>} : memref<20x32xf32, #tpu.memory_space<vmem>>, vector<16xf32>,
    %broadcast_in_dim3A_1550 = vector.broadcast %and3A_645 : i32 to vector<16xi32>
    %add3A_1551 = vector.broadcast %reduce_sum3A_643 : i32 to vector<16xi32>
    %add3A_1552 = arith.addi %add3A_1551, %iota3A : vector<16xi32>
    %add3A_1553 = arith.constant 16 : i32
    %add3A_1554 = arith.addi %reduce_sum3A_643, %add3A_1553 : i32
    %add3A_1555 = vector.broadcast %add3A_1554 : i32 to vector<16xi32>
    %add3A_1556 = arith.addi %add3A_1555, %iota3A : vector<16xi32>
    %gather3A_1557 = arith.constant 11 : i32
    %gather3A_1558 = arith.constant 0 : i32
    %gather3A_1559 = arith.constant 0 : i32
    %gather3A_1560 = tpu.memref_slice %arg8[%gather3A_1557, %gather3A_1558, %gather3A_1559] : memref<20x8x130xf32, #tpu.memory_space<vmem>> -> memref<1x8x130xf32, #tpu.memory_space<vmem>>
    %gather3A_1561 = tpu.memref_squeeze %gather3A_1560 : memref<1x8x130xf32, #tpu.memory_space<vmem>> -> memref<8x130xf32, #tpu.memory_space<vmem>>
    %gather3A_1562 = tpu.vector_load_idx %gather3A_1561[%broadcast_in_dim3A_1550, %add3A_1552] : memref<8x130xf32, #tpu.memory_space<vmem>>[vector<16xi32>, vector<16xi32>], vector<16xf32>,
    %gather3A_1563 = arith.constant 11 : i32
    %gather3A_1564 = arith.constant 0 : i32
    %gather3A_1565 = arith.constant 0 : i32
    %gather3A_1566 = tpu.memref_slice %arg8[%gather3A_1563, %gather3A_1564, %gather3A_1565] : memref<20x8x130xf32, #tpu.memory_space<vmem>> -> memref<1x8x130xf32, #tpu.memory_space<vmem>>
    %gather3A_1567 = tpu.memref_squeeze %gather3A_1566 : memref<1x8x130xf32, #tpu.memory_space<vmem>> -> memref<8x130xf32, #tpu.memory_space<vmem>>
    %gather3A_1568 = tpu.vector_load_idx %gather3A_1567[%broadcast_in_dim3A_1550, %add3A_1556] masked %lt3A_1253 : memref<8x130xf32, #tpu.memory_space<vmem>>[vector<16xi32>, vector<16xi32>], vector<16xf32>, vector<16xi1>
    %swap3A_1569 = arith.constant 11 : i32
    %swap3A_1570 = arith.index_cast %swap3A_1569 : i32 to index
    %swap3A_1571 = arith.constant 0 : index
    %swap3A_1572 = tpu.vector_load %arg9[%swap3A_1570, %swap3A_1571] {strides = array<i32>} : memref<20x32xf32, #tpu.memory_space<vmem>>, vector<16xf32>,
    tpu.vector_store %arg9[%swap3A_1570, %swap3A_1571], %gather3A_1562 {strides = array<i32>} : memref<20x32xf32, #tpu.memory_space<vmem>>, vector<16xf32>,
    %swap3A_1573 = arith.constant 11 : i32
    %swap3A_1574 = arith.index_cast %swap3A_1573 : i32 to index
    %swap3A_1575 = arith.constant 16 : index
    %swap3A_1576 = tpu.vector_load %arg9[%swap3A_1574, %swap3A_1575] {strides = array<i32>} : memref<20x32xf32, #tpu.memory_space<vmem>>, vector<16xf32>,
    tpu.vector_store %arg9[%swap3A_1574, %swap3A_1575], %gather3A_1568 {strides = array<i32>} : memref<20x32xf32, #tpu.memory_space<vmem>>, vector<16xf32>,
    %broadcast_in_dim3A_1577 = vector.broadcast %and3A_686 : i32 to vector<16xi32>
    %add3A_1578 = vector.broadcast %reduce_sum3A_684 : i32 to vector<16xi32>
    %add3A_1579 = arith.addi %add3A_1578, %iota3A : vector<16xi32>
    %add3A_1580 = arith.constant 16 : i32
    %add3A_1581 = arith.addi %reduce_sum3A_684, %add3A_1580 : i32
    %add3A_1582 = vector.broadcast %add3A_1581 : i32 to vector<16xi32>
    %add3A_1583 = arith.addi %add3A_1582, %iota3A : vector<16xi32>
    %gather3A_1584 = arith.constant 12 : i32
    %gather3A_1585 = arith.constant 0 : i32
    %gather3A_1586 = arith.constant 0 : i32
    %gather3A_1587 = tpu.memref_slice %arg8[%gather3A_1584, %gather3A_1585, %gather3A_1586] : memref<20x8x130xf32, #tpu.memory_space<vmem>> -> memref<1x8x130xf32, #tpu.memory_space<vmem>>
    %gather3A_1588 = tpu.memref_squeeze %gather3A_1587 : memref<1x8x130xf32, #tpu.memory_space<vmem>> -> memref<8x130xf32, #tpu.memory_space<vmem>>
    %gather3A_1589 = tpu.vector_load_idx %gather3A_1588[%broadcast_in_dim3A_1577, %add3A_1579] : memref<8x130xf32, #tpu.memory_space<vmem>>[vector<16xi32>, vector<16xi32>], vector<16xf32>,
    %gather3A_1590 = arith.constant 12 : i32
    %gather3A_1591 = arith.constant 0 : i32
    %gather3A_1592 = arith.constant 0 : i32
    %gather3A_1593 = tpu.memref_slice %arg8[%gather3A_1590, %gather3A_1591, %gather3A_1592] : memref<20x8x130xf32, #tpu.memory_space<vmem>> -> memref<1x8x130xf32, #tpu.memory_space<vmem>>
    %gather3A_1594 = tpu.memref_squeeze %gather3A_1593 : memref<1x8x130xf32, #tpu.memory_space<vmem>> -> memref<8x130xf32, #tpu.memory_space<vmem>>
    %gather3A_1595 = tpu.vector_load_idx %gather3A_1594[%broadcast_in_dim3A_1577, %add3A_1583] masked %lt3A_1253 : memref<8x130xf32, #tpu.memory_space<vmem>>[vector<16xi32>, vector<16xi32>], vector<16xf32>, vector<16xi1>
    %swap3A_1596 = arith.constant 12 : i32
    %swap3A_1597 = arith.index_cast %swap3A_1596 : i32 to index
    %swap3A_1598 = arith.constant 0 : index
    %swap3A_1599 = tpu.vector_load %arg9[%swap3A_1597, %swap3A_1598] {strides = array<i32>} : memref<20x32xf32, #tpu.memory_space<vmem>>, vector<16xf32>,
    tpu.vector_store %arg9[%swap3A_1597, %swap3A_1598], %gather3A_1589 {strides = array<i32>} : memref<20x32xf32, #tpu.memory_space<vmem>>, vector<16xf32>,
    %swap3A_1600 = arith.constant 12 : i32
    %swap3A_1601 = arith.index_cast %swap3A_1600 : i32 to index
    %swap3A_1602 = arith.constant 16 : index
    %swap3A_1603 = tpu.vector_load %arg9[%swap3A_1601, %swap3A_1602] {strides = array<i32>} : memref<20x32xf32, #tpu.memory_space<vmem>>, vector<16xf32>,
    tpu.vector_store %arg9[%swap3A_1601, %swap3A_1602], %gather3A_1595 {strides = array<i32>} : memref<20x32xf32, #tpu.memory_space<vmem>>, vector<16xf32>,
    %broadcast_in_dim3A_1604 = vector.broadcast %and3A_727 : i32 to vector<16xi32>
    %add3A_1605 = vector.broadcast %reduce_sum3A_725 : i32 to vector<16xi32>
    %add3A_1606 = arith.addi %add3A_1605, %iota3A : vector<16xi32>
    %add3A_1607 = arith.constant 16 : i32
    %add3A_1608 = arith.addi %reduce_sum3A_725, %add3A_1607 : i32
    %add3A_1609 = vector.broadcast %add3A_1608 : i32 to vector<16xi32>
    %add3A_1610 = arith.addi %add3A_1609, %iota3A : vector<16xi32>
    %gather3A_1611 = arith.constant 13 : i32
    %gather3A_1612 = arith.constant 0 : i32
    %gather3A_1613 = arith.constant 0 : i32
    %gather3A_1614 = tpu.memref_slice %arg8[%gather3A_1611, %gather3A_1612, %gather3A_1613] : memref<20x8x130xf32, #tpu.memory_space<vmem>> -> memref<1x8x130xf32, #tpu.memory_space<vmem>>
    %gather3A_1615 = tpu.memref_squeeze %gather3A_1614 : memref<1x8x130xf32, #tpu.memory_space<vmem>> -> memref<8x130xf32, #tpu.memory_space<vmem>>
    %gather3A_1616 = tpu.vector_load_idx %gather3A_1615[%broadcast_in_dim3A_1604, %add3A_1606] : memref<8x130xf32, #tpu.memory_space<vmem>>[vector<16xi32>, vector<16xi32>], vector<16xf32>,
    %gather3A_1617 = arith.constant 13 : i32
    %gather3A_1618 = arith.constant 0 : i32
    %gather3A_1619 = arith.constant 0 : i32
    %gather3A_1620 = tpu.memref_slice %arg8[%gather3A_1617, %gather3A_1618, %gather3A_1619] : memref<20x8x130xf32, #tpu.memory_space<vmem>> -> memref<1x8x130xf32, #tpu.memory_space<vmem>>
    %gather3A_1621 = tpu.memref_squeeze %gather3A_1620 : memref<1x8x130xf32, #tpu.memory_space<vmem>> -> memref<8x130xf32, #tpu.memory_space<vmem>>
    %gather3A_1622 = tpu.vector_load_idx %gather3A_1621[%broadcast_in_dim3A_1604, %add3A_1610] masked %lt3A_1253 : memref<8x130xf32, #tpu.memory_space<vmem>>[vector<16xi32>, vector<16xi32>], vector<16xf32>, vector<16xi1>
    %swap3A_1623 = arith.constant 13 : i32
    %swap3A_1624 = arith.index_cast %swap3A_1623 : i32 to index
    %swap3A_1625 = arith.constant 0 : index
    %swap3A_1626 = tpu.vector_load %arg9[%swap3A_1624, %swap3A_1625] {strides = array<i32>} : memref<20x32xf32, #tpu.memory_space<vmem>>, vector<16xf32>,
    tpu.vector_store %arg9[%swap3A_1624, %swap3A_1625], %gather3A_1616 {strides = array<i32>} : memref<20x32xf32, #tpu.memory_space<vmem>>, vector<16xf32>,
    %swap3A_1627 = arith.constant 13 : i32
    %swap3A_1628 = arith.index_cast %swap3A_1627 : i32 to index
    %swap3A_1629 = arith.constant 16 : index
    %swap3A_1630 = tpu.vector_load %arg9[%swap3A_1628, %swap3A_1629] {strides = array<i32>} : memref<20x32xf32, #tpu.memory_space<vmem>>, vector<16xf32>,
    tpu.vector_store %arg9[%swap3A_1628, %swap3A_1629], %gather3A_1622 {strides = array<i32>} : memref<20x32xf32, #tpu.memory_space<vmem>>, vector<16xf32>,
    %broadcast_in_dim3A_1631 = vector.broadcast %and3A_768 : i32 to vector<16xi32>
    %add3A_1632 = vector.broadcast %reduce_sum3A_766 : i32 to vector<16xi32>
    %add3A_1633 = arith.addi %add3A_1632, %iota3A : vector<16xi32>
    %add3A_1634 = arith.constant 16 : i32
    %add3A_1635 = arith.addi %reduce_sum3A_766, %add3A_1634 : i32
    %add3A_1636 = vector.broadcast %add3A_1635 : i32 to vector<16xi32>
    %add3A_1637 = arith.addi %add3A_1636, %iota3A : vector<16xi32>
    %gather3A_1638 = arith.constant 14 : i32
    %gather3A_1639 = arith.constant 0 : i32
    %gather3A_1640 = arith.constant 0 : i32
    %gather3A_1641 = tpu.memref_slice %arg8[%gather3A_1638, %gather3A_1639, %gather3A_1640] : memref<20x8x130xf32, #tpu.memory_space<vmem>> -> memref<1x8x130xf32, #tpu.memory_space<vmem>>
    %gather3A_1642 = tpu.memref_squeeze %gather3A_1641 : memref<1x8x130xf32, #tpu.memory_space<vmem>> -> memref<8x130xf32, #tpu.memory_space<vmem>>
    %gather3A_1643 = tpu.vector_load_idx %gather3A_1642[%broadcast_in_dim3A_1631, %add3A_1633] : memref<8x130xf32, #tpu.memory_space<vmem>>[vector<16xi32>, vector<16xi32>], vector<16xf32>,
    %gather3A_1644 = arith.constant 14 : i32
    %gather3A_1645 = arith.constant 0 : i32
    %gather3A_1646 = arith.constant 0 : i32
    %gather3A_1647 = tpu.memref_slice %arg8[%gather3A_1644, %gather3A_1645, %gather3A_1646] : memref<20x8x130xf32, #tpu.memory_space<vmem>> -> memref<1x8x130xf32, #tpu.memory_space<vmem>>
    %gather3A_1648 = tpu.memref_squeeze %gather3A_1647 : memref<1x8x130xf32, #tpu.memory_space<vmem>> -> memref<8x130xf32, #tpu.memory_space<vmem>>
    %gather3A_1649 = tpu.vector_load_idx %gather3A_1648[%broadcast_in_dim3A_1631, %add3A_1637] masked %lt3A_1253 : memref<8x130xf32, #tpu.memory_space<vmem>>[vector<16xi32>, vector<16xi32>], vector<16xf32>, vector<16xi1>
    %swap3A_1650 = arith.constant 14 : i32
    %swap3A_1651 = arith.index_cast %swap3A_1650 : i32 to index
    %swap3A_1652 = arith.constant 0 : index
    %swap3A_1653 = tpu.vector_load %arg9[%swap3A_1651, %swap3A_1652] {strides = array<i32>} : memref<20x32xf32, #tpu.memory_space<vmem>>, vector<16xf32>,
    tpu.vector_store %arg9[%swap3A_1651, %swap3A_1652], %gather3A_1643 {strides = array<i32>} : memref<20x32xf32, #tpu.memory_space<vmem>>, vector<16xf32>,
    %swap3A_1654 = arith.constant 14 : i32
    %swap3A_1655 = arith.index_cast %swap3A_1654 : i32 to index
    %swap3A_1656 = arith.constant 16 : index
    %swap3A_1657 = tpu.vector_load %arg9[%swap3A_1655, %swap3A_1656] {strides = array<i32>} : memref<20x32xf32, #tpu.memory_space<vmem>>, vector<16xf32>,
    tpu.vector_store %arg9[%swap3A_1655, %swap3A_1656], %gather3A_1649 {strides = array<i32>} : memref<20x32xf32, #tpu.memory_space<vmem>>, vector<16xf32>,
    %broadcast_in_dim3A_1658 = vector.broadcast %and3A_809 : i32 to vector<16xi32>
    %add3A_1659 = vector.broadcast %reduce_sum3A_807 : i32 to vector<16xi32>
    %add3A_1660 = arith.addi %add3A_1659, %iota3A : vector<16xi32>
    %add3A_1661 = arith.constant 16 : i32
    %add3A_1662 = arith.addi %reduce_sum3A_807, %add3A_1661 : i32
    %add3A_1663 = vector.broadcast %add3A_1662 : i32 to vector<16xi32>
    %add3A_1664 = arith.addi %add3A_1663, %iota3A : vector<16xi32>
    %gather3A_1665 = arith.constant 15 : i32
    %gather3A_1666 = arith.constant 0 : i32
    %gather3A_1667 = arith.constant 0 : i32
    %gather3A_1668 = tpu.memref_slice %arg8[%gather3A_1665, %gather3A_1666, %gather3A_1667] : memref<20x8x130xf32, #tpu.memory_space<vmem>> -> memref<1x8x130xf32, #tpu.memory_space<vmem>>
    %gather3A_1669 = tpu.memref_squeeze %gather3A_1668 : memref<1x8x130xf32, #tpu.memory_space<vmem>> -> memref<8x130xf32, #tpu.memory_space<vmem>>
    %gather3A_1670 = tpu.vector_load_idx %gather3A_1669[%broadcast_in_dim3A_1658, %add3A_1660] : memref<8x130xf32, #tpu.memory_space<vmem>>[vector<16xi32>, vector<16xi32>], vector<16xf32>,
    %gather3A_1671 = arith.constant 15 : i32
    %gather3A_1672 = arith.constant 0 : i32
    %gather3A_1673 = arith.constant 0 : i32
    %gather3A_1674 = tpu.memref_slice %arg8[%gather3A_1671, %gather3A_1672, %gather3A_1673] : memref<20x8x130xf32, #tpu.memory_space<vmem>> -> memref<1x8x130xf32, #tpu.memory_space<vmem>>
    %gather3A_1675 = tpu.memref_squeeze %gather3A_1674 : memref<1x8x130xf32, #tpu.memory_space<vmem>> -> memref<8x130xf32, #tpu.memory_space<vmem>>
    %gather3A_1676 = tpu.vector_load_idx %gather3A_1675[%broadcast_in_dim3A_1658, %add3A_1664] masked %lt3A_1253 : memref<8x130xf32, #tpu.memory_space<vmem>>[vector<16xi32>, vector<16xi32>], vector<16xf32>, vector<16xi1>
    %swap3A_1677 = arith.constant 15 : i32
    %swap3A_1678 = arith.index_cast %swap3A_1677 : i32 to index
    %swap3A_1679 = arith.constant 0 : index
    %swap3A_1680 = tpu.vector_load %arg9[%swap3A_1678, %swap3A_1679] {strides = array<i32>} : memref<20x32xf32, #tpu.memory_space<vmem>>, vector<16xf32>,
    tpu.vector_store %arg9[%swap3A_1678, %swap3A_1679], %gather3A_1670 {strides = array<i32>} : memref<20x32xf32, #tpu.memory_space<vmem>>, vector<16xf32>,
    %swap3A_1681 = arith.constant 15 : i32
    %swap3A_1682 = arith.index_cast %swap3A_1681 : i32 to index
    %swap3A_1683 = arith.constant 16 : index
    %swap3A_1684 = tpu.vector_load %arg9[%swap3A_1682, %swap3A_1683] {strides = array<i32>} : memref<20x32xf32, #tpu.memory_space<vmem>>, vector<16xf32>,
    tpu.vector_store %arg9[%swap3A_1682, %swap3A_1683], %gather3A_1676 {strides = array<i32>} : memref<20x32xf32, #tpu.memory_space<vmem>>, vector<16xf32>,
    %broadcast_in_dim3A_1685 = vector.broadcast %and3A_850 : i32 to vector<16xi32>
    %add3A_1686 = vector.broadcast %reduce_sum3A_848 : i32 to vector<16xi32>
    %add3A_1687 = arith.addi %add3A_1686, %iota3A : vector<16xi32>
    %add3A_1688 = arith.constant 16 : i32
    %add3A_1689 = arith.addi %reduce_sum3A_848, %add3A_1688 : i32
    %add3A_1690 = vector.broadcast %add3A_1689 : i32 to vector<16xi32>
    %add3A_1691 = arith.addi %add3A_1690, %iota3A : vector<16xi32>
    %gather3A_1692 = arith.constant 16 : i32
    %gather3A_1693 = arith.constant 0 : i32
    %gather3A_1694 = arith.constant 0 : i32
    %gather3A_1695 = tpu.memref_slice %arg8[%gather3A_1692, %gather3A_1693, %gather3A_1694] : memref<20x8x130xf32, #tpu.memory_space<vmem>> -> memref<1x8x130xf32, #tpu.memory_space<vmem>>
    %gather3A_1696 = tpu.memref_squeeze %gather3A_1695 : memref<1x8x130xf32, #tpu.memory_space<vmem>> -> memref<8x130xf32, #tpu.memory_space<vmem>>
    %gather3A_1697 = tpu.vector_load_idx %gather3A_1696[%broadcast_in_dim3A_1685, %add3A_1687] : memref<8x130xf32, #tpu.memory_space<vmem>>[vector<16xi32>, vector<16xi32>], vector<16xf32>,
    %gather3A_1698 = arith.constant 16 : i32
    %gather3A_1699 = arith.constant 0 : i32
    %gather3A_1700 = arith.constant 0 : i32
    %gather3A_1701 = tpu.memref_slice %arg8[%gather3A_1698, %gather3A_1699, %gather3A_1700] : memref<20x8x130xf32, #tpu.memory_space<vmem>> -> memref<1x8x130xf32, #tpu.memory_space<vmem>>
    %gather3A_1702 = tpu.memref_squeeze %gather3A_1701 : memref<1x8x130xf32, #tpu.memory_space<vmem>> -> memref<8x130xf32, #tpu.memory_space<vmem>>
    %gather3A_1703 = tpu.vector_load_idx %gather3A_1702[%broadcast_in_dim3A_1685, %add3A_1691] masked %lt3A_1253 : memref<8x130xf32, #tpu.memory_space<vmem>>[vector<16xi32>, vector<16xi32>], vector<16xf32>, vector<16xi1>
    %swap3A_1704 = arith.constant 16 : i32
    %swap3A_1705 = arith.index_cast %swap3A_1704 : i32 to index
    %swap3A_1706 = arith.constant 0 : index
    %swap3A_1707 = tpu.vector_load %arg9[%swap3A_1705, %swap3A_1706] {strides = array<i32>} : memref<20x32xf32, #tpu.memory_space<vmem>>, vector<16xf32>,
    tpu.vector_store %arg9[%swap3A_1705, %swap3A_1706], %gather3A_1697 {strides = array<i32>} : memref<20x32xf32, #tpu.memory_space<vmem>>, vector<16xf32>,
    %swap3A_1708 = arith.constant 16 : i32
    %swap3A_1709 = arith.index_cast %swap3A_1708 : i32 to index
    %swap3A_1710 = arith.constant 16 : index
    %swap3A_1711 = tpu.vector_load %arg9[%swap3A_1709, %swap3A_1710] {strides = array<i32>} : memref<20x32xf32, #tpu.memory_space<vmem>>, vector<16xf32>,
    tpu.vector_store %arg9[%swap3A_1709, %swap3A_1710], %gather3A_1703 {strides = array<i32>} : memref<20x32xf32, #tpu.memory_space<vmem>>, vector<16xf32>,
    %broadcast_in_dim3A_1712 = vector.broadcast %and3A_891 : i32 to vector<16xi32>
    %add3A_1713 = vector.broadcast %reduce_sum3A_889 : i32 to vector<16xi32>
    %add3A_1714 = arith.addi %add3A_1713, %iota3A : vector<16xi32>
    %add3A_1715 = arith.constant 16 : i32
    %add3A_1716 = arith.addi %reduce_sum3A_889, %add3A_1715 : i32
    %add3A_1717 = vector.broadcast %add3A_1716 : i32 to vector<16xi32>
    %add3A_1718 = arith.addi %add3A_1717, %iota3A : vector<16xi32>
    %gather3A_1719 = arith.constant 17 : i32
    %gather3A_1720 = arith.constant 0 : i32
    %gather3A_1721 = arith.constant 0 : i32
    %gather3A_1722 = tpu.memref_slice %arg8[%gather3A_1719, %gather3A_1720, %gather3A_1721] : memref<20x8x130xf32, #tpu.memory_space<vmem>> -> memref<1x8x130xf32, #tpu.memory_space<vmem>>
    %gather3A_1723 = tpu.memref_squeeze %gather3A_1722 : memref<1x8x130xf32, #tpu.memory_space<vmem>> -> memref<8x130xf32, #tpu.memory_space<vmem>>
    %gather3A_1724 = tpu.vector_load_idx %gather3A_1723[%broadcast_in_dim3A_1712, %add3A_1714] : memref<8x130xf32, #tpu.memory_space<vmem>>[vector<16xi32>, vector<16xi32>], vector<16xf32>,
    %gather3A_1725 = arith.constant 17 : i32
    %gather3A_1726 = arith.constant 0 : i32
    %gather3A_1727 = arith.constant 0 : i32
    %gather3A_1728 = tpu.memref_slice %arg8[%gather3A_1725, %gather3A_1726, %gather3A_1727] : memref<20x8x130xf32, #tpu.memory_space<vmem>> -> memref<1x8x130xf32, #tpu.memory_space<vmem>>
    %gather3A_1729 = tpu.memref_squeeze %gather3A_1728 : memref<1x8x130xf32, #tpu.memory_space<vmem>> -> memref<8x130xf32, #tpu.memory_space<vmem>>
    %gather3A_1730 = tpu.vector_load_idx %gather3A_1729[%broadcast_in_dim3A_1712, %add3A_1718] masked %lt3A_1253 : memref<8x130xf32, #tpu.memory_space<vmem>>[vector<16xi32>, vector<16xi32>], vector<16xf32>, vector<16xi1>
    %swap3A_1731 = arith.constant 17 : i32
    %swap3A_1732 = arith.index_cast %swap3A_1731 : i32 to index
    %swap3A_1733 = arith.constant 0 : index
    %swap3A_1734 = tpu.vector_load %arg9[%swap3A_1732, %swap3A_1733] {strides = array<i32>} : memref<20x32xf32, #tpu.memory_space<vmem>>, vector<16xf32>,
    tpu.vector_store %arg9[%swap3A_1732, %swap3A_1733], %gather3A_1724 {strides = array<i32>} : memref<20x32xf32, #tpu.memory_space<vmem>>, vector<16xf32>,
    %swap3A_1735 = arith.constant 17 : i32
    %swap3A_1736 = arith.index_cast %swap3A_1735 : i32 to index
    %swap3A_1737 = arith.constant 16 : index
    %swap3A_1738 = tpu.vector_load %arg9[%swap3A_1736, %swap3A_1737] {strides = array<i32>} : memref<20x32xf32, #tpu.memory_space<vmem>>, vector<16xf32>,
    tpu.vector_store %arg9[%swap3A_1736, %swap3A_1737], %gather3A_1730 {strides = array<i32>} : memref<20x32xf32, #tpu.memory_space<vmem>>, vector<16xf32>,
    %broadcast_in_dim3A_1739 = vector.broadcast %and3A_932 : i32 to vector<16xi32>
    %add3A_1740 = vector.broadcast %reduce_sum3A_930 : i32 to vector<16xi32>
    %add3A_1741 = arith.addi %add3A_1740, %iota3A : vector<16xi32>
    %add3A_1742 = arith.constant 16 : i32
    %add3A_1743 = arith.addi %reduce_sum3A_930, %add3A_1742 : i32
    %add3A_1744 = vector.broadcast %add3A_1743 : i32 to vector<16xi32>
    %add3A_1745 = arith.addi %add3A_1744, %iota3A : vector<16xi32>
    %gather3A_1746 = arith.constant 18 : i32
    %gather3A_1747 = arith.constant 0 : i32
    %gather3A_1748 = arith.constant 0 : i32
    %gather3A_1749 = tpu.memref_slice %arg8[%gather3A_1746, %gather3A_1747, %gather3A_1748] : memref<20x8x130xf32, #tpu.memory_space<vmem>> -> memref<1x8x130xf32, #tpu.memory_space<vmem>>
    %gather3A_1750 = tpu.memref_squeeze %gather3A_1749 : memref<1x8x130xf32, #tpu.memory_space<vmem>> -> memref<8x130xf32, #tpu.memory_space<vmem>>
    %gather3A_1751 = tpu.vector_load_idx %gather3A_1750[%broadcast_in_dim3A_1739, %add3A_1741] : memref<8x130xf32, #tpu.memory_space<vmem>>[vector<16xi32>, vector<16xi32>], vector<16xf32>,
    %gather3A_1752 = arith.constant 18 : i32
    %gather3A_1753 = arith.constant 0 : i32
    %gather3A_1754 = arith.constant 0 : i32
    %gather3A_1755 = tpu.memref_slice %arg8[%gather3A_1752, %gather3A_1753, %gather3A_1754] : memref<20x8x130xf32, #tpu.memory_space<vmem>> -> memref<1x8x130xf32, #tpu.memory_space<vmem>>
    %gather3A_1756 = tpu.memref_squeeze %gather3A_1755 : memref<1x8x130xf32, #tpu.memory_space<vmem>> -> memref<8x130xf32, #tpu.memory_space<vmem>>
    %gather3A_1757 = tpu.vector_load_idx %gather3A_1756[%broadcast_in_dim3A_1739, %add3A_1745] masked %lt3A_1253 : memref<8x130xf32, #tpu.memory_space<vmem>>[vector<16xi32>, vector<16xi32>], vector<16xf32>, vector<16xi1>
    %swap3A_1758 = arith.constant 18 : i32
    %swap3A_1759 = arith.index_cast %swap3A_1758 : i32 to index
    %swap3A_1760 = arith.constant 0 : index
    %swap3A_1761 = tpu.vector_load %arg9[%swap3A_1759, %swap3A_1760] {strides = array<i32>} : memref<20x32xf32, #tpu.memory_space<vmem>>, vector<16xf32>,
    tpu.vector_store %arg9[%swap3A_1759, %swap3A_1760], %gather3A_1751 {strides = array<i32>} : memref<20x32xf32, #tpu.memory_space<vmem>>, vector<16xf32>,
    %swap3A_1762 = arith.constant 18 : i32
    %swap3A_1763 = arith.index_cast %swap3A_1762 : i32 to index
    %swap3A_1764 = arith.constant 16 : index
    %swap3A_1765 = tpu.vector_load %arg9[%swap3A_1763, %swap3A_1764] {strides = array<i32>} : memref<20x32xf32, #tpu.memory_space<vmem>>, vector<16xf32>,
    tpu.vector_store %arg9[%swap3A_1763, %swap3A_1764], %gather3A_1757 {strides = array<i32>} : memref<20x32xf32, #tpu.memory_space<vmem>>, vector<16xf32>,
    %broadcast_in_dim3A_1766 = vector.broadcast %and3A_973 : i32 to vector<16xi32>
    %add3A_1767 = vector.broadcast %reduce_sum3A_971 : i32 to vector<16xi32>
    %add3A_1768 = arith.addi %add3A_1767, %iota3A : vector<16xi32>
    %add3A_1769 = arith.constant 16 : i32
    %add3A_1770 = arith.addi %reduce_sum3A_971, %add3A_1769 : i32
    %add3A_1771 = vector.broadcast %add3A_1770 : i32 to vector<16xi32>
    %add3A_1772 = arith.addi %add3A_1771, %iota3A : vector<16xi32>
    %gather3A_1773 = arith.constant 19 : i32
    %gather3A_1774 = arith.constant 0 : i32
    %gather3A_1775 = arith.constant 0 : i32
    %gather3A_1776 = tpu.memref_slice %arg8[%gather3A_1773, %gather3A_1774, %gather3A_1775] : memref<20x8x130xf32, #tpu.memory_space<vmem>> -> memref<1x8x130xf32, #tpu.memory_space<vmem>>
    %gather3A_1777 = tpu.memref_squeeze %gather3A_1776 : memref<1x8x130xf32, #tpu.memory_space<vmem>> -> memref<8x130xf32, #tpu.memory_space<vmem>>
    %gather3A_1778 = tpu.vector_load_idx %gather3A_1777[%broadcast_in_dim3A_1766, %add3A_1768] : memref<8x130xf32, #tpu.memory_space<vmem>>[vector<16xi32>, vector<16xi32>], vector<16xf32>,
    %gather3A_1779 = arith.constant 19 : i32
    %gather3A_1780 = arith.constant 0 : i32
    %gather3A_1781 = arith.constant 0 : i32
    %gather3A_1782 = tpu.memref_slice %arg8[%gather3A_1779, %gather3A_1780, %gather3A_1781] : memref<20x8x130xf32, #tpu.memory_space<vmem>> -> memref<1x8x130xf32, #tpu.memory_space<vmem>>
    %gather3A_1783 = tpu.memref_squeeze %gather3A_1782 : memref<1x8x130xf32, #tpu.memory_space<vmem>> -> memref<8x130xf32, #tpu.memory_space<vmem>>
    %gather3A_1784 = tpu.vector_load_idx %gather3A_1783[%broadcast_in_dim3A_1766, %add3A_1772] masked %lt3A_1253 : memref<8x130xf32, #tpu.memory_space<vmem>>[vector<16xi32>, vector<16xi32>], vector<16xf32>, vector<16xi1>
    %swap3A_1785 = arith.constant 19 : i32
    %swap3A_1786 = arith.index_cast %swap3A_1785 : i32 to index
    %swap3A_1787 = arith.constant 0 : index
    %swap3A_1788 = tpu.vector_load %arg9[%swap3A_1786, %swap3A_1787] {strides = array<i32>} : memref<20x32xf32, #tpu.memory_space<vmem>>, vector<16xf32>,
    tpu.vector_store %arg9[%swap3A_1786, %swap3A_1787], %gather3A_1778 {strides = array<i32>} : memref<20x32xf32, #tpu.memory_space<vmem>>, vector<16xf32>,
    %swap3A_1789 = arith.constant 19 : i32
    %swap3A_1790 = arith.index_cast %swap3A_1789 : i32 to index
    %swap3A_1791 = arith.constant 16 : index
    %swap3A_1792 = tpu.vector_load %arg9[%swap3A_1790, %swap3A_1791] {strides = array<i32>} : memref<20x32xf32, #tpu.memory_space<vmem>>, vector<16xf32>,
    tpu.vector_store %arg9[%swap3A_1790, %swap3A_1791], %gather3A_1784 {strides = array<i32>} : memref<20x32xf32, #tpu.memory_space<vmem>>, vector<16xf32>,
    "tpu.region"() ({
      %run_scoped3A = tpu.sem_alloc : memref<!tpu.dma_semaphore, #tpu.memory_space<semaphore_mem>>
      %dma_start3A_1793 = arith.constant 0 : i32
      %dma_start3A_1794 = arith.constant 0 : i32
      %dma_start3A_1795 = tpu.memref_slice %arg4[%add3A, %dma_start3A_1793, %dma_start3A_1794] : memref<32x20x32xf32, #tpu.memory_space<hbm>> -> memref<1x20x32xf32, #tpu.memory_space<hbm>>
      %dma_start3A_1796 = tpu.memref_squeeze %dma_start3A_1795 : memref<1x20x32xf32, #tpu.memory_space<hbm>> -> memref<20x32xf32, #tpu.memory_space<hbm>>
      %dma_start3A_1797 = arith.constant 0 : i32
      %dma_start3A_1798 = arith.constant 0 : i32
      %dma_start3A_1799 = tpu.memref_slice %arg4[%add3A, %dma_start3A_1797, %dma_start3A_1798] : memref<32x20x32xf32, #tpu.memory_space<hbm>> -> memref<1x20x32xf32, #tpu.memory_space<hbm>>
      %dma_start3A_1800 = tpu.memref_squeeze %dma_start3A_1799 : memref<1x20x32xf32, #tpu.memory_space<hbm>> -> memref<20x32xf32, #tpu.memory_space<hbm>>
      tpu.enqueue_dma source(%arg9 : memref<20x32xf32, #tpu.memory_space<vmem>>) target(%dma_start3A_1800 : memref<20x32xf32, #tpu.memory_space<hbm>>) target_semaphore(%run_scoped3A : memref<!tpu.dma_semaphore, #tpu.memory_space<semaphore_mem>>)
      %dma_wait3A_1801 = arith.constant 0 : i32
      %dma_wait3A_1802 = arith.constant 0 : i32
      %dma_wait3A_1803 = tpu.memref_slice %arg4[%add3A, %dma_wait3A_1801, %dma_wait3A_1802] : memref<32x20x32xf32, #tpu.memory_space<hbm>> -> memref<1x20x32xf32, #tpu.memory_space<hbm>>
      %dma_wait3A_1804 = tpu.memref_squeeze %dma_wait3A_1803 : memref<1x20x32xf32, #tpu.memory_space<hbm>> -> memref<20x32xf32, #tpu.memory_space<hbm>>
      %dma_wait3A_1805 = arith.constant 0 : i32
      %dma_wait3A_1806 = arith.constant 0 : i32
      %dma_wait3A_1807 = tpu.memref_slice %arg4[%add3A, %dma_wait3A_1805, %dma_wait3A_1806] : memref<32x20x32xf32, #tpu.memory_space<hbm>> -> memref<1x20x32xf32, #tpu.memory_space<hbm>>
      %dma_wait3A_1808 = tpu.memref_squeeze %dma_wait3A_1807 : memref<1x20x32xf32, #tpu.memory_space<hbm>> -> memref<20x32xf32, #tpu.memory_space<hbm>>
      tpu.wait_dma2 semaphore(%run_scoped3A : memref<!tpu.dma_semaphore, #tpu.memory_space<semaphore_mem>>) src(%arg9 : memref<20x32xf32, #tpu.memory_space<vmem>>) dst(%dma_wait3A_1808 : memref<20x32xf32, #tpu.memory_space<hbm>>)
      tpu.yield
    }) : () -> ()
    return
  }
}

module attributes {stable_mosaic.version = 14 : i64} {
  func.func @_c_body(%arg0: memref<32x20x32xf32, #tpu.memory_space<vmem>>, %arg1: memref<32x20x6xf32, #tpu.memory_space<vmem>>, %arg2: memref<1x1xf32, #tpu.memory_space<vmem>>, %arg3: memref<1x1xf32, #tpu.memory_space<vmem>>, %arg4: memref<1x1xf32, #tpu.memory_space<vmem>>, %arg5: memref<1x1xf32, #tpu.memory_space<vmem>>, %arg6: memref<1x1xf32, #tpu.memory_space<vmem>>, %arg7: memref<1x1xf32, #tpu.memory_space<vmem>>) attributes {dimension_semantics = [], scalar_prefetch = 0 : i64, scratch_operands = 0 : i64, tpu.core_type = #tpu.core_type<tc>} {
    %get3A = arith.constant 0 : index
    %get3A_0 = arith.constant 0 : index
    %get3A_1 = vector.load %arg2[%get3A, %get3A_0] : memref<1x1xf32, #tpu.memory_space<vmem>>, vector<1x1xf32>
    %reduce_sum3A = vector.shape_cast %get3A_1 : vector<1x1xf32> to vector<1x1x1xf32>
    %reduce_sum3A_2 = arith.constant dense<0.000000e+00> : vector<1xf32>
    %reduce_sum3A_3 = vector.multi_reduction <add>, %reduce_sum3A, %reduce_sum3A_2 [1, 2] : vector<1x1x1xf32> to vector<1xf32>
    %reduce_sum3A_4 = vector.shape_cast %reduce_sum3A_3 : vector<1xf32> to vector<1x1x1xf32>
    %reduce_sum3A_5 = vector.extract %reduce_sum3A_4[0, 0, 0] : f32 from vector<1x1x1xf32>
    %get3A_6 = arith.constant 0 : index
    %get3A_7 = arith.constant 0 : index
    %get3A_8 = arith.constant 0 : index
    %get3A_9 = vector.load %arg0[%get3A_6, %get3A_7, %get3A_8] : memref<32x20x32xf32, #tpu.memory_space<vmem>>, vector<32x20x32xf32>
    %get3A_10 = arith.constant 0 : index
    %get3A_11 = arith.constant 0 : index
    %get3A_12 = arith.constant 0 : index
    %get3A_13 = vector.load %arg1[%get3A_10, %get3A_11, %get3A_12] : memref<32x20x6xf32, #tpu.memory_space<vmem>>, vector<32x20x6xf32>
    %slice3A = vector.extract_strided_slice %get3A_13 {offsets = [0, 0, 0], sizes = [32, 20, 1], strides = [1, 1, 1]} : vector<32x20x6xf32> to vector<32x20x1xf32>
    %squeeze3A = vector.shape_cast %slice3A : vector<32x20x1xf32> to vector<32x20xf32>
    %mul3A = arith.constant 6.400000e+01 : f32
    %mul3A_14 = vector.broadcast %mul3A : f32 to vector<32x20xf32>
    %mul3A_15 = arith.mulf %squeeze3A, %mul3A_14 : vector<32x20xf32>
    %slice3A_16 = vector.extract_strided_slice %get3A_13 {offsets = [0, 0, 1], sizes = [32, 20, 1], strides = [1, 1, 1]} : vector<32x20x6xf32> to vector<32x20x1xf32>
    %squeeze3A_17 = vector.shape_cast %slice3A_16 : vector<32x20x1xf32> to vector<32x20xf32>
    %mul3A_18 = arith.constant 6.400000e+01 : f32
    %mul3A_19 = vector.broadcast %mul3A_18 : f32 to vector<32x20xf32>
    %mul3A_20 = arith.mulf %squeeze3A_17, %mul3A_19 : vector<32x20xf32>
    %slice3A_21 = vector.extract_strided_slice %get3A_13 {offsets = [0, 0, 2], sizes = [32, 20, 1], strides = [1, 1, 1]} : vector<32x20x6xf32> to vector<32x20x1xf32>
    %squeeze3A_22 = vector.shape_cast %slice3A_21 : vector<32x20x1xf32> to vector<32x20xf32>
    %mul3A_23 = arith.constant 6.400000e+01 : f32
    %mul3A_24 = vector.broadcast %mul3A_23 : f32 to vector<32x20xf32>
    %mul3A_25 = arith.mulf %squeeze3A_22, %mul3A_24 : vector<32x20xf32>
    %slice3A_26 = vector.extract_strided_slice %get3A_13 {offsets = [0, 0, 3], sizes = [32, 20, 1], strides = [1, 1, 1]} : vector<32x20x6xf32> to vector<32x20x1xf32>
    %squeeze3A_27 = vector.shape_cast %slice3A_26 : vector<32x20x1xf32> to vector<32x20xf32>
    %mul3A_28 = arith.constant 6.400000e+01 : f32
    %mul3A_29 = vector.broadcast %mul3A_28 : f32 to vector<32x20xf32>
    %mul3A_30 = arith.mulf %squeeze3A_27, %mul3A_29 : vector<32x20xf32>
    %slice3A_31 = vector.extract_strided_slice %get3A_13 {offsets = [0, 0, 4], sizes = [32, 20, 1], strides = [1, 1, 1]} : vector<32x20x6xf32> to vector<32x20x1xf32>
    %squeeze3A_32 = vector.shape_cast %slice3A_31 : vector<32x20x1xf32> to vector<32x20xf32>
    %mul3A_33 = arith.constant 3.14159274 : f32
    %mul3A_34 = vector.broadcast %mul3A_33 : f32 to vector<32x20xf32>
    %mul3A_35 = arith.mulf %squeeze3A_32, %mul3A_34 : vector<32x20xf32>
    %div3A = arith.constant 8.000000e+00 : f32
    %div3A_36 = vector.broadcast %div3A : f32 to vector<32x20xf32>
    %div3A_37 = arith.divf %mul3A_35, %div3A_36 : vector<32x20xf32>
    %mul3A_38 = arith.constant 2.500000e-01 : f32
    %mul3A_39 = vector.broadcast %mul3A_38 : f32 to vector<32x20xf32>
    %mul3A_40 = arith.mulf %div3A_37, %mul3A_39 : vector<32x20xf32>
    %broadcast_in_dim3A = arith.constant 0 : i32
    %broadcast_in_dim3A_41 = vector.broadcast %broadcast_in_dim3A : i32 to vector<32x20xi32>
    %sub3A = arith.constant 0.000000e+00 : f32
    %sub3A_42 = vector.broadcast %sub3A : f32 to vector<32x20xf32>
    %sub3A_43 = arith.subf %mul3A_40, %sub3A_42 : vector<32x20xf32>
    %abs3A = math.absf %sub3A_43 : vector<32x20xf32>
    %broadcast_in_dim3A_44 = arith.constant 0.000000e+00 : f32
    %broadcast_in_dim3A_45 = vector.broadcast %broadcast_in_dim3A_44 : f32 to vector<32x20xf32>
    %broadcast_in_dim3A_46 = arith.constant 1.322100e+00 : f32
    %broadcast_in_dim3A_47 = vector.broadcast %broadcast_in_dim3A_46 : f32 to vector<32x20xf32>
    %broadcast_in_dim3A_48 = arith.constant 1.731450e+00 : f32
    %broadcast_in_dim3A_49 = vector.broadcast %broadcast_in_dim3A_48 : f32 to vector<32x20xf32>
    %broadcast_in_dim3A_50 = arith.constant 0.000000e+00 : f32
    %broadcast_in_dim3A_51 = vector.broadcast %broadcast_in_dim3A_50 : f32 to vector<32x20xf32>
    %sub3A_52 = arith.constant 0.0981749966 : f32
    %sub3A_53 = vector.broadcast %sub3A_52 : f32 to vector<32x20xf32>
    %sub3A_54 = arith.subf %mul3A_40, %sub3A_53 : vector<32x20xf32>
    %abs3A_55 = math.absf %sub3A_54 : vector<32x20xf32>
    %lt3A = arith.cmpf olt, %abs3A_55, %abs3A : vector<32x20xf32>
    %jit3A = arith.constant 1 : i32
    %broadcast_in_dim3A_56 = vector.broadcast %jit3A : i32 to vector<32x20xi32>
    %select_n3A = arith.select %lt3A, %broadcast_in_dim3A_56, %broadcast_in_dim3A_41 : vector<32x20xi1>, vector<32x20xi32>
    %select_n3A_57 = arith.select %lt3A, %abs3A_55, %abs3A : vector<32x20xi1>, vector<32x20xf32>
    %jit3A_58 = arith.constant 0.0981749966 : f32
    %broadcast_in_dim3A_59 = vector.broadcast %jit3A_58 : f32 to vector<32x20xf32>
    %select_n3A_60 = arith.select %lt3A, %broadcast_in_dim3A_59, %broadcast_in_dim3A_45 : vector<32x20xi1>, vector<32x20xf32>
    %jit3A_61 = arith.constant 3.192750e+00 : f32
    %broadcast_in_dim3A_62 = vector.broadcast %jit3A_61 : f32 to vector<32x20xf32>
    %select_n3A_63 = arith.select %lt3A, %broadcast_in_dim3A_62, %broadcast_in_dim3A_47 : vector<32x20xi1>, vector<32x20xf32>
    %jit3A_64 = arith.constant 4.009440e+00 : f32
    %broadcast_in_dim3A_65 = vector.broadcast %jit3A_64 : f32 to vector<32x20xf32>
    %select_n3A_66 = arith.select %lt3A, %broadcast_in_dim3A_65, %broadcast_in_dim3A_49 : vector<32x20xi1>, vector<32x20xf32>
    %jit3A_67 = arith.constant 3.927000e-01 : f32
    %broadcast_in_dim3A_68 = vector.broadcast %jit3A_67 : f32 to vector<32x20xf32>
    %select_n3A_69 = arith.select %lt3A, %broadcast_in_dim3A_68, %broadcast_in_dim3A_51 : vector<32x20xi1>, vector<32x20xf32>
    %sub3A_70 = arith.constant 1.963500e-01 : f32
    %sub3A_71 = vector.broadcast %sub3A_70 : f32 to vector<32x20xf32>
    %sub3A_72 = arith.subf %mul3A_40, %sub3A_71 : vector<32x20xf32>
    %abs3A_73 = math.absf %sub3A_72 : vector<32x20xf32>
    %lt3A_74 = arith.cmpf olt, %abs3A_73, %select_n3A_57 : vector<32x20xf32>
    %jit3A_75 = arith.constant 2 : i32
    %broadcast_in_dim3A_76 = vector.broadcast %jit3A_75 : i32 to vector<32x20xi32>
    %select_n3A_77 = arith.select %lt3A_74, %broadcast_in_dim3A_76, %select_n3A : vector<32x20xi1>, vector<32x20xi32>
    %select_n3A_78 = arith.select %lt3A_74, %abs3A_73, %select_n3A_57 : vector<32x20xi1>, vector<32x20xf32>
    %jit3A_79 = arith.constant 1.963500e-01 : f32
    %broadcast_in_dim3A_80 = vector.broadcast %jit3A_79 : f32 to vector<32x20xf32>
    %select_n3A_81 = arith.select %lt3A_74, %broadcast_in_dim3A_80, %select_n3A_60 : vector<32x20xi1>, vector<32x20xf32>
    %jit3A_82 = arith.constant 5.055870e+00 : f32
    %broadcast_in_dim3A_83 = vector.broadcast %jit3A_82 : f32 to vector<32x20xf32>
    %select_n3A_84 = arith.select %lt3A_74, %broadcast_in_dim3A_83, %select_n3A_63 : vector<32x20xi1>, vector<32x20xf32>
    %jit3A_85 = arith.constant 8.09891986 : f32
    %broadcast_in_dim3A_86 = vector.broadcast %jit3A_85 : f32 to vector<32x20xf32>
    %select_n3A_87 = arith.select %lt3A_74, %broadcast_in_dim3A_86, %select_n3A_66 : vector<32x20xi1>, vector<32x20xf32>
    %jit3A_88 = arith.constant 0.785399973 : f32
    %broadcast_in_dim3A_89 = vector.broadcast %jit3A_88 : f32 to vector<32x20xf32>
    %select_n3A_90 = arith.select %lt3A_74, %broadcast_in_dim3A_89, %select_n3A_69 : vector<32x20xi1>, vector<32x20xf32>
    %sub3A_91 = arith.constant 2.945250e-01 : f32
    %sub3A_92 = vector.broadcast %sub3A_91 : f32 to vector<32x20xf32>
    %sub3A_93 = arith.subf %mul3A_40, %sub3A_92 : vector<32x20xf32>
    %abs3A_94 = math.absf %sub3A_93 : vector<32x20xf32>
    %lt3A_95 = arith.cmpf olt, %abs3A_94, %select_n3A_78 : vector<32x20xf32>
    %jit3A_96 = arith.constant 3 : i32
    %broadcast_in_dim3A_97 = vector.broadcast %jit3A_96 : i32 to vector<32x20xi32>
    %select_n3A_98 = arith.select %lt3A_95, %broadcast_in_dim3A_97, %select_n3A_77 : vector<32x20xi1>, vector<32x20xi32>
    %select_n3A_99 = arith.select %lt3A_95, %abs3A_94, %select_n3A_78 : vector<32x20xi1>, vector<32x20xf32>
    %jit3A_100 = arith.constant 2.945250e-01 : f32
    %broadcast_in_dim3A_101 = vector.broadcast %jit3A_100 : f32 to vector<32x20xf32>
    %select_n3A_102 = arith.select %lt3A_95, %broadcast_in_dim3A_101, %select_n3A_81 : vector<32x20xi1>, vector<32x20xf32>
    %jit3A_103 = arith.constant 9.47111988 : f32
    %broadcast_in_dim3A_104 = vector.broadcast %jit3A_103 : f32 to vector<32x20xf32>
    %select_n3A_105 = arith.select %lt3A_95, %broadcast_in_dim3A_104, %select_n3A_84 : vector<32x20xi1>, vector<32x20xf32>
    %jit3A_106 = arith.constant 4.840530e+00 : f32
    %broadcast_in_dim3A_107 = vector.broadcast %jit3A_106 : f32 to vector<32x20xf32>
    %select_n3A_108 = arith.select %lt3A_95, %broadcast_in_dim3A_107, %select_n3A_87 : vector<32x20xi1>, vector<32x20xf32>
    %jit3A_109 = arith.constant 1.178100e+00 : f32
    %broadcast_in_dim3A_110 = vector.broadcast %jit3A_109 : f32 to vector<32x20xf32>
    %select_n3A_111 = arith.select %lt3A_95, %broadcast_in_dim3A_110, %select_n3A_90 : vector<32x20xi1>, vector<32x20xf32>
    %sub3A_112 = arith.constant 3.927000e-01 : f32
    %sub3A_113 = vector.broadcast %sub3A_112 : f32 to vector<32x20xf32>
    %sub3A_114 = arith.subf %mul3A_40, %sub3A_113 : vector<32x20xf32>
    %abs3A_115 = math.absf %sub3A_114 : vector<32x20xf32>
    %lt3A_116 = arith.cmpf olt, %abs3A_115, %select_n3A_99 : vector<32x20xf32>
    %jit3A_117 = arith.constant 4 : i32
    %broadcast_in_dim3A_118 = vector.broadcast %jit3A_117 : i32 to vector<32x20xi32>
    %select_n3A_119 = arith.select %lt3A_116, %broadcast_in_dim3A_118, %select_n3A_98 : vector<32x20xi1>, vector<32x20xi32>
    %jit3A_120 = arith.constant 3.927000e-01 : f32
    %broadcast_in_dim3A_121 = vector.broadcast %jit3A_120 : f32 to vector<32x20xf32>
    %select_n3A_122 = arith.select %lt3A_116, %broadcast_in_dim3A_121, %select_n3A_102 : vector<32x20xi1>, vector<32x20xf32>
    %jit3A_123 = arith.constant 1.123640e+01 : f32
    %broadcast_in_dim3A_124 = vector.broadcast %jit3A_123 : f32 to vector<32x20xf32>
    %select_n3A_125 = arith.select %lt3A_116, %broadcast_in_dim3A_124, %select_n3A_105 : vector<32x20xi1>, vector<32x20xf32>
    %jit3A_126 = arith.constant 1.000710e+01 : f32
    %broadcast_in_dim3A_127 = vector.broadcast %jit3A_126 : f32 to vector<32x20xf32>
    %select_n3A_128 = arith.select %lt3A_116, %broadcast_in_dim3A_127, %select_n3A_108 : vector<32x20xi1>, vector<32x20xf32>
    %jit3A_129 = arith.constant 1.570800e+00 : f32
    %broadcast_in_dim3A_130 = vector.broadcast %jit3A_129 : f32 to vector<32x20xf32>
    %select_n3A_131 = arith.select %lt3A_116, %broadcast_in_dim3A_130, %select_n3A_111 : vector<32x20xi1>, vector<32x20xf32>
    %convert_element_type3A = arith.fptosi %mul3A_15 : vector<32x20xf32> to vector<32x20xi32>
    %jit3A_132 = arith.constant 0 : i32
    %jit3A_133 = arith.constant 63 : i32
    %max3A = vector.broadcast %jit3A_132 : i32 to vector<32x20xi32>
    %max3A_134 = arith.maxsi %max3A, %convert_element_type3A : vector<32x20xi32>
    %min3A = vector.broadcast %jit3A_133 : i32 to vector<32x20xi32>
    %min3A_135 = arith.minsi %min3A, %max3A_134 : vector<32x20xi32>
    %convert_element_type3A_136 = arith.fptosi %mul3A_20 : vector<32x20xf32> to vector<32x20xi32>
    %jit3A_137 = arith.constant 0 : i32
    %jit3A_138 = arith.constant 63 : i32
    %max3A_139 = vector.broadcast %jit3A_137 : i32 to vector<32x20xi32>
    %max3A_140 = arith.maxsi %max3A_139, %convert_element_type3A_136 : vector<32x20xi32>
    %min3A_141 = vector.broadcast %jit3A_138 : i32 to vector<32x20xi32>
    %min3A_142 = arith.minsi %min3A_141, %max3A_140 : vector<32x20xi32>
    %mul3A_143 = arith.constant 64 : i32
    %mul3A_144 = vector.broadcast %mul3A_143 : i32 to vector<32x20xi32>
    %mul3A_145 = arith.muli %min3A_142, %mul3A_144 : vector<32x20xi32>
    %add3A = arith.addi %mul3A_145, %min3A_135 : vector<32x20xi32>
    %mul3A_146 = arith.constant 4096 : i32
    %mul3A_147 = vector.broadcast %mul3A_146 : i32 to vector<32x20xi32>
    %mul3A_148 = arith.muli %select_n3A_119, %mul3A_147 : vector<32x20xi32>
    %add3A_149 = arith.addi %mul3A_148, %add3A : vector<32x20xi32>
    %broadcast_in_dim3A_150 = vector.shape_cast %add3A_149 : vector<32x20xi32> to vector<32x20x1xi32>
    %broadcast_in_dim3A_151 = vector.shape_cast %add3A_149 : vector<32x20xi32> to vector<32x1x20xi32>
    %eq3A = vector.broadcast %broadcast_in_dim3A_150 : vector<32x20x1xi32> to vector<32x20x20xi32>
    %eq3A_152 = vector.broadcast %broadcast_in_dim3A_151 : vector<32x1x20xi32> to vector<32x20x20xi32>
    %eq3A_153 = arith.cmpi eq, %eq3A, %eq3A_152 : vector<32x20x20xi32>
    %iota3A = tpu.iota {dimensions = array<i32: 2>} : vector<32x20x20xi32>
    %iota3A_154 = tpu.iota {dimensions = array<i32: 1>} : vector<32x20x20xi32>
    %gt3A = arith.cmpi sgt, %iota3A, %iota3A_154 : vector<32x20x20xi32>
    %and3A = arith.andi %eq3A_153, %gt3A : vector<32x20x20xi1>
    %reduce_or3A = arith.constant 1.000000e+00 : f32
    %reduce_or3A_155 = arith.constant 0.000000e+00 : f32
    %reduce_or3A_156 = vector.broadcast %reduce_or3A : f32 to vector<32x20x20xf32>
    %reduce_or3A_157 = vector.broadcast %reduce_or3A_155 : f32 to vector<32x20x20xf32>
    %reduce_or3A_158 = arith.select %and3A, %reduce_or3A_156, %reduce_or3A_157 : vector<32x20x20xi1>, vector<32x20x20xf32>
    %reduce_or3A_159 = arith.constant dense<0xFF800000> : vector<32x20xf32>
    %reduce_or3A_160 = vector.multi_reduction <maximumf>, %reduce_or3A_158, %reduce_or3A_159 [2] : vector<32x20x20xf32> to vector<32x20xf32>
    %reduce_or3A_161 = arith.constant 0.000000e+00 : f32
    %reduce_or3A_162 = vector.broadcast %reduce_or3A_161 : f32 to vector<32x20xf32>
    %reduce_or3A_163 = arith.cmpf ogt, %reduce_or3A_160, %reduce_or3A_162 : vector<32x20xf32>
    %jit3A_164 = arith.constant 0.000000e+00 : f32
    %jit3A_165 = arith.constant 1.000000e+00 : f32
    %broadcast_in_dim3A_166 = vector.broadcast %jit3A_164 : f32 to vector<32x20xf32>
    %broadcast_in_dim3A_167 = vector.broadcast %jit3A_165 : f32 to vector<32x20xf32>
    %select_n3A_168 = arith.select %reduce_or3A_163, %broadcast_in_dim3A_166, %broadcast_in_dim3A_167 : vector<32x20xi1>, vector<32x20xf32>
    %convert_element_type3A_169 = arith.sitofp %min3A_135 : vector<32x20xi32> to vector<32x20xf32>
    %sub3A_170 = arith.subf %mul3A_15, %convert_element_type3A_169 : vector<32x20xf32>
    %convert_element_type3A_171 = arith.sitofp %min3A_142 : vector<32x20xi32> to vector<32x20xf32>
    %sub3A_172 = arith.subf %mul3A_20, %convert_element_type3A_171 : vector<32x20xf32>
    %max3A_173 = arith.constant 1.000000e+00 : f32
    %max3A_174 = vector.broadcast %max3A_173 : f32 to vector<32x20xf32>
    %max3A_175 = arith.maximumf %mul3A_25, %max3A_174 : vector<32x20xf32>
    %div3A_176 = arith.divf %max3A_175, %select_n3A_125 : vector<32x20xf32>
    %log3A = math.log %div3A_176 : vector<32x20xf32>
    %max3A_177 = arith.constant 1.000000e+00 : f32
    %max3A_178 = vector.broadcast %max3A_177 : f32 to vector<32x20xf32>
    %max3A_179 = arith.maximumf %mul3A_30, %max3A_178 : vector<32x20xf32>
    %div3A_180 = arith.divf %max3A_179, %select_n3A_128 : vector<32x20xf32>
    %log3A_181 = math.log %div3A_180 : vector<32x20xf32>
    %sub3A_182 = arith.subf %div3A_37, %select_n3A_131 : vector<32x20xf32>
    %sub3A_183 = arith.subf %mul3A_40, %select_n3A_122 : vector<32x20xf32>
    %cos3A = math.cos %sub3A_183 : vector<32x20xf32>
    %slice3A_184 = vector.extract_strided_slice %get3A_13 {offsets = [0, 0, 5], sizes = [32, 20, 1], strides = [1, 1, 1]} : vector<32x20x6xf32> to vector<32x20x1xf32>
    %squeeze3A_185 = vector.shape_cast %slice3A_184 : vector<32x20x1xf32> to vector<32x20xf32>
    %lt3A_186 = arith.constant 0.000000e+00 : f32
    %lt3A_187 = vector.broadcast %lt3A_186 : f32 to vector<32x20xf32>
    %lt3A_188 = arith.cmpf olt, %squeeze3A_185, %lt3A_187 : vector<32x20xf32>
    %ceil3A = math.ceil %squeeze3A_185 : vector<32x20xf32>
    %floor3A = math.floor %squeeze3A_185 : vector<32x20xf32>
    %select_n3A_189 = arith.select %lt3A_188, %ceil3A, %floor3A : vector<32x20xi1>, vector<32x20xf32>
    %convert_element_type3A_190 = arith.fptosi %select_n3A_189 : vector<32x20xf32> to vector<32x20xi32>
    %slice3A_191 = vector.extract_strided_slice %get3A_9 {offsets = [0, 0, 0], sizes = [32, 20, 26], strides = [1, 1, 1]} : vector<32x20x32xf32> to vector<32x20x26xf32>
    %slice3A_192 = vector.extract_strided_slice %slice3A_191 {offsets = [0, 0, 0], sizes = [32, 20, 1], strides = [1, 1, 1]} : vector<32x20x26xf32> to vector<32x20x1xf32>
    %squeeze3A_193 = vector.shape_cast %slice3A_192 : vector<32x20x1xf32> to vector<32x20xf32>
    %slice3A_194 = vector.extract_strided_slice %slice3A_191 {offsets = [0, 0, 1], sizes = [32, 20, 1], strides = [1, 1, 1]} : vector<32x20x26xf32> to vector<32x20x1xf32>
    %squeeze3A_195 = vector.shape_cast %slice3A_194 : vector<32x20x1xf32> to vector<32x20xf32>
    %slice3A_196 = vector.extract_strided_slice %slice3A_191 {offsets = [0, 0, 2], sizes = [32, 20, 1], strides = [1, 1, 1]} : vector<32x20x26xf32> to vector<32x20x1xf32>
    %squeeze3A_197 = vector.shape_cast %slice3A_196 : vector<32x20x1xf32> to vector<32x20xf32>
    %slice3A_198 = vector.extract_strided_slice %slice3A_191 {offsets = [0, 0, 3], sizes = [32, 20, 1], strides = [1, 1, 1]} : vector<32x20x26xf32> to vector<32x20x1xf32>
    %squeeze3A_199 = vector.shape_cast %slice3A_198 : vector<32x20x1xf32> to vector<32x20xf32>
    %slice3A_200 = vector.extract_strided_slice %slice3A_191 {offsets = [0, 0, 4], sizes = [32, 20, 1], strides = [1, 1, 1]} : vector<32x20x26xf32> to vector<32x20x1xf32>
    %squeeze3A_201 = vector.shape_cast %slice3A_200 : vector<32x20x1xf32> to vector<32x20xf32>
    %slice3A_202 = vector.extract_strided_slice %slice3A_191 {offsets = [0, 0, 5], sizes = [32, 20, 1], strides = [1, 1, 1]} : vector<32x20x26xf32> to vector<32x20x1xf32>
    %squeeze3A_203 = vector.shape_cast %slice3A_202 : vector<32x20x1xf32> to vector<32x20xf32>
    %slice3A_204 = vector.extract_strided_slice %slice3A_191 {offsets = [0, 0, 6], sizes = [32, 20, 20], strides = [1, 1, 1]} : vector<32x20x26xf32> to vector<32x20x20xf32>
    %logistic3A = arith.negf %squeeze3A_193 : vector<32x20xf32>
    %logistic3A_205 = math.exp %logistic3A : vector<32x20xf32>
    %logistic3A_206 = arith.constant 1.000000e+00 : f32
    %logistic3A_207 = vector.broadcast %logistic3A_206 : f32 to vector<32x20xf32>
    %logistic3A_208 = arith.addf %logistic3A_207, %logistic3A_205 : vector<32x20xf32>
    %logistic3A_209 = arith.divf %logistic3A_207, %logistic3A_208 : vector<32x20xf32>
    %sub3A_210 = arith.subf %logistic3A_209, %sub3A_170 : vector<32x20xf32>
    %abs3A_211 = math.absf %sub3A_210 : vector<32x20xf32>
    %lt3A_212 = arith.constant 1.000000e+00 : f32
    %lt3A_213 = vector.broadcast %lt3A_212 : f32 to vector<32x20xf32>
    %lt3A_214 = arith.cmpf olt, %abs3A_211, %lt3A_213 : vector<32x20xf32>
    %mul3A_215 = arith.constant 5.000000e-01 : f32
    %mul3A_216 = vector.broadcast %mul3A_215 : f32 to vector<32x20xf32>
    %mul3A_217 = arith.mulf %mul3A_216, %abs3A_211 : vector<32x20xf32>
    %mul3A_218 = arith.mulf %mul3A_217, %abs3A_211 : vector<32x20xf32>
    %sub3A_219 = arith.constant 5.000000e-01 : f32
    %sub3A_220 = vector.broadcast %sub3A_219 : f32 to vector<32x20xf32>
    %sub3A_221 = arith.subf %abs3A_211, %sub3A_220 : vector<32x20xf32>
    %select_n3A_222 = arith.select %lt3A_214, %mul3A_218, %sub3A_221 : vector<32x20xi1>, vector<32x20xf32>
    %logistic3A_223 = arith.negf %squeeze3A_195 : vector<32x20xf32>
    %logistic3A_224 = math.exp %logistic3A_223 : vector<32x20xf32>
    %logistic3A_225 = arith.constant 1.000000e+00 : f32
    %logistic3A_226 = vector.broadcast %logistic3A_225 : f32 to vector<32x20xf32>
    %logistic3A_227 = arith.addf %logistic3A_226, %logistic3A_224 : vector<32x20xf32>
    %logistic3A_228 = arith.divf %logistic3A_226, %logistic3A_227 : vector<32x20xf32>
    %sub3A_229 = arith.subf %logistic3A_228, %sub3A_172 : vector<32x20xf32>
    %abs3A_230 = math.absf %sub3A_229 : vector<32x20xf32>
    %lt3A_231 = arith.constant 1.000000e+00 : f32
    %lt3A_232 = vector.broadcast %lt3A_231 : f32 to vector<32x20xf32>
    %lt3A_233 = arith.cmpf olt, %abs3A_230, %lt3A_232 : vector<32x20xf32>
    %mul3A_234 = arith.constant 5.000000e-01 : f32
    %mul3A_235 = vector.broadcast %mul3A_234 : f32 to vector<32x20xf32>
    %mul3A_236 = arith.mulf %mul3A_235, %abs3A_230 : vector<32x20xf32>
    %mul3A_237 = arith.mulf %mul3A_236, %abs3A_230 : vector<32x20xf32>
    %sub3A_238 = arith.constant 5.000000e-01 : f32
    %sub3A_239 = vector.broadcast %sub3A_238 : f32 to vector<32x20xf32>
    %sub3A_240 = arith.subf %abs3A_230, %sub3A_239 : vector<32x20xf32>
    %select_n3A_241 = arith.select %lt3A_233, %mul3A_237, %sub3A_240 : vector<32x20xi1>, vector<32x20xf32>
    %add3A_242 = arith.addf %select_n3A_222, %select_n3A_241 : vector<32x20xf32>
    %sub3A_243 = arith.subf %squeeze3A_197, %log3A : vector<32x20xf32>
    %abs3A_244 = math.absf %sub3A_243 : vector<32x20xf32>
    %lt3A_245 = arith.constant 1.000000e+00 : f32
    %lt3A_246 = vector.broadcast %lt3A_245 : f32 to vector<32x20xf32>
    %lt3A_247 = arith.cmpf olt, %abs3A_244, %lt3A_246 : vector<32x20xf32>
    %mul3A_248 = arith.constant 5.000000e-01 : f32
    %mul3A_249 = vector.broadcast %mul3A_248 : f32 to vector<32x20xf32>
    %mul3A_250 = arith.mulf %mul3A_249, %abs3A_244 : vector<32x20xf32>
    %mul3A_251 = arith.mulf %mul3A_250, %abs3A_244 : vector<32x20xf32>
    %sub3A_252 = arith.constant 5.000000e-01 : f32
    %sub3A_253 = vector.broadcast %sub3A_252 : f32 to vector<32x20xf32>
    %sub3A_254 = arith.subf %abs3A_244, %sub3A_253 : vector<32x20xf32>
    %select_n3A_255 = arith.select %lt3A_247, %mul3A_251, %sub3A_254 : vector<32x20xi1>, vector<32x20xf32>
    %add3A_256 = arith.addf %add3A_242, %select_n3A_255 : vector<32x20xf32>
    %sub3A_257 = arith.subf %squeeze3A_199, %log3A_181 : vector<32x20xf32>
    %abs3A_258 = math.absf %sub3A_257 : vector<32x20xf32>
    %lt3A_259 = arith.constant 1.000000e+00 : f32
    %lt3A_260 = vector.broadcast %lt3A_259 : f32 to vector<32x20xf32>
    %lt3A_261 = arith.cmpf olt, %abs3A_258, %lt3A_260 : vector<32x20xf32>
    %mul3A_262 = arith.constant 5.000000e-01 : f32
    %mul3A_263 = vector.broadcast %mul3A_262 : f32 to vector<32x20xf32>
    %mul3A_264 = arith.mulf %mul3A_263, %abs3A_258 : vector<32x20xf32>
    %mul3A_265 = arith.mulf %mul3A_264, %abs3A_258 : vector<32x20xf32>
    %sub3A_266 = arith.constant 5.000000e-01 : f32
    %sub3A_267 = vector.broadcast %sub3A_266 : f32 to vector<32x20xf32>
    %sub3A_268 = arith.subf %abs3A_258, %sub3A_267 : vector<32x20xf32>
    %select_n3A_269 = arith.select %lt3A_261, %mul3A_265, %sub3A_268 : vector<32x20xi1>, vector<32x20xf32>
    %add3A_270 = arith.addf %add3A_256, %select_n3A_269 : vector<32x20xf32>
    %mul3A_271 = arith.mulf %select_n3A_168, %add3A_270 : vector<32x20xf32>
    %reduce_sum3A_272 = vector.shape_cast %mul3A_271 : vector<32x20xf32> to vector<1x32x20xf32>
    %reduce_sum3A_273 = arith.constant dense<0.000000e+00> : vector<1xf32>
    %reduce_sum3A_274 = vector.multi_reduction <add>, %reduce_sum3A_272, %reduce_sum3A_273 [1, 2] : vector<1x32x20xf32> to vector<1xf32>
    %reduce_sum3A_275 = vector.shape_cast %reduce_sum3A_274 : vector<1xf32> to vector<1x1x1xf32>
    %reduce_sum3A_276 = vector.extract %reduce_sum3A_275[0, 0, 0] : f32 from vector<1x1x1xf32>
    %logistic3A_277 = arith.negf %squeeze3A_201 : vector<32x20xf32>
    %logistic3A_278 = math.exp %logistic3A_277 : vector<32x20xf32>
    %logistic3A_279 = arith.constant 1.000000e+00 : f32
    %logistic3A_280 = vector.broadcast %logistic3A_279 : f32 to vector<32x20xf32>
    %logistic3A_281 = arith.addf %logistic3A_280, %logistic3A_278 : vector<32x20xf32>
    %logistic3A_282 = arith.divf %logistic3A_280, %logistic3A_281 : vector<32x20xf32>
    %mul3A_283 = arith.constant 5.000000e+00 : f32
    %mul3A_284 = vector.broadcast %mul3A_283 : f32 to vector<32x20xf32>
    %mul3A_285 = arith.mulf %mul3A_284, %logistic3A_282 : vector<32x20xf32>
    %mul3A_286 = arith.constant 5.000000e+00 : f32
    %mul3A_287 = vector.broadcast %mul3A_286 : f32 to vector<32x20xf32>
    %mul3A_288 = arith.mulf %mul3A_287, %cos3A : vector<32x20xf32>
    %sub3A_289 = arith.subf %mul3A_285, %mul3A_288 : vector<32x20xf32>
    %abs3A_290 = math.absf %sub3A_289 : vector<32x20xf32>
    %lt3A_291 = arith.constant 1.000000e+00 : f32
    %lt3A_292 = vector.broadcast %lt3A_291 : f32 to vector<32x20xf32>
    %lt3A_293 = arith.cmpf olt, %abs3A_290, %lt3A_292 : vector<32x20xf32>
    %mul3A_294 = arith.constant 5.000000e-01 : f32
    %mul3A_295 = vector.broadcast %mul3A_294 : f32 to vector<32x20xf32>
    %mul3A_296 = arith.mulf %mul3A_295, %abs3A_290 : vector<32x20xf32>
    %mul3A_297 = arith.mulf %mul3A_296, %abs3A_290 : vector<32x20xf32>
    %sub3A_298 = arith.constant 5.000000e-01 : f32
    %sub3A_299 = vector.broadcast %sub3A_298 : f32 to vector<32x20xf32>
    %sub3A_300 = arith.subf %abs3A_290, %sub3A_299 : vector<32x20xf32>
    %select_n3A_301 = arith.select %lt3A_293, %mul3A_297, %sub3A_300 : vector<32x20xi1>, vector<32x20xf32>
    %mul3A_302 = arith.constant 5.000000e-01 : f32
    %mul3A_303 = vector.broadcast %mul3A_302 : f32 to vector<32x20xf32>
    %mul3A_304 = arith.mulf %mul3A_303, %logistic3A_282 : vector<32x20xf32>
    %mul3A_305 = arith.mulf %mul3A_304, %logistic3A_282 : vector<32x20xf32>
    %sub3A_306 = arith.subf %select_n3A_301, %mul3A_305 : vector<32x20xf32>
    %mul3A_307 = arith.mulf %select_n3A_168, %sub3A_306 : vector<32x20xf32>
    %reduce_sum3A_308 = vector.shape_cast %mul3A_307 : vector<32x20xf32> to vector<1x32x20xf32>
    %reduce_sum3A_309 = arith.constant dense<0.000000e+00> : vector<1xf32>
    %reduce_sum3A_310 = vector.multi_reduction <add>, %reduce_sum3A_308, %reduce_sum3A_309 [1, 2] : vector<1x32x20xf32> to vector<1xf32>
    %reduce_sum3A_311 = vector.shape_cast %reduce_sum3A_310 : vector<1xf32> to vector<1x1x1xf32>
    %reduce_sum3A_312 = vector.extract %reduce_sum3A_311[0, 0, 0] : f32 from vector<1x1x1xf32>
    %reduce_sum3A_313 = vector.shape_cast %select_n3A_168 : vector<32x20xf32> to vector<1x32x20xf32>
    %reduce_sum3A_314 = arith.constant dense<0.000000e+00> : vector<1xf32>
    %reduce_sum3A_315 = vector.multi_reduction <add>, %reduce_sum3A_313, %reduce_sum3A_314 [1, 2] : vector<1x32x20xf32> to vector<1xf32>
    %reduce_sum3A_316 = vector.shape_cast %reduce_sum3A_315 : vector<1xf32> to vector<1x1x1xf32>
    %reduce_sum3A_317 = vector.extract %reduce_sum3A_316[0, 0, 0] : f32 from vector<1x1x1xf32>
    %sub3A_318 = arith.subf %squeeze3A_203, %sub3A_182 : vector<32x20xf32>
    %abs3A_319 = math.absf %sub3A_318 : vector<32x20xf32>
    %lt3A_320 = arith.constant 1.000000e+00 : f32
    %lt3A_321 = vector.broadcast %lt3A_320 : f32 to vector<32x20xf32>
    %lt3A_322 = arith.cmpf olt, %abs3A_319, %lt3A_321 : vector<32x20xf32>
    %mul3A_323 = arith.constant 5.000000e-01 : f32
    %mul3A_324 = vector.broadcast %mul3A_323 : f32 to vector<32x20xf32>
    %mul3A_325 = arith.mulf %mul3A_324, %abs3A_319 : vector<32x20xf32>
    %mul3A_326 = arith.mulf %mul3A_325, %abs3A_319 : vector<32x20xf32>
    %sub3A_327 = arith.constant 5.000000e-01 : f32
    %sub3A_328 = vector.broadcast %sub3A_327 : f32 to vector<32x20xf32>
    %sub3A_329 = arith.subf %abs3A_319, %sub3A_328 : vector<32x20xf32>
    %select_n3A_330 = arith.select %lt3A_322, %mul3A_326, %sub3A_329 : vector<32x20xi1>, vector<32x20xf32>
    %mul3A_331 = arith.mulf %select_n3A_168, %select_n3A_330 : vector<32x20xf32>
    %reduce_sum3A_332 = vector.shape_cast %mul3A_331 : vector<32x20xf32> to vector<1x32x20xf32>
    %reduce_sum3A_333 = arith.constant dense<0.000000e+00> : vector<1xf32>
    %reduce_sum3A_334 = vector.multi_reduction <add>, %reduce_sum3A_332, %reduce_sum3A_333 [1, 2] : vector<1x32x20xf32> to vector<1xf32>
    %reduce_sum3A_335 = vector.shape_cast %reduce_sum3A_334 : vector<1xf32> to vector<1x1x1xf32>
    %reduce_sum3A_336 = vector.extract %reduce_sum3A_335[0, 0, 0] : f32 from vector<1x1x1xf32>
    %reduce_max3A = arith.constant dense<0xFF800000> : vector<32x20xf32>
    %reduce_max3A_337 = vector.multi_reduction <maximumf>, %slice3A_204, %reduce_max3A [2] : vector<32x20x20xf32> to vector<32x20xf32>
    %broadcast_in_dim3A_338 = vector.shape_cast %reduce_max3A_337 : vector<32x20xf32> to vector<32x20x1xf32>
    %sub3A_339 = vector.broadcast %broadcast_in_dim3A_338 : vector<32x20x1xf32> to vector<32x20x20xf32>
    %sub3A_340 = arith.subf %slice3A_204, %sub3A_339 : vector<32x20x20xf32>
    %exp3A = math.exp %sub3A_340 : vector<32x20x20xf32>
    %reduce_sum3A_341 = arith.constant dense<0.000000e+00> : vector<32x20xf32>
    %reduce_sum3A_342 = vector.multi_reduction <add>, %exp3A, %reduce_sum3A_341 [2] : vector<32x20x20xf32> to vector<32x20xf32>
    %log3A_343 = math.log %reduce_sum3A_342 : vector<32x20xf32>
    %add3A_344 = arith.addf %reduce_max3A_337, %log3A_343 : vector<32x20xf32>
    %iota3A_345 = tpu.iota {dimensions = array<i32: 2>} : vector<32x20x20xi32>
    %broadcast_in_dim3A_346 = vector.shape_cast %convert_element_type3A_190 : vector<32x20xi32> to vector<32x20x1xi32>
    %eq3A_347 = vector.broadcast %broadcast_in_dim3A_346 : vector<32x20x1xi32> to vector<32x20x20xi32>
    %eq3A_348 = arith.cmpi eq, %iota3A_345, %eq3A_347 : vector<32x20x20xi32>
    %jit3A_349 = arith.constant 0.000000e+00 : f32
    %broadcast_in_dim3A_350 = vector.broadcast %jit3A_349 : f32 to vector<32x20x20xf32>
    %select_n3A_351 = arith.select %eq3A_348, %slice3A_204, %broadcast_in_dim3A_350 : vector<32x20x20xi1>, vector<32x20x20xf32>
    %reduce_sum3A_352 = arith.constant dense<0.000000e+00> : vector<32x20xf32>
    %reduce_sum3A_353 = vector.multi_reduction <add>, %select_n3A_351, %reduce_sum3A_352 [2] : vector<32x20x20xf32> to vector<32x20xf32>
    %sub3A_354 = arith.subf %add3A_344, %reduce_sum3A_353 : vector<32x20xf32>
    %mul3A_355 = arith.mulf %select_n3A_168, %sub3A_354 : vector<32x20xf32>
    %reduce_sum3A_356 = vector.shape_cast %mul3A_355 : vector<32x20xf32> to vector<1x32x20xf32>
    %reduce_sum3A_357 = arith.constant dense<0.000000e+00> : vector<1xf32>
    %reduce_sum3A_358 = vector.multi_reduction <add>, %reduce_sum3A_356, %reduce_sum3A_357 [1, 2] : vector<1x32x20xf32> to vector<1xf32>
    %reduce_sum3A_359 = vector.shape_cast %reduce_sum3A_358 : vector<1xf32> to vector<1x1x1xf32>
    %reduce_sum3A_360 = vector.extract %reduce_sum3A_359[0, 0, 0] : f32 from vector<1x1x1xf32>
    %mul3A_361 = arith.constant 5.000000e+00 : f32
    %mul3A_362 = arith.mulf %mul3A_361, %reduce_sum3A_276 : f32
    %div3A_363 = arith.constant 2.621440e+06 : f32
    %div3A_364 = arith.divf %mul3A_362, %div3A_363 : f32
    %add3A_365 = arith.addf %reduce_sum3A_5, %reduce_sum3A_312 : f32
    %div3A_366 = arith.constant 6.553600e+05 : f32
    %div3A_367 = arith.divf %add3A_365, %div3A_366 : f32
    %mul3A_368 = arith.constant 2.000000e+00 : f32
    %mul3A_369 = arith.mulf %mul3A_368, %reduce_sum3A_360 : f32
    %div3A_370 = arith.divf %mul3A_369, %reduce_sum3A_317 : f32
    %mul3A_371 = arith.constant 5.000000e+00 : f32
    %mul3A_372 = arith.mulf %mul3A_371, %reduce_sum3A_336 : f32
    %div3A_373 = arith.divf %mul3A_372, %reduce_sum3A_317 : f32
    %add3A_374 = arith.addf %div3A_364, %div3A_367 : f32
    %add3A_375 = arith.addf %add3A_374, %div3A_370 : f32
    %add3A_376 = arith.addf %add3A_375, %div3A_373 : f32
    %reshape3A = vector.broadcast %div3A_364 : f32 to vector<1x1xf32>
    %swap3A = arith.constant 0 : index
    %swap3A_377 = arith.constant 0 : index
    %swap3A_378 = vector.load %arg4[%swap3A, %swap3A_377] : memref<1x1xf32, #tpu.memory_space<vmem>>, vector<1x1xf32>
    tpu.vector_store %arg4[%swap3A, %swap3A_377], %reshape3A {strides = array<i32>} : memref<1x1xf32, #tpu.memory_space<vmem>>, vector<1x1xf32>,
    %reshape3A_379 = vector.broadcast %div3A_367 : f32 to vector<1x1xf32>
    %swap3A_380 = arith.constant 0 : index
    %swap3A_381 = arith.constant 0 : index
    %swap3A_382 = vector.load %arg5[%swap3A_380, %swap3A_381] : memref<1x1xf32, #tpu.memory_space<vmem>>, vector<1x1xf32>
    tpu.vector_store %arg5[%swap3A_380, %swap3A_381], %reshape3A_379 {strides = array<i32>} : memref<1x1xf32, #tpu.memory_space<vmem>>, vector<1x1xf32>,
    %reshape3A_383 = vector.broadcast %div3A_370 : f32 to vector<1x1xf32>
    %swap3A_384 = arith.constant 0 : index
    %swap3A_385 = arith.constant 0 : index
    %swap3A_386 = vector.load %arg6[%swap3A_384, %swap3A_385] : memref<1x1xf32, #tpu.memory_space<vmem>>, vector<1x1xf32>
    tpu.vector_store %arg6[%swap3A_384, %swap3A_385], %reshape3A_383 {strides = array<i32>} : memref<1x1xf32, #tpu.memory_space<vmem>>, vector<1x1xf32>,
    %reshape3A_387 = vector.broadcast %div3A_373 : f32 to vector<1x1xf32>
    %swap3A_388 = arith.constant 0 : index
    %swap3A_389 = arith.constant 0 : index
    %swap3A_390 = vector.load %arg7[%swap3A_388, %swap3A_389] : memref<1x1xf32, #tpu.memory_space<vmem>>, vector<1x1xf32>
    tpu.vector_store %arg7[%swap3A_388, %swap3A_389], %reshape3A_387 {strides = array<i32>} : memref<1x1xf32, #tpu.memory_space<vmem>>, vector<1x1xf32>,
    %reshape3A_391 = vector.broadcast %add3A_376 : f32 to vector<1x1xf32>
    %swap3A_392 = arith.constant 0 : index
    %swap3A_393 = arith.constant 0 : index
    %swap3A_394 = vector.load %arg3[%swap3A_392, %swap3A_393] : memref<1x1xf32, #tpu.memory_space<vmem>>, vector<1x1xf32>
    tpu.vector_store %arg3[%swap3A_392, %swap3A_393], %reshape3A_391 {strides = array<i32>} : memref<1x1xf32, #tpu.memory_space<vmem>>, vector<1x1xf32>,
    return
  }
}

module attributes {stable_mosaic.version = 14 : i64} {
  func.func @_a1_body(%arg0: i32, %arg1: memref<16384x128xf32, #tpu.memory_space<vmem>>, %arg2: memref<1x1xf32, #tpu.memory_space<vmem>>) attributes {dimension_semantics = [#tpu.dimension_semantics<arbitrary>], iteration_bounds = array<i64: 8>, scalar_prefetch = 0 : i64, scratch_operands = 0 : i64, tpu.core_type = #tpu.core_type<tc>, window_params = [{transform_indices = @transform_0, window_bounds = array<i64: 16384, 128>}, {pipeline_mode = #tpu.pipeline_mode<synchronous>, transform_indices = @transform_1, window_bounds = array<i64: 1, 1>}]} {
    %eq3A = arith.constant 0 : i32
    %eq3A_0 = arith.cmpi eq, %arg0, %eq3A : i32
    %convert_element_type3A = arith.extui %eq3A_0 : i1 to i32
    %cond3A = arith.constant 0 : i32
    %cond3A_1 = arith.cmpi ne, %convert_element_type3A, %cond3A : i32
    scf.if %cond3A_1 {
      %broadcast_in_dim3A_43 = arith.constant 0.000000e+00 : f32
      %broadcast_in_dim3A_44 = vector.broadcast %broadcast_in_dim3A_43 : f32 to vector<1x1xf32>
      %swap3A_45 = arith.constant 0 : index
      %swap3A_46 = arith.constant 0 : index
      %swap3A_47 = vector.load %arg2[%swap3A_45, %swap3A_46] : memref<1x1xf32, #tpu.memory_space<vmem>>, vector<1x1xf32>
      tpu.vector_store %arg2[%swap3A_45, %swap3A_46], %broadcast_in_dim3A_44 {strides = array<i32>} : memref<1x1xf32, #tpu.memory_space<vmem>>, vector<1x1xf32>,
    } else {
    }
    %get3A = arith.constant 0 : index
    %get3A_2 = arith.constant 0 : index
    %get3A_3 = vector.load %arg1[%get3A, %get3A_2] : memref<16384x128xf32, #tpu.memory_space<vmem>>, vector<16384x128xf32>
    %iota3A = tpu.iota {dimensions = array<i32: 1>} : vector<16384x128xi32>
    %neg3A = arith.constant 0.000000e+00 : f32
    %neg3A_4 = vector.broadcast %neg3A : f32 to vector<16384x128xf32>
    %neg3A_5 = arith.subf %neg3A_4, %get3A_3 : vector<16384x128xf32>
    %exp3A = math.exp %neg3A_5 : vector<16384x128xf32>
    %add3A = arith.constant 1.000000e+00 : f32
    %add3A_6 = vector.broadcast %add3A : f32 to vector<16384x128xf32>
    %add3A_7 = arith.addf %add3A_6, %exp3A : vector<16384x128xf32>
    %div3A = arith.constant 1.000000e+00 : f32
    %div3A_8 = vector.broadcast %div3A : f32 to vector<16384x128xf32>
    %div3A_9 = arith.divf %div3A_8, %add3A_7 : vector<16384x128xf32>
    %jit3A = arith.constant 26 : i32
    %eq3A_10 = arith.constant 0 : i32
    %eq3A_11 = arith.cmpi eq, %jit3A, %eq3A_10 : i32
    %jit3A_12 = arith.constant 1 : i32
    %select_n3A = arith.select %eq3A_11, %jit3A_12, %jit3A : i32
    %rem3A = vector.broadcast %select_n3A : i32 to vector<16384x128xi32>
    %rem3A_13 = arith.remsi %iota3A, %rem3A : vector<16384x128xi32>
    %ne3A = arith.constant 0 : i32
    %ne3A_14 = vector.broadcast %ne3A : i32 to vector<16384x128xi32>
    %ne3A_15 = arith.cmpi ne, %rem3A_13, %ne3A_14 : vector<16384x128xi32>
    %lt3A = arith.constant 0 : i32
    %lt3A_16 = vector.broadcast %lt3A : i32 to vector<16384x128xi32>
    %lt3A_17 = arith.cmpi slt, %rem3A_13, %lt3A_16 : vector<16384x128xi32>
    %lt3A_18 = arith.constant 0 : i32
    %lt3A_19 = arith.cmpi slt, %select_n3A, %lt3A_18 : i32
    %ne3A_20 = vector.broadcast %lt3A_19 : i1 to vector<16384x128xi1>
    %ne3A_21 = vector.broadcast %ne3A_20 : vector<16384x128xi1> to vector<16384x128xi1>
    %ne3A_22 = arith.xori %lt3A_17, %ne3A_21 : vector<16384x128xi1>
    %and3A = arith.andi %ne3A_22, %ne3A_15 : vector<16384x128xi1>
    %add3A_23 = vector.broadcast %select_n3A : i32 to vector<16384x128xi32>
    %add3A_24 = arith.addi %rem3A_13, %add3A_23 : vector<16384x128xi32>
    %select_n3A_25 = arith.select %and3A, %add3A_24, %rem3A_13 : vector<16384x128xi1>, vector<16384x128xi32>
    %eq3A_26 = arith.constant 4 : i32
    %eq3A_27 = vector.broadcast %eq3A_26 : i32 to vector<16384x128xi32>
    %eq3A_28 = arith.cmpi eq, %select_n3A_25, %eq3A_27 : vector<16384x128xi32>
    %mul3A = arith.mulf %div3A_9, %div3A_9 : vector<16384x128xf32>
    %jit3A_29 = arith.constant 0.000000e+00 : f32
    %broadcast_in_dim3A = vector.broadcast %jit3A_29 : f32 to vector<16384x128xf32>
    %select_n3A_30 = arith.select %eq3A_28, %mul3A, %broadcast_in_dim3A : vector<16384x128xi1>, vector<16384x128xf32>
    %get3A_31 = arith.constant 0 : index
    %get3A_32 = arith.constant 0 : index
    %get3A_33 = vector.load %arg2[%get3A_31, %get3A_32] : memref<1x1xf32, #tpu.memory_space<vmem>>, vector<1x1xf32>
    %reduce_sum3A = vector.shape_cast %select_n3A_30 : vector<16384x128xf32> to vector<1x16384x128xf32>
    %reduce_sum3A_34 = arith.constant dense<0.000000e+00> : vector<1xf32>
    %reduce_sum3A_35 = vector.multi_reduction <add>, %reduce_sum3A, %reduce_sum3A_34 [1, 2] : vector<1x16384x128xf32> to vector<1xf32>
    %reduce_sum3A_36 = vector.shape_cast %reduce_sum3A_35 : vector<1xf32> to vector<1x1x1xf32>
    %reduce_sum3A_37 = vector.extract %reduce_sum3A_36[0, 0, 0] : f32 from vector<1x1x1xf32>
    %mul3A_38 = arith.constant 5.000000e-01 : f32
    %mul3A_39 = arith.mulf %mul3A_38, %reduce_sum3A_37 : f32
    %reshape3A = vector.broadcast %mul3A_39 : f32 to vector<1x1xf32>
    %add3A_40 = arith.addf %get3A_33, %reshape3A : vector<1x1xf32>
    %swap3A = arith.constant 0 : index
    %swap3A_41 = arith.constant 0 : index
    %swap3A_42 = vector.load %arg2[%swap3A, %swap3A_41] : memref<1x1xf32, #tpu.memory_space<vmem>>, vector<1x1xf32>
    tpu.vector_store %arg2[%swap3A, %swap3A_41], %add3A_40 {strides = array<i32>} : memref<1x1xf32, #tpu.memory_space<vmem>>, vector<1x1xf32>,
    return
  }
  func.func @transform_0(%arg0: i32) -> (i32, i32) {
    %c0_i32 = arith.constant 0 : i32
    %c0_i32_0 = arith.constant 0 : i32
    return %arg0, %c0_i32 : i32, i32
  }
  func.func @transform_1(%arg0: i32) -> (i32, i32) {
    %c0_i32 = arith.constant 0 : i32
    %c0_i32_0 = arith.constant 0 : i32
    %c0_i32_1 = arith.constant 0 : i32
    return %c0_i32, %c0_i32_0 : i32, i32
  }
}

</mosaic_0001>

<sc_bundles>
// kernel: kernel.5.cloned.1.call-start
scs
__scs_entry_jumppad:
0x0: {  	(pc) =	sbr.rel $0x88, $3  }
0x1: {  	(tag) =	ssettag $0x0;
	lr =	simm.s32 $0x1  }
0x2: {  	[smem:$0x3F9F] =	sst lr;
	_ =	strace $0xD0000000  }
0x3: {  	_ = 	snop  }
0x4: {  	_ = 	snop  }
0x5: {  	_ = 	snop  }
0x6: {  	_ = 	snop  }
0x7: {  	_ = 	snop  }
__scs_overlays_trampoline_lowered:
0x8: {  	[smem:$0x3FAE] =	sst s0  }
0x9: {  	[smem:$0x3FAF] =	sst s1  }
0xa: {  	[smem:$0x3FB0] =	sst s2  }
0xb: {  	[smem:$0x3FB1] =	sst s3  }
0xc: {  	[smem:$0x3FB2] =	sst s4  }
0xd: {  	[smem:$0x3FB3] =	sst s5  }
0xe: {  	[smem:$0x3FB4] =	sst s6  }
0xf: {  	[smem:$0x3FB5] =	sst s7  }
0x10: {  	[smem:$0x3FB6] =	sst s8  }
0x11: {  	[smem:$0x3FB7] =	sst s9;
	s0 =	simm.s32 @!p0 $0x0  }
0x12: {  	s1 =	sld [smem:$0x3F9D];
	s0 =	simm.s32 @p0 $0x1  }
0x13: {  	[smem:$0x3FB8] =	sst s0;
	s0 =	simm.s32 @!p1 $0x0  }
0x14: {  	s2 =	sld [smem:$0x3F9C];
	s0 =	simm.s32 @p1 $0x1  }
0x15: {  	[smem:$0x3FB9] =	sst s0;
	s0 =	simm.s32 @!p2 $0x0  }
0x16: {  	s3 =	sld [smem:$0x3FDB];
	s0 =	simm.s32 @p2 $0x1  }
0x17: {  	s4 =	simm.s32 $0x1BF5;
	[smem:$0x3FBB] =	sst s0  }
0x18: {  	s0 =	sld [smem:$0x3F9E];
	_ =	swait.ge [sflag:s4], $0x0  }
0x19: {  	s7 =	sld [smem:$0x3F9F]  }
0x1a: {  	s8 =	sadd.s32 $0xFFFFE003, lr  }
0x1b: {  	s9 =	sadd.s32 $0xFFFFFEF7, lr;
	s5 =	simm.s32 $0xFFFFFFFF;
	p2 =	slt.u32 s8, $0xFFFFF086  }
0x1c: {  	p1 =	slt.u32 s9, $0xF7A;
	s5 =	simm.s32 @!p2 $0x0  }
0x1d: {  	s5 =	simm.s32 @p1 $0x1;
	p0 =	seq.s32 s7, s2  }
0x1e: {  	s7 =	smul.u32 @!p0 $0xF7A, s2;
	p2 =	seq.s32 @!p0 s5, $0x0  }
0x1f: {  	s9 =	smul.u32 $0xF7A, s1;
	s8 =	simm.s32 @!p0 $0x1BF5;
	p2 =	por !p2, p0  }
0x20: {  	[sflag:s8] =	ssyncset.s32 @!p0 $0xFFFFF086;
	s6 =	sadd.s32 @!p0 s3, s7;
	s7 =	simm.s32 @!p0 $0x108  }
0x21: {  	s3 =	sadd.s32 s3, s9;
	s6 =	sadd.s32 @!p0 $0x88, s6;
	s7 =	simm.s32 @p2 $0x1082  }
0x22: {  	[simem:s7], [sflag:s8] =	dma.local @!p0 [hbm:s6], $0xF7A  }
0x23: {  	s9 =	sor.u32 $0xD0000000, s2;
	s6 =	simm.s32 $0x108;
	_ =	swait.ge @!p0 [sflag:s8], $0x0  }
0x24: {  	s3 =	sadd.s32 $0x88, s3;
	s6 =	simm.s32 @!p1 $0x1082;
	[sflag:s4] =	ssyncset.s32 $0xFFFFF086  }
0x25: {  	[simem:s6], [sflag:s4] =	dma.local [hbm:s3], $0xF7A  }
0x26: {  	[smem:$0x3F9F] =	sst s1;
	(tag) =	ssettag s2;
	_ =	strace s9  }
0x27: {  	s1 =	sld [smem:$0x3FAF]  }
0x28: {  	s2 =	sld [smem:$0x3FB0]  }
0x29: {  	s4 =	sld [smem:$0x3FB2]  }
0x2a: {  	p0 =	seq.s32 s5, $0x0;
	s5 =	sld [smem:$0x3FB3]  }
0x2b: {  	s6 =	sld [smem:$0x3FB4]  }
0x2c: {  	s7 =	sld [smem:$0x3FB5]  }
0x2d: {  	s3 =	simm.s32 $0x108;
	s8 =	sld [smem:$0x3FB6]  }
0x2e: {  	s3 =	simm.s32 @!p0 $0x1082;
	s9 =	sld [smem:$0x3FB7]  }
0x2f: {  	lr =	sadd.s32 s0, s3;
	s0 =	sld [smem:$0x3FAE]  }
0x30: {  	s3 =	sld [smem:$0x3FB1]  }
0x31: {  	[smem:$0x3FBA] =	sst s10  }
0x32: {  	s10 =	sld [smem:$0x3FB8];
	_ =	sdelay $0x3  }
0x33: {  	p0 =	seq.s32 s10, $0x1;
	s10 =	sld [smem:$0x3FBA];
	_ =	sdelay $0x3  }
0x34: {  	[smem:$0x3FBA] =	sst s10  }
0x35: {  	s10 =	sld [smem:$0x3FB9];
	_ =	sdelay $0x3  }
0x36: {  	p1 =	seq.s32 s10, $0x1;
	s10 =	sld [smem:$0x3FBA];
	_ =	sdelay $0x3  }
0x37: {  	[smem:$0x3FBA] =	sst s10  }
0x38: {  	s10 =	sld [smem:$0x3FBB]  }
0x39: {  	_ = 	snop;
	(pc) =	sbr.ind lr, $3  }
0x3a: {  	_ = 	snop  }
0x3b: {  	_ = 	snop  }
0x3c: {  	p2 =	seq.s32 s10, $0x1;
	s10 =	sld [smem:$0x3FBA]  }
0x3d: {  	_ =	shalt  }
0x3e: {  	_ =	shalt  }
0x3f: {  	_ =	shalt  }
0x40: {  	_ =	shalt  }
0x41: {  	_ =	shalt  }
0x42: {  	_ =	shalt  }
0x43: {  	_ =	shalt  }
0x44: {  	_ =	shalt  }
0x45: {  	_ =	shalt  }
0x46: {  	_ =	shalt  }
0x47: {  	_ =	shalt  }
0x48: {  	_ =	shalt  }
0x49: {  	_ =	shalt  }
0x4a: {  	_ =	shalt  }
0x4b: {  	_ =	shalt  }
0x4c: {  	_ =	shalt  }
0x4d: {  	_ =	shalt  }
0x4e: {  	_ =	shalt  }
0x4f: {  	_ =	shalt  }
0x50: {  	_ =	shalt  }
0x51: {  	_ =	shalt  }
0x52: {  	_ =	shalt  }
0x53: {  	_ =	shalt  }
0x54: {  	_ =	shalt  }
0x55: {  	_ =	shalt  }
0x56: {  	_ =	shalt  }
0x57: {  	_ =	shalt  }
0x58: {  	_ =	shalt  }
0x59: {  	_ =	shalt  }
0x5a: {  	_ =	shalt  }
0x5b: {  	_ =	shalt  }
0x5c: {  	_ =	shalt  }
0x5d: {  	_ =	shalt  }
0x5e: {  	_ =	shalt  }
0x5f: {  	_ =	shalt  }
0x60: {  	_ =	shalt  }
0x61: {  	_ =	shalt  }
0x62: {  	_ =	shalt  }
0x63: {  	_ =	shalt  }
0x64: {  	_ =	shalt  }
0x65: {  	_ =	shalt  }
0x66: {  	_ =	shalt  }
0x67: {  	_ =	shalt  }
0x68: {  	_ =	shalt  }
0x69: {  	_ =	shalt  }
0x6a: {  	_ =	shalt  }
0x6b: {  	_ =	shalt  }
0x6c: {  	_ =	shalt  }
0x6d: {  	_ =	shalt  }
0x6e: {  	_ =	shalt  }
0x6f: {  	_ =	shalt  }
0x70: {  	_ =	shalt  }
0x71: {  	_ =	shalt  }
0x72: {  	_ =	shalt  }
0x73: {  	_ =	shalt  }
0x74: {  	_ =	shalt  }
0x75: {  	_ =	shalt  }
0x76: {  	_ =	shalt  }
0x77: {  	_ =	shalt  }
0x78: {  	_ =	shalt  }
0x79: {  	_ =	shalt  }
0x7a: {  	_ =	shalt  }
0x7b: {  	_ =	shalt  }
0x7c: {  	_ =	shalt  }
0x7d: {  	_ =	shalt  }
0x7e: {  	_ =	shalt  }
0x7f: {  	_ =	shalt  }
0x80: {  	_ =	shalt  }
0x81: {  	_ =	shalt  }
0x82: {  	_ =	shalt  }
0x83: {  	_ =	shalt  }
0x84: {  	_ =	shalt  }
0x85: {  	_ =	shalt  }
0x86: {  	_ =	shalt  }
0x87: {  	_ =	shalt  }
.Lfunc_end0:
.L_simem_size_0:
called_computation_lowered:
.L_overlay_start_0:
0x88: {  	s2 =	sld [smem:$0x3FD9]  }
0x89: {  	s3 =	sld [smem:$0x3FFE];
	_ =	sdelay $0x1  }
0x8a: {  	s1 =	srdreg.scid  }
0x8b: {  	s0 =	sand.u32 $0x1, s1  }
0x8c: {  	s17 =	sshll.u32 s0, $0xA;
	s2 =	sadd.s32 s3, s2  }
0x8d: {  	s2 =	sadd.s32 s2, s17  }
0x8e: {  	[smem:$0x3FC6] =	sst s2  }
0x8f: {  	_ = 	snop  }
0x90: {  	s2 =	sld [smem:$0x3FC9];
	(tm) =	ssettm $0x1  }
0x91: {  	s18 =	sld [smem:$0x3FFB];
	_ =	sdelay $0x3  }
0x92: {  	_ =	strace s18  }
0x93: {  	s3 =	sld [smem:$0x3FFC];
	_ =	sdelay $0x3  }
0x94: {  	_ =	strace s3  }
0x95: {  	s3 =	sld [smem:$0x3FFD];
	_ =	sdelay $0x3  }
0x96: {  	_ =	strace s3  }
0x97: {  	_ =	strace $0x8FFFFFFF  }
0x98: {  	s19 =	sld [smem:$0x3FDB];
	_ =	sdelay $0x1  }
0x99: {  	s4 =	simm.s32 $_scs_section_size  }
0x9a: {  	s5 =	simm.s32 $_size__tile_overlayer_lowered;
	s6 =	simm.s32 $_tile_overlayer_lowered  }
0x9b: {  	s22 =	simm.s32 $0x1BFF;
	s21 =	sshll.u32 s6, $0x1;
	s3 =	sadd.s32 s4, s19  }
0x9c: {  	s7 =	simm.s32 $0x0;
	s20 =	sshll.u32 s5, $0x1;
	s5 =	sadd.s32 s21, s3  }
0x9d: {  	[timem:s7], [sflag:s22] =	dma.local [hbm:s5], s20  }
0x9e: {  	_ =	swait.ge [sflag:s22], s20  }
0x9f: {  	s4 =	ssub.s32 $0x0, s20;
	[sflag:s22] =	ssyncset.done $0x0  }
0xa0: {  	[sflag:s22] =	ssyncadd.s32 s4;
	_ =	sdelay $0x1  }
0xa1: {  	s23 =	simm.s32 $0x1B8B  }
0xa2: {  	_ =	swait.ge [sflag:s23], $0x1  }
0xa3: {  	[sflag:s23] =	ssyncset.done $0x0  }
0xa4: {  	s25 =	simm.s32 $0x1B8E;
	s24 =	sld [smem:$0x3FFE];
	[sflag:s23] =	ssyncadd.s32 $0xFFFFFFFF  }
0xa5: {  	s26 =	simm.s32 $execute0_lowered;
	[smem:$0x3FD2] =	sst s25  }
0xa6: {  	s5 =	sshll.u32 s26, $0x1;
	_ =	strace $0x80000046;
	[dreg:$0x1] =	wrdreg $0xFFFFFFFF  }
0xa7: {  	s28 =	simm.s32 $_size_execute0_lowered;
	s3 =	sadd.s32 s3, s5;
	[dreg:$0x0] =	wrdreg $0x0  }
0xa8: {  	s5 =	sshll.u32 s28, $0x1;
	[dreg:$0x2] =	wrdreg s3  }
0xa9: {  	[dreg:$0x3] =	wrdreg s5  }
0xaa: {  	[dreg:$0x4] =	wrdreg $0xC0  }
0xab: {  	_ =	task [dreg:s7], $0x5FFFF  }
0xac: {  	[dreg:$0x1] =	wrdreg $0xFFFFFFFF  }
0xad: {  	[dreg:$0x0] =	wrdreg $0x60  }
0xae: {  	[dreg:$0x2] =	wrdreg s2  }
0xaf: {  	[dreg:$0x3] =	wrdreg s24  }
0xb0: {  	[dreg:$0x4] =	wrdreg $0x9  }
0xb1: {  	_ =	task.clear_ibuf [dreg:s7], $0x5FFFF;
	_ =	strace $0x90000046  }
0xb2: {  	s29 =	simm.s32 $0x9;
	_ =	strace $0x80000048  }
0xb3: {  	_ =	swait.ge [sflag:s29], $0x1  }
0xb4: {  	[sflag:s29] =	ssyncadd.s32 $0xFFFFFFFF  }
0xb5: {  	_ =	strace $0x90000048  }
0xb6: {  	_ =	sfence  }
0xb7: {  	s30 =	sld [smem:$0x0];
	_ =	sdelay $0x2  }
0xb8: {  	s31 =	sshll.u32 s1, $0xD;
	s1 =	sshrl.u32 s1, $0x2  }
0xb9: {  	s3 =	sand.u32 $0x4000, s31;
	s1 =	sadd.s32 s1, s30  }
0xba: {  	s0 =	sor.u32 s3, s0;
	s1 =	sshll.u32 s1, $0x11  }
0xbb: {  	s0 =	sor.u32 s1, s0  }
0xbc: {  	s0 =	sadd.s32 $0x8F2B, s0  }
0xbd: {  	[sflag:s0] =	ssyncadd.remote.s32 $0x1  }
0xbe: {  	_ =	sfence.sel $0xFFFF  }
0xbf: {  	[dreg:$0x0] =	wrdreg $0xFFFFFFFF;
	(pc) =	sbr.abs _section_cstart, $3  }
0xc0: {  	[dreg:$0x1] =	wrdreg $0xFFFFFFFF  }
0xc1: {  	_ =	task.clear_ibuf [dreg:s7], $0x2FFFF;
	_ =	strace $0x9FFFFFFF  }
0xc2: {  	(tm) =	ssettm $0x7FFFFFFF  }
0xc3: {  	_ =	shalt  }
tec
execute0_lowered:
.L_overlay_start_1:
0x0: {  	(tag) =	ssettag $0x1  }
0x1: {  	s3 =	stileid.u32  }
0x2: {  	s2 =	rddreg [dreg:$0x0];
	s4 =	sshll.u32 s3, $0x1;
	s3 =	simm.s32 $0x0  }
0x3: {  	[smem:$0x7FF] =	sst s3  }
0x4: {  	s1 =	rddreg [dreg:$0x1];
	v0 =	vimm.f32 $8.000000000e+00;
	_ =	strace $0x80000047  }
0x5: {  	(erf) = vrcp.f32 v0;
	_ =	sdelay $0x1  }
0x6: {  	s0 =	srdreg.scid  }
0x7: {  	s0 =	sand.u32 $0x1, s0  }
0x8: {  	s31 =	simm.s32 $0xA500;
	s4 =	sor.u32 s0, s4  }
0x9: {  	vm0 =	vmmov $0x1;
	vm1 =	vcmask $0x308;
	vm2 =	vcmask $0x70C;
	s0 =	ssub.s32 $0x2, s0;
	s5 =	sshll.u32 s4, $0x7;
	s6 =	smul.u32 $0x180, s4  }
0xa: {  	vm3 =	vcmask $0xB10;
	vm7 =	vcmask $0x1B20;
	vm8 =	vcmask $0x1F24;
	s28 =	simm.s32 $0x1;
	s30 =	sshrl.u32 s0, $0x1;
	s5 =	sadd.s32 s5, s1  }
0xb: {  	vm9 =	vcmask $0x2328;
	vm10 =	vcmask $0x272C;
	vm11 =	vcmask $0x2B30;
	[dreg:$0x5] =	wrdreg s31;
	s1 =	sadd.s32 s6, s1;
	s5 =	sadd.s32 $0xA00, s5  }
0xc: {  	vm12 =	vcmask $0x2F34;
	vm13 =	vcmask $0x3338;
	vm14 =	vcmask $0x373C;
	s0 =	ssub.s32 s0, s30;
	[dreg:$0x3] =	wrdreg s5;
	s1 =	sadd.s32 $0x1A00, s1  }
0xd: {  	vm15 =	vmmov $0x7fff;
	v2 =	vlaneseq.u32;
	s4 =	sshll.u32 s4, $0xC;
	v0 =	vimm.s32 $0x0;
	s5 =	smax.u32 s0, $0x1;
	[dreg:$0x4] =	wrdreg s1;
	v1 =	vpop (erf)  }
.LBB2_1:
0xe: {  	s0 =	rddreg [dreg:$0x3];
	s6 =	simm.s32 $0x2  }
0xf: {  	[tilespmem:s3], [sflag:$0x2] =	stream.linear.gather [hbm4b:s0+s3], $0x300, $0x38;
	[tilespmem:$0xB100] =	vst v63  }
0x10: {  	_ =	swait.ge [sflag:s6], $0x300  }
0x11: {  	[sflag:s6] =	ssyncset.done $0x0  }
0x12: {  	[sflag:s6] =	ssyncadd.s32 $0xFFFFFD00  }
0x13: {  	v3 =	vld [tilespmem:$0x80]  }
0x14: {  	v4 =	vld [tilespmem:$0x0];
	_ =	sdelay $0x3  }
0x15: {  	v3 =	vmul.f32 $6.400000000e+01, v3  }
0x16: {  	v4 =	vmul.f32 $6.400000000e+01, v4  }
0x17: {  	v3 =	vtrunc.f32 v3  }
0x18: {  	v4 =	vtrunc.f32 v4;
	v3 =	vcvt.f32.s32 v3  }
0x19: {  	v4 =	vcvt.f32.s32 v4  }
0x1a: {  	vm4 =	vgt.s32 v3, $0x0  }
0x1b: {  	vm5 =	vgt.s32 v4, $0x0;
	v3 =	vnsel vm4, $0x0, v3  }
0x1c: {  	v4 =	vnsel vm5, $0x0, v4;
	v3 =	vmin.u32 v3, $0x3F  }
0x1d: {  	v4 =	vmin.u32 v4, $0x3F;
	v3 =	vshll.u32 v3, $0x6  }
0x1e: {  	v3 =	vor.u32 v4, v3  }
0x1f: {  	[tilespmem:$0x400] =	vst v3  }
0x20: {  	v3 =	vld [tilespmem:$0x400];
	_ =	sdelay $0x2  }
0x21: {  	v38 =	vld [tilespmem:$0x200];
	_ =	sdelay $0x1  }
0x22: {  	v3 =	vnsel vm0, $0x0, v3  }
0x23: {  	(xrf0) =	vadd.scan.msk.s32 $0xffff, v3  }
0x24: {  	v39 =	vld [tilespmem:$0x210]  }
0x25: {  	v42 =	vld [tilespmem:$0x10];
	v4 =	vmul.f32 $3.141592740e+00, v38  }
0x26: {  	v44 =	vld [tilespmem:$0x90]  }
0x27: {  	v4 =	vmul.f32 v4, v1;
	_ =	sdelay $0x1  }
0x28: {  	v3 =	vmul.f32 $2.500000000e-01, v4;
	v8, _, _ =	vpop (xrf0)  }
0x29: {  	v46 =	vmul.f32 $6.400000000e+01, v42;
	v4 =	vmul.f32 $3.141592740e+00, v39;
	(v2sf) =	vpush v8, $0xF  }
0x2a: {  	v47 =	vmul.f32 $6.400000000e+01, v44;
	v5 =	vadd.f32 $-9.817499660e-02, v3;
	v7 =	vadd.f32 $-1.963499930e-01, v3  }
0x2b: {  	v6 =	vand.u32 $0x7FFFFFFF, v3;
	v41 =	vadd.f32 $-2.945249970e-01, v3;
	v4 =	vmul.f32 v4, v1  }
0x2c: {  	v3 =	vadd.f32 $-3.926999870e-01, v3;
	v5 =	vand.u32 $0x7FFFFFFF, v5;
	v40 =	vand.u32 $0x7FFFFFFF, v7  }
0x2d: {  	v43 =	vand.u32 $0x7FFFFFFF, v41;
	v4 =	vmul.f32 $2.500000000e-01, v4;
	vm4 =	vlt.f32 v5, v6  }
0x2e: {  	v3 =	vand.u32 $0x7FFFFFFF, v3;
	v5 =	vsel vm4, v5, v6;
	v45 =	vsel vm4, $0x1A, v0  }
0x2f: {  	v9 =	vadd.f32 $-9.817499660e-02, v4;
	v48 =	vand.u32 $0x7FFFFFFF, v4;
	vm5 =	vlt.f32 v40, v5  }
0x30: {  	v50 =	vadd.f32 $-1.963499930e-01, v4;
	v6 =	vtrunc.f32 v47;
	v5 =	vsel vm5, v40, v5  }
0x31: {  	v52 =	vadd.f32 $-2.945249970e-01, v4;
	v4 =	vadd.f32 $-3.926999870e-01, v4;
	vm6 =	vlt.f32 v43, v5  }
0x32: {  	v6 =	vcvt.f32.s32 v6;
	v49 =	vand.u32 $0x7FFFFFFF, v9;
	v5 =	vsel vm6, v43, v5  }
0x33: {  	v51 =	vand.u32 $0x7FFFFFFF, v50;
	vm4 =	vlt.f32 v3, v5;
	v5 =	vtrunc.f32 v46  }
0x34: {  	v53 =	vand.u32 $0x7FFFFFFF, v52;
	v3 =	vsel vm5, $0x34, v45;
	v5 =	vcvt.f32.s32 v5  }
0x35: {  	v4 =	vand.u32 $0x7FFFFFFF, v4;
	vm5 =	vlt.f32 v49, v48;
	v3 =	vsel vm6, $0x4E, v3  }
0x36: {  	v7 =	vsel vm5, v49, v48;
	v3 =	vsel vm4, $0x68, v3;
	vm4 =	vgt.s32 v5, $0x0  }
0x37: {  	vm6 =	vlt.f32 v51, v7;
	v5 =	vnsel vm4, $0x0, v5;
	vm4 =	vgt.s32 v6, $0x0  }
0x38: {  	v54 =	vsel vm5, $0x1A, v0;
	v7 =	vsel vm6, v51, v7;
	v6 =	vnsel vm4, $0x0, v6;
	s7 =	spop (v2sf)  }
0x39: {  	v9 =	vsel vm6, $0x34, v54;
	vm4 =	vlt.f32 v53, v7;
	v6 =	vmin.u32 v6, $0x3F;
	s29 =	sand.u32 $0x7, s7;
	s0 =	sadd.s32 s4, s7  }
0x3a: {  	v5 =	vmin.u32 v5, $0x3F;
	v7 =	vsel vm4, v53, v7;
	v6 =	vshll.u32 v6, $0x6;
	s0 =	ssub.s32 s0, s29  }
0x3b: {  	[tilespmem:$0x480] =	vst v3;
	v3 =	vsel vm4, $0x4E, v9;
	vm4 =	vlt.f32 v4, v7;
	v55 =	vor.u32 v5, v6;
	s0 =	sshll.u32 s0, $0x5  }
0x3c: {  	v3 =	vsel vm4, $0x68, v3;
	[tilespmem:$0x410] =	vst v55;
	s0 =	sand.u32 $0xFFFFF00, s0  }
0x3d: {  	s1 =	simm.s32 $0x500;
	[tilespmem:$0x490] =	vst v3;
	s0 =	sadd.s32 s2, s0  }
0x3e: {  	v3 =	vld [tilespmem:$0x480];
	[tilespmem:s1], [sflag:$0x1] =	stream.linear.gather [hbm4b:s0+s3], $0x800, $0x38  }
0x3f: {  	v56 =	vld [tilespmem:$0x400];
	_ =	sdelay $0x3  }
0x40: {  	v3 =	vnsel vm0, $0x0, v3  }
0x41: {  	(xrf0) =	vadd.scan.msk.s32 $0xffff, v3;
	v3 =	vsel vm1, $0x0, v56  }
0x42: {  	(xrf0) =	vadd.scan.msk.s32 $0xffff, v3;
	_ =	sdelay $0x4  }
0x43: {  	v22, _, _ =	vpop (xrf0)  }
0x44: {  	(v2sf) =	vpush v22, $0xF;
	v3, _, _ =	vpop (xrf0)  }
0x45: {  	(v2sf) =	vpush v3, $0xF;
	_ =	sdelay $0xd  }
0x46: {  	s23 =	spop (v2sf)  }
0x47: {  	s8 =	spop (v2sf)  }
0x48: {  	s30 =	sand.u32 $0x7, s8;
	s0 =	sadd.s32 s4, s8  }
0x49: {  	s0 =	ssub.s32 s0, s30  }
0x4a: {  	s0 =	sshll.u32 s0, $0x5  }
0x4b: {  	s0 =	sand.u32 $0xFFFFF00, s0  }
0x4c: {  	s9 =	simm.s32 $0xD00;
	s0 =	sadd.s32 s2, s0  }
0x4d: {  	v3 =	vld [tilespmem:$0x480];
	[tilespmem:s9], [sflag:$0x1] =	stream.linear.gather [hbm4b:s0+s3], $0x800, $0x38  }
0x4e: {  	v57 =	vld [tilespmem:$0x400];
	_ =	sdelay $0x3  }
0x4f: {  	v3 =	vsel vm1, $0x0, v3  }
0x50: {  	(xrf0) =	vadd.scan.msk.s32 $0xffff, v3;
	v3 =	vsel vm2, $0x0, v57  }
0x51: {  	(xrf0) =	vadd.scan.msk.s32 $0xffff, v3;
	_ =	sdelay $0x4  }
0x52: {  	v20, _, _ =	vpop (xrf0)  }
0x53: {  	(v2sf) =	vpush v20, $0xF;
	v3, _, _ =	vpop (xrf0)  }
0x54: {  	(v2sf) =	vpush v3, $0xF;
	_ =	sdelay $0xd  }
0x55: {  	s10 =	spop (v2sf)  }
0x56: {  	s11 =	spop (v2sf)  }
0x57: {  	s31 =	sand.u32 $0x7, s11;
	s0 =	sadd.s32 s4, s11  }
0x58: {  	s0 =	ssub.s32 s0, s31  }
0x59: {  	s0 =	sshll.u32 s0, $0x5  }
0x5a: {  	s0 =	sand.u32 $0xFFFFF00, s0  }
0x5b: {  	s12 =	simm.s32 $0x1500;
	s0 =	sadd.s32 s2, s0  }
0x5c: {  	v3 =	vld [tilespmem:$0x480];
	[tilespmem:s12], [sflag:$0x1] =	stream.linear.gather [hbm4b:s0+s3], $0x800, $0x38  }
0x5d: {  	v58 =	vld [tilespmem:$0x400];
	_ =	sdelay $0x3  }
0x5e: {  	v3 =	vsel vm2, $0x0, v3  }
0x5f: {  	(xrf0) =	vadd.scan.msk.s32 $0xffff, v3;
	v3 =	vsel vm3, $0x0, v58  }
0x60: {  	(xrf0) =	vadd.scan.msk.s32 $0xffff, v3;
	_ =	sdelay $0x4  }
0x61: {  	v59, _, _ =	vpop (xrf0)  }
0x62: {  	(v2sf) =	vpush v59, $0xF;
	v3, _, _ =	vpop (xrf0)  }
0x63: {  	(v2sf) =	vpush v3, $0xF;
	_ =	sdelay $0xd  }
0x64: {  	s13 =	spop (v2sf)  }
0x65: {  	s14 =	spop (v2sf)  }
0x66: {  	s1 =	sand.u32 $0x7, s14;
	s0 =	sadd.s32 s4, s14  }
0x67: {  	s0 =	ssub.s32 s0, s1  }
0x68: {  	s0 =	sshll.u32 s0, $0x5  }
0x69: {  	s0 =	sand.u32 $0xFFFFF00, s0  }
0x6a: {  	s6 =	simm.s32 $0x1D00;
	s0 =	sadd.s32 s2, s0  }
0x6b: {  	v3 =	vld [tilespmem:$0x480];
	[tilespmem:s6], [sflag:$0x1] =	stream.linear.gather [hbm4b:s0+s3], $0x800, $0x38  }
0x6c: {  	v60 =	vld [tilespmem:$0x400];
	_ =	sdelay $0x3  }
0x6d: {  	vm4 =	vcmask $0xF14;
	v3 =	vsel vm3, $0x0, v3  }
0x6e: {  	(xrf0) =	vadd.scan.msk.s32 $0xffff, v3;
	v3 =	vsel vm4, $0x0, v60  }
0x6f: {  	(xrf0) =	vadd.scan.msk.s32 $0xffff, v3;
	_ =	sdelay $0x4  }
0x70: {  	v61, _, _ =	vpop (xrf0)  }
0x71: {  	(v2sf) =	vpush v61, $0xF;
	v3, _, _ =	vpop (xrf0)  }
0x72: {  	(v2sf) =	vpush v3, $0xF;
	_ =	sdelay $0xd  }
0x73: {  	s25 =	spop (v2sf)  }
0x74: {  	s15 =	spop (v2sf)  }
0x75: {  	s22 =	sand.u32 $0x7, s15;
	s6 =	sadd.s32 s4, s15  }
0x76: {  	s6 =	ssub.s32 s6, s22  }
0x77: {  	s6 =	sshll.u32 s6, $0x5  }
0x78: {  	s6 =	sand.u32 $0xFFFFF00, s6  }
0x79: {  	s16 =	simm.s32 $0x2500;
	s6 =	sadd.s32 s2, s6  }
0x7a: {  	v3 =	vld [tilespmem:$0x480];
	[tilespmem:s16], [sflag:$0x1] =	stream.linear.gather [hbm4b:s6+s3], $0x800, $0x38  }
0x7b: {  	v62 =	vld [tilespmem:$0x400];
	_ =	sdelay $0x3  }
0x7c: {  	v3 =	vsel vm4, $0x0, v3;
	vm4 =	vcmask $0x1318  }
0x7d: {  	(xrf0) =	vadd.scan.msk.s32 $0xffff, v3;
	v3 =	vsel vm4, $0x0, v62  }
0x7e: {  	(xrf0) =	vadd.scan.msk.s32 $0xffff, v3;
	_ =	sdelay $0x4  }
0x7f: {  	v63, _, _ =	vpop (xrf0)  }
0x80: {  	(v2sf) =	vpush v63, $0xF;
	v3, _, _ =	vpop (xrf0)  }
0x81: {  	(v2sf) =	vpush v3, $0xF;
	_ =	sdelay $0xd  }
0x82: {  	s26 =	spop (v2sf)  }
0x83: {  	s17 =	spop (v2sf)  }
0x84: {  	s7 =	sand.u32 $0x7, s17;
	s6 =	sadd.s32 s4, s17  }
0x85: {  	s6 =	ssub.s32 s6, s7  }
0x86: {  	s6 =	sshll.u32 s6, $0x5  }
0x87: {  	s6 =	sand.u32 $0xFFFFF00, s6  }
0x88: {  	s18 =	simm.s32 $0x2D00;
	s6 =	sadd.s32 s2, s6  }
0x89: {  	v3 =	vld [tilespmem:$0x480];
	[tilespmem:s18], [sflag:$0x1] =	stream.linear.gather [hbm4b:s6+s3], $0x800, $0x38  }
0x8a: {  	v28 =	vld [tilespmem:$0x400];
	_ =	sdelay $0x3  }
0x8b: {  	v3 =	vsel vm4, $0x0, v3;
	vm4 =	vcmask $0x171C  }
0x8c: {  	(xrf0) =	vadd.scan.msk.s32 $0xffff, v3;
	v3 =	vsel vm4, $0x0, v28  }
0x8d: {  	(xrf0) =	vadd.scan.msk.s32 $0xffff, v3;
	_ =	sdelay $0x4  }
0x8e: {  	v29, _, _ =	vpop (xrf0)  }
0x8f: {  	(v2sf) =	vpush v29, $0xF;
	v3, _, _ =	vpop (xrf0)  }
0x90: {  	(v2sf) =	vpush v3, $0xF;
	_ =	sdelay $0xd  }
0x91: {  	s19 =	spop (v2sf)  }
0x92: {  	s20 =	spop (v2sf)  }
0x93: {  	s8 =	sand.u32 $0x7, s20;
	s6 =	sadd.s32 s4, s20  }
0x94: {  	s6 =	ssub.s32 s6, s8  }
0x95: {  	s6 =	sshll.u32 s6, $0x5  }
0x96: {  	s6 =	sand.u32 $0xFFFFF00, s6  }
0x97: {  	s21 =	simm.s32 $0x3500;
	s6 =	sadd.s32 s2, s6  }
0x98: {  	v3 =	vld [tilespmem:$0x480];
	[tilespmem:s21], [sflag:$0x1] =	stream.linear.gather [hbm4b:s6+s3], $0x800, $0x38  }
0x99: {  	v30 =	vld [tilespmem:$0x400];
	_ =	sdelay $0x3  }
0x9a: {  	v3 =	vsel vm4, $0x0, v3  }
0x9b: {  	(xrf0) =	vadd.scan.msk.s32 $0xffff, v3;
	v3 =	vsel vm7, $0x0, v30  }
0x9c: {  	(xrf0) =	vadd.scan.msk.s32 $0xffff, v3;
	_ =	sdelay $0x4  }
0x9d: {  	v31, _, _ =	vpop (xrf0)  }
0x9e: {  	(v2sf) =	vpush v31, $0xF;
	v3, _, _ =	vpop (xrf0)  }
0x9f: {  	(v2sf) =	vpush v3, $0xF;
	_ =	sdelay $0xd  }
0xa0: {  	s24 =	spop (v2sf)  }
0xa1: {  	s0 =	spop (v2sf)  }
0xa2: {  	s9 =	sand.u32 $0x7, s0;
	s6 =	sadd.s32 s4, s0  }
0xa3: {  	s6 =	ssub.s32 s6, s9  }
0xa4: {  	s6 =	sshll.u32 s6, $0x5  }
0xa5: {  	s6 =	sand.u32 $0xFFFFF00, s6  }
0xa6: {  	[dreg:$0x6] =	wrdreg s10;
	s10 =	simm.s32 $0x3D00;
	s6 =	sadd.s32 s2, s6  }
0xa7: {  	v3 =	vld [tilespmem:$0x480];
	[tilespmem:s10], [sflag:$0x1] =	stream.linear.gather [hbm4b:s6+s3], $0x800, $0x38  }
0xa8: {  	v32 =	vld [tilespmem:$0x400];
	_ =	sdelay $0x3  }
0xa9: {  	v3 =	vsel vm7, $0x0, v3  }
0xaa: {  	(xrf0) =	vadd.scan.msk.s32 $0xffff, v3;
	v3 =	vsel vm8, $0x0, v32  }
0xab: {  	(xrf0) =	vadd.scan.msk.s32 $0xffff, v3;
	_ =	sdelay $0x4  }
0xac: {  	v33, _, _ =	vpop (xrf0)  }
0xad: {  	(v2sf) =	vpush v33, $0xF;
	v3, _, _ =	vpop (xrf0)  }
0xae: {  	(v2sf) =	vpush v3, $0xF;
	_ =	sdelay $0xd  }
0xaf: {  	s11 =	spop (v2sf)  }
0xb0: {  	s12 =	spop (v2sf)  }
0xb1: {  	s10 =	sand.u32 $0x7, s12;
	s6 =	sadd.s32 s4, s12  }
0xb2: {  	s6 =	ssub.s32 s6, s10  }
0xb3: {  	s6 =	sshll.u32 s6, $0x5  }
0xb4: {  	s6 =	sand.u32 $0xFFFFF00, s6  }
0xb5: {  	[dreg:$0x7] =	wrdreg s13;
	s13 =	simm.s32 $0x4500;
	s6 =	sadd.s32 s2, s6  }
0xb6: {  	v3 =	vld [tilespmem:$0x480];
	[tilespmem:s13], [sflag:$0x1] =	stream.linear.gather [hbm4b:s6+s3], $0x800, $0x38  }
0xb7: {  	v10 =	vld [tilespmem:$0x400];
	_ =	sdelay $0x3  }
0xb8: {  	v3 =	vsel vm8, $0x0, v3  }
0xb9: {  	(xrf0) =	vadd.scan.msk.s32 $0xffff, v3;
	v3 =	vsel vm9, $0x0, v10  }
0xba: {  	(xrf0) =	vadd.scan.msk.s32 $0xffff, v3;
	_ =	sdelay $0x4  }
0xbb: {  	v34, _, _ =	vpop (xrf0)  }
0xbc: {  	(v2sf) =	vpush v34, $0xF;
	v3, _, _ =	vpop (xrf0)  }
0xbd: {  	(v2sf) =	vpush v3, $0xF;
	_ =	sdelay $0xd  }
0xbe: {  	s14 =	spop (v2sf)  }
0xbf: {  	s15 =	spop (v2sf)  }
0xc0: {  	[dreg:$0xa] =	wrdreg s11;
	s11 =	sand.u32 $0x7, s15;
	s6 =	sadd.s32 s4, s15  }
0xc1: {  	s6 =	ssub.s32 s6, s11  }
0xc2: {  	s6 =	sshll.u32 s6, $0x5  }
0xc3: {  	s6 =	sand.u32 $0xFFFFF00, s6  }
0xc4: {  	s16 =	simm.s32 $0x4D00;
	s6 =	sadd.s32 s2, s6  }
0xc5: {  	v3 =	vld [tilespmem:$0x480];
	[tilespmem:s16], [sflag:$0x1] =	stream.linear.gather [hbm4b:s6+s3], $0x800, $0x38  }
0xc6: {  	v11 =	vld [tilespmem:$0x400];
	_ =	sdelay $0x3  }
0xc7: {  	v3 =	vsel vm9, $0x0, v3  }
0xc8: {  	(xrf0) =	vadd.scan.msk.s32 $0xffff, v3;
	v3 =	vsel vm10, $0x0, v11  }
0xc9: {  	(xrf0) =	vadd.scan.msk.s32 $0xffff, v3;
	_ =	sdelay $0x4  }
0xca: {  	v11, _, _ =	vpop (xrf0)  }
0xcb: {  	(v2sf) =	vpush v11, $0xF;
	v3, _, _ =	vpop (xrf0)  }
0xcc: {  	(v2sf) =	vpush v3, $0xF;
	_ =	sdelay $0xd  }
0xcd: {  	s17 =	spop (v2sf)  }
0xce: {  	s18 =	spop (v2sf)  }
0xcf: {  	s12 =	sand.u32 $0x7, s18;
	s6 =	sadd.s32 s4, s18  }
0xd0: {  	s6 =	ssub.s32 s6, s12  }
0xd1: {  	s6 =	sshll.u32 s6, $0x5  }
0xd2: {  	s6 =	sand.u32 $0xFFFFF00, s6  }
0xd3: {  	[dreg:$0x8] =	wrdreg s19;
	s19 =	simm.s32 $0x5500;
	s6 =	sadd.s32 s2, s6  }
0xd4: {  	v3 =	vld [tilespmem:$0x480];
	[tilespmem:s19], [sflag:$0x1] =	stream.linear.gather [hbm4b:s6+s3], $0x800, $0x38  }
0xd5: {  	v12 =	vld [tilespmem:$0x400];
	_ =	sdelay $0x3  }
0xd6: {  	v3 =	vsel vm10, $0x0, v3  }
0xd7: {  	(xrf0) =	vadd.scan.msk.s32 $0xffff, v3;
	v3 =	vsel vm11, $0x0, v12  }
0xd8: {  	(xrf0) =	vadd.scan.msk.s32 $0xffff, v3;
	_ =	sdelay $0x4  }
0xd9: {  	v12, _, _ =	vpop (xrf0)  }
0xda: {  	(v2sf) =	vpush v12, $0xF;
	v3, _, _ =	vpop (xrf0)  }
0xdb: {  	(v2sf) =	vpush v3, $0xF;
	_ =	sdelay $0xd  }
0xdc: {  	s20 =	spop (v2sf)  }
0xdd: {  	s21 =	spop (v2sf)  }
0xde: {  	s13 =	sand.u32 $0x7, s21;
	s6 =	sadd.s32 s4, s21  }
0xdf: {  	s6 =	ssub.s32 s6, s13  }
0xe0: {  	s6 =	sshll.u32 s6, $0x5  }
0xe1: {  	s6 =	sand.u32 $0xFFFFF00, s6  }
0xe2: {  	[dreg:$0x9] =	wrdreg s24;
	s24 =	simm.s32 $0x5D00;
	s6 =	sadd.s32 s2, s6  }
0xe3: {  	v3 =	vld [tilespmem:$0x480];
	[tilespmem:s24], [sflag:$0x1] =	stream.linear.gather [hbm4b:s6+s3], $0x800, $0x38  }
0xe4: {  	v13 =	vld [tilespmem:$0x400];
	_ =	sdelay $0x3  }
0xe5: {  	v3 =	vsel vm11, $0x0, v3  }
0xe6: {  	(xrf0) =	vadd.scan.msk.s32 $0xffff, v3;
	v3 =	vsel vm12, $0x0, v13  }
0xe7: {  	(xrf0) =	vadd.scan.msk.s32 $0xffff, v3;
	_ =	sdelay $0x4  }
0xe8: {  	v13, _, _ =	vpop (xrf0)  }
0xe9: {  	(v2sf) =	vpush v13, $0xF;
	v3, _, _ =	vpop (xrf0)  }
0xea: {  	(v2sf) =	vpush v3, $0xF;
	_ =	sdelay $0xd  }
0xeb: {  	[dreg:$0xb] =	wrdreg s14;
	s14 =	spop (v2sf)  }
0xec: {  	s15 =	spop (v2sf)  }
0xed: {  	[dreg:$0xe] =	wrdreg s14;
	s14 =	sand.u32 $0x7, s15;
	s6 =	sadd.s32 s4, s15  }
0xee: {  	s6 =	ssub.s32 s6, s14  }
0xef: {  	s6 =	sshll.u32 s6, $0x5  }
0xf0: {  	s6 =	sand.u32 $0xFFFFF00, s6  }
0xf1: {  	s16 =	simm.s32 $0x6500;
	s6 =	sadd.s32 s2, s6  }
0xf2: {  	v3 =	vld [tilespmem:$0x480];
	[tilespmem:s16], [sflag:$0x1] =	stream.linear.gather [hbm4b:s6+s3], $0x800, $0x38  }
0xf3: {  	v14 =	vld [tilespmem:$0x400];
	_ =	sdelay $0x3  }
0xf4: {  	v3 =	vsel vm12, $0x0, v3  }
0xf5: {  	(xrf0) =	vadd.scan.msk.s32 $0xffff, v3;
	v3 =	vsel vm13, $0x0, v14  }
0xf6: {  	(xrf0) =	vadd.scan.msk.s32 $0xffff, v3;
	_ =	sdelay $0x4  }
0xf7: {  	v14, _, _ =	vpop (xrf0)  }
0xf8: {  	(v2sf) =	vpush v14, $0xF;
	v3, _, _ =	vpop (xrf0)  }
0xf9: {  	(v2sf) =	vpush v3, $0xF;
	_ =	sdelay $0xd  }
0xfa: {  	[dreg:$0xc] =	wrdreg s17;
	s17 =	spop (v2sf)  }
0xfb: {  	s18 =	spop (v2sf)  }
0xfc: {  	s15 =	sand.u32 $0x7, s18;
	s6 =	sadd.s32 s4, s18  }
0xfd: {  	s6 =	ssub.s32 s6, s15  }
0xfe: {  	s6 =	sshll.u32 s6, $0x5  }
0xff: {  	s6 =	sand.u32 $0xFFFFF00, s6  }
0x100: {  	s19 =	simm.s32 $0x6D00;
	s6 =	sadd.s32 s2, s6  }
0x101: {  	v3 =	vld [tilespmem:$0x480];
	[tilespmem:s19], [sflag:$0x1] =	stream.linear.gather [hbm4b:s6+s3], $0x800, $0x38  }
0x102: {  	v15 =	vld [tilespmem:$0x400];
	_ =	sdelay $0x3  }
0x103: {  	v3 =	vsel vm13, $0x0, v3  }
0x104: {  	(xrf0) =	vadd.scan.msk.s32 $0xffff, v3;
	v3 =	vsel vm14, $0x0, v15  }
0x105: {  	(xrf0) =	vadd.scan.msk.s32 $0xffff, v3;
	_ =	sdelay $0x4  }
0x106: {  	v15, _, _ =	vpop (xrf0)  }
0x107: {  	(v2sf) =	vpush v15, $0xF;
	v3, _, _ =	vpop (xrf0)  }
0x108: {  	(v2sf) =	vpush v3, $0xF;
	_ =	sdelay $0xd  }
0x109: {  	[dreg:$0xd] =	wrdreg s20;
	s20 =	spop (v2sf)  }
0x10a: {  	s21 =	spop (v2sf)  }
0x10b: {  	s16 =	sand.u32 $0x7, s21;
	s6 =	sadd.s32 s4, s21  }
0x10c: {  	s6 =	ssub.s32 s6, s16  }
0x10d: {  	s6 =	sshll.u32 s6, $0x5  }
0x10e: {  	s6 =	sand.u32 $0xFFFFF00, s6  }
0x10f: {  	s24 =	simm.s32 $0x7500;
	s6 =	sadd.s32 s2, s6  }
0x110: {  	v3 =	vld [tilespmem:$0x480];
	[tilespmem:s24], [sflag:$0x1] =	stream.linear.gather [hbm4b:s6+s3], $0x800, $0x38  }
0x111: {  	v16 =	vld [tilespmem:$0x400];
	_ =	sdelay $0x3  }
0x112: {  	v3 =	vsel vm14, $0x0, v3  }
0x113: {  	(xrf0) =	vadd.scan.msk.s32 $0xffff, v3;
	v3 =	vsel vm15, $0x0, v16  }
0x114: {  	(xrf0) =	vadd.scan.msk.s32 $0xffff, v3;
	_ =	sdelay $0x4  }
0x115: {  	v16, _, _ =	vpop (xrf0)  }
0x116: {  	(v2sf) =	vpush v16, $0xF;
	v3, _, _ =	vpop (xrf0)  }
0x117: {  	(v2sf) =	vpush v3, $0xF;
	_ =	sdelay $0xd  }
0x118: {  	[dreg:$0xf] =	wrdreg s17;
	s17 =	spop (v2sf)  }
0x119: {  	s18 =	spop (v2sf)  }
0x11a: {  	[dreg:$0x11] =	wrdreg s17;
	s17 =	sand.u32 $0x7, s18;
	s6 =	sadd.s32 s4, s18  }
0x11b: {  	s6 =	ssub.s32 s6, s17  }
0x11c: {  	s6 =	sshll.u32 s6, $0x5  }
0x11d: {  	s6 =	sand.u32 $0xFFFFF00, s6  }
0x11e: {  	s19 =	simm.s32 $0x7D00;
	s6 =	sadd.s32 s2, s6  }
0x11f: {  	v3 =	vld [tilespmem:$0x480];
	[tilespmem:s19], [sflag:$0x1] =	stream.linear.gather [hbm4b:s6+s3], $0x800, $0x38  }
0x120: {  	v17 =	vld [tilespmem:$0x410];
	_ =	sdelay $0x3  }
0x121: {  	v3 =	vsel vm15, $0x0, v3  }
0x122: {  	(xrf0) =	vadd.scan.msk.s32 $0xffff, v3;
	v3 =	vnsel vm0, $0x0, v17  }
0x123: {  	(xrf0) =	vadd.scan.msk.s32 $0xffff, v3;
	_ =	sdelay $0x4  }
0x124: {  	v17, _, _ =	vpop (xrf0)  }
0x125: {  	(v2sf) =	vpush v17, $0xF;
	v3, _, _ =	vpop (xrf0)  }
0x126: {  	(v2sf) =	vpush v3, $0xF;
	_ =	sdelay $0xd  }
0x127: {  	[dreg:$0x10] =	wrdreg s20;
	s20 =	spop (v2sf)  }
0x128: {  	s21 =	spop (v2sf)  }
0x129: {  	s18 =	sand.u32 $0x7, s21;
	s6 =	sadd.s32 s4, s21  }
0x12a: {  	s6 =	ssub.s32 s6, s18  }
0x12b: {  	s6 =	sshll.u32 s6, $0x5  }
0x12c: {  	s6 =	sand.u32 $0xFFFFF00, s6  }
0x12d: {  	s24 =	simm.s32 $0x8500;
	s6 =	sadd.s32 s2, s6  }
0x12e: {  	v3 =	vld [tilespmem:$0x490];
	[tilespmem:s24], [sflag:$0x1] =	stream.linear.gather [hbm4b:s6+s3], $0x800, $0x38  }
0x12f: {  	v18 =	vld [tilespmem:$0x410];
	_ =	sdelay $0x3  }
0x130: {  	v3 =	vnsel vm0, $0x0, v3  }
0x131: {  	(xrf0) =	vadd.scan.msk.s32 $0xffff, v3;
	v3 =	vsel vm1, $0x0, v18  }
0x132: {  	(xrf0) =	vadd.scan.msk.s32 $0xffff, v3;
	_ =	sdelay $0x4  }
0x133: {  	v18, _, _ =	vpop (xrf0)  }
0x134: {  	(v2sf) =	vpush v18, $0xF;
	v3, _, _ =	vpop (xrf0)  }
0x135: {  	(v2sf) =	vpush v3, $0xF;
	_ =	sdelay $0xd  }
0x136: {  	s19 =	spop (v2sf)  }
0x137: {  	[dreg:$0x12] =	wrdreg s20;
	s20 =	spop (v2sf)  }
0x138: {  	[dreg:$0x13] =	wrdreg s19;
	s19 =	sand.u32 $0x7, s20;
	s6 =	sadd.s32 s4, s20  }
0x139: {  	s6 =	ssub.s32 s6, s19  }
0x13a: {  	s6 =	sshll.u32 s6, $0x5  }
0x13b: {  	s6 =	sand.u32 $0xFFFFF00, s6  }
0x13c: {  	s21 =	simm.s32 $0x8D00;
	s6 =	sadd.s32 s2, s6  }
0x13d: {  	v3 =	vld [tilespmem:$0x490];
	[tilespmem:s21], [sflag:$0x1] =	stream.linear.gather [hbm4b:s6+s3], $0x800, $0x38  }
0x13e: {  	v19 =	vld [tilespmem:$0x410];
	_ =	sdelay $0x3  }
0x13f: {  	v3 =	vsel vm1, $0x0, v3  }
0x140: {  	(xrf0) =	vadd.scan.msk.s32 $0xffff, v3;
	v3 =	vsel vm2, $0x0, v19  }
0x141: {  	(xrf0) =	vadd.scan.msk.s32 $0xffff, v3;
	_ =	sdelay $0x4  }
0x142: {  	v19, _, _ =	vpop (xrf0)  }
0x143: {  	(v2sf) =	vpush v19, $0xF;
	v3, _, _ =	vpop (xrf0)  }
0x144: {  	(v2sf) =	vpush v3, $0xF;
	_ =	sdelay $0xd  }
0x145: {  	s24 =	spop (v2sf)  }
0x146: {  	s0 =	spop (v2sf)  }
0x147: {  	s20 =	sand.u32 $0x7, s0;
	s6 =	sadd.s32 s4, s0  }
0x148: {  	s6 =	ssub.s32 s6, s20  }
0x149: {  	s6 =	sshll.u32 s6, $0x5  }
0x14a: {  	s6 =	sand.u32 $0xFFFFF00, s6  }
0x14b: {  	s21 =	simm.s32 $0x9500;
	s6 =	sadd.s32 s2, s6  }
0x14c: {  	v3 =	vld [tilespmem:$0x490];
	[tilespmem:s21], [sflag:$0x1] =	stream.linear.gather [hbm4b:s6+s3], $0x800, $0x38  }
0x14d: {  	v21 =	vld [tilespmem:$0x410];
	_ =	sdelay $0x3  }
0x14e: {  	v3 =	vsel vm2, $0x0, v3  }
0x14f: {  	(xrf0) =	vadd.scan.msk.s32 $0xffff, v3;
	v3 =	vsel vm3, $0x0, v21  }
0x150: {  	(xrf0) =	vadd.scan.msk.s32 $0xffff, v3  }
0x151: {  	v3 =	vld [tilespmem:$0x490];
	_ =	sdelay $0x3  }
0x152: {  	v21, _, _ =	vpop (xrf0)  }
0x153: {  	(v2sf) =	vpush v21, $0xF;
	v3 =	vsel vm3, $0x0, v3;
	v23, _, _ =	vpop (xrf0)  }
0x154: {  	(xrf0) =	vadd.scan.msk.s32 $0xffff, v3;
	(v2sf) =	vpush v23, $0xF;
	_ =	sdelay $0x5  }
0x155: {  	v3, _, _ =	vpop (xrf0)  }
0x156: {  	(v2sf) =	vpush v3, $0xF;
	_ =	sdelay $0x6  }
0x157: {  	s6 =	spop (v2sf)  }
0x158: {  	s21 =	spop (v2sf)  }
0x159: {  	[dreg:$0x14] =	wrdreg s24;
	s24 =	sadd.s32 s4, s21;
	s21 =	sand.u32 $0x7, s21  }
0x15a: {  	s0 =	ssub.s32 s24, s21  }
0x15b: {  	s0 =	sshll.u32 s0, $0x5  }
0x15c: {  	s0 =	sand.u32 $0xFFFFF00, s0  }
0x15d: {  	s24 =	simm.s32 $0x9D00;
	s0 =	sadd.s32 s2, s0  }
0x15e: {  	[tilespmem:s24], [sflag:$0x1] =	stream.linear.gather [hbm4b:s0+s3], $0x800, $0x38;
	[tilespmem:$0xB100] =	vst v63  }
0x15f: {  	s24 =	spop (v2sf)  }
0x160: {  	_ =	swait.ge [sflag:s28], $0x800  }
0x161: {  	[sflag:s28] =	ssyncset.done $0x0  }
0x162: {  	[sflag:s28] =	ssyncadd.s32 $0xFFFFF800  }
0x163: {  	_ =	swait.ge [sflag:s28], $0x800  }
0x164: {  	[sflag:s28] =	ssyncset.done $0x0  }
0x165: {  	[sflag:s28] =	ssyncadd.s32 $0xFFFFF800  }
0x166: {  	_ =	swait.ge [sflag:s28], $0x800  }
0x167: {  	[sflag:s28] =	ssyncset.done $0x0  }
0x168: {  	[sflag:s28] =	ssyncadd.s32 $0xFFFFF800  }
0x169: {  	_ =	swait.ge [sflag:s28], $0x800  }
0x16a: {  	[sflag:s28] =	ssyncset.done $0x0  }
0x16b: {  	[sflag:s28] =	ssyncadd.s32 $0xFFFFF800  }
0x16c: {  	_ =	swait.ge [sflag:s28], $0x800  }
0x16d: {  	[sflag:s28] =	ssyncset.done $0x0  }
0x16e: {  	[sflag:s28] =	ssyncadd.s32 $0xFFFFF800  }
0x16f: {  	_ =	swait.ge [sflag:s28], $0x800  }
0x170: {  	[sflag:s28] =	ssyncset.done $0x0  }
0x171: {  	[sflag:s28] =	ssyncadd.s32 $0xFFFFF800  }
0x172: {  	_ =	swait.ge [sflag:s28], $0x800  }
0x173: {  	[sflag:s28] =	ssyncset.done $0x0  }
0x174: {  	[sflag:s28] =	ssyncadd.s32 $0xFFFFF800  }
0x175: {  	_ =	swait.ge [sflag:s28], $0x800  }
0x176: {  	[sflag:s28] =	ssyncset.done $0x0  }
0x177: {  	[sflag:s28] =	ssyncadd.s32 $0xFFFFF800  }
0x178: {  	_ =	swait.ge [sflag:s28], $0x800  }
0x179: {  	[sflag:s28] =	ssyncset.done $0x0  }
0x17a: {  	[sflag:s28] =	ssyncadd.s32 $0xFFFFF800  }
0x17b: {  	_ =	swait.ge [sflag:s28], $0x800  }
0x17c: {  	[sflag:s28] =	ssyncset.done $0x0  }
0x17d: {  	[sflag:s28] =	ssyncadd.s32 $0xFFFFF800  }
0x17e: {  	_ =	swait.ge [sflag:s28], $0x800  }
0x17f: {  	[sflag:s28] =	ssyncset.done $0x0  }
0x180: {  	[sflag:s28] =	ssyncadd.s32 $0xFFFFF800  }
0x181: {  	_ =	swait.ge [sflag:s28], $0x800  }
0x182: {  	[sflag:s28] =	ssyncset.done $0x0  }
0x183: {  	[sflag:s28] =	ssyncadd.s32 $0xFFFFF800  }
0x184: {  	_ =	swait.ge [sflag:s28], $0x800  }
0x185: {  	[sflag:s28] =	ssyncset.done $0x0  }
0x186: {  	[sflag:s28] =	ssyncadd.s32 $0xFFFFF800  }
0x187: {  	_ =	swait.ge [sflag:s28], $0x800  }
0x188: {  	[sflag:s28] =	ssyncset.done $0x0  }
0x189: {  	[sflag:s28] =	ssyncadd.s32 $0xFFFFF800  }
0x18a: {  	_ =	swait.ge [sflag:s28], $0x800  }
0x18b: {  	[sflag:s28] =	ssyncset.done $0x0  }
0x18c: {  	[sflag:s28] =	ssyncadd.s32 $0xFFFFF800  }
0x18d: {  	_ =	swait.ge [sflag:s28], $0x800  }
0x18e: {  	[sflag:s28] =	ssyncset.done $0x0  }
0x18f: {  	[sflag:s28] =	ssyncadd.s32 $0xFFFFF800  }
0x190: {  	_ =	swait.ge [sflag:s28], $0x800  }
0x191: {  	[sflag:s28] =	ssyncset.done $0x0  }
0x192: {  	v22 =	vbroadcast v22, $0xF;
	[sflag:s28] =	ssyncadd.s32 $0xFFFFF800  }
0x193: {  	_ =	swait.ge [sflag:s28], $0x800  }
0x194: {  	v22 =	vadd.s32 v2, v22;
	s23 =	sadd.s32 $0x10, s23;
	[sflag:s28] =	ssyncset.done $0x0  }
0x195: {  	v24 =	vshll.u32 v22, $0x3;
	v35 =	vadd.s32 s23, v2;
	[sflag:s28] =	ssyncadd.s32 $0xFFFFF800  }
0x196: {  	v22 =	vand.u32 $0x7F, v22;
	v24 =	vand.u32 $0xFFFFFC00, v24;
	v25 =	vshll.u32 v35, $0x3;
	_ =	swait.ge [sflag:s28], $0x800  }
0x197: {  	v22 =	vor.u32 v22, v24;
	s23 =	sshll.u32 s29, $0x7;
	v36 =	vand.u32 $0xFFFFFC00, v25;
	v23 =	vand.u32 $0x7F, v35;
	[sflag:s28] =	ssyncset.done $0x0  }
0x198: {  	v22 =	vor.u32 s23, v22;
	v23 =	vor.u32 v36, v23;
	[sflag:s28] =	ssyncadd.s32 $0xFFFFF800  }
0x199: {  	v20 =	vbroadcast v20, $0xF;
	v23 =	vor.u32 s23, v23;
	_ =	swait.ge [sflag:s28], $0x800  }
0x19a: {  	s29 =	rddreg [dreg:$0x6]  }
0x19b: {  	v20 =	vadd.s32 v2, v20;
	[sflag:s28] =	ssyncset.done $0x0;
	s0 =	sadd.s32 $0x10, s29  }
0x19c: {  	v38 =	vshll.u32 v20, $0x3;
	s23 =	simm.s32 $0x500;
	[sflag:s28] =	ssyncadd.s32 $0xFFFFF800;
	v37 =	vadd.s32 s0, v2  }
0x19d: {  	v20 =	vand.u32 $0x7F, v20;
	v25 =	vand.u32 $0xFFFFFC00, v38;
	v22 =	vld.idx.msk [tilespmem:v22+s23+$0x0], $0xffff;
	v26 =	vshll.u32 v37, $0x3  }
0x19e: {  	v20 =	vor.u32 v20, v25;
	s29 =	sshll.u32 s30, $0x7;
	v23 =	vld.idx.msk [tilespmem:v23+s23+$0x0], $0x3ff;
	v24 =	vand.u32 $0x7F, v37;
	v39 =	vand.u32 $0xFFFFFC00, v26  }
0x19f: {  	v20 =	vor.u32 s29, v20;
	v24 =	vor.u32 v39, v24  }
0x1a0: {  	v4 =	vbroadcast v59, $0xF;
	v24 =	vor.u32 s29, v24  }
0x1a1: {  	s30 =	rddreg [dreg:$0x7]  }
0x1a2: {  	v4 =	vadd.s32 v2, v4;
	s0 =	sadd.s32 $0x10, s30;
	[tilespmem:$0xA500] =	vst v22  }
0x1a3: {  	v41 =	vshll.u32 v4, $0x3;
	s23 =	simm.s32 $0xD00;
	v40 =	vadd.s32 s0, v2;
	[tilespmem:$0xA510] =	vst v23  }
0x1a4: {  	v4 =	vand.u32 $0x7F, v4;
	v42 =	vshll.u32 v40, $0x3;
	v23 =	vand.u32 $0xFFFFFC00, v41;
	v20 =	vld.idx.msk [tilespmem:v20+s23+$0x0], $0xffff  }
0x1a5: {  	v44 =	vand.u32 $0xFFFFFC00, v42;
	s29 =	sshll.u32 s31, $0x7;
	v22 =	vand.u32 $0x7F, v40;
	v4 =	vor.u32 v4, v23;
	v43 =	vld.idx.msk [tilespmem:v24+s23+$0x0], $0x3ff  }
0x1a6: {  	v22 =	vor.u32 v44, v22;
	v4 =	vor.u32 s29, v4  }
0x1a7: {  	v5 =	vbroadcast v61, $0xF;
	v22 =	vor.u32 s29, v22;
	_ =	sdelay $0x1  }
0x1a8: {  	v5 =	vadd.s32 v2, v5;
	s30 =	sadd.s32 $0x10, s25;
	[tilespmem:$0xA580] =	vst v20  }
0x1a9: {  	v46 =	vshll.u32 v5, $0x3;
	v45 =	vadd.s32 s30, v2;
	s31 =	simm.s32 $0x1500;
	[tilespmem:$0xA590] =	vst v43  }
0x1aa: {  	v5 =	vand.u32 $0x7F, v5;
	v47 =	vshll.u32 v45, $0x3;
	v23 =	vand.u32 $0xFFFFFC00, v46;
	v4 =	vld.idx.msk [tilespmem:v4+s31+$0x0], $0xffff  }
0x1ab: {  	s1 =	sshll.u32 s1, $0x7;
	v48 =	vand.u32 $0xFFFFFC00, v47;
	v5 =	vor.u32 v5, v23;
	v20 =	vand.u32 $0x7F, v45;
	v22 =	vld.idx.msk [tilespmem:v22+s31+$0x0], $0x3ff  }
0x1ac: {  	v5 =	vor.u32 s1, v5;
	v20 =	vor.u32 v48, v20  }
0x1ad: {  	v6 =	vbroadcast v63, $0xF;
	v20 =	vor.u32 s1, v20;
	_ =	sdelay $0x1  }
0x1ae: {  	v49 =	vadd.s32 v2, v6;
	s23 =	sadd.s32 $0x10, s26;
	[tilespmem:$0xA600] =	vst v4  }
0x1af: {  	v51 =	vshll.u32 v49, $0x3;
	s25 =	simm.s32 $0x1D00;
	v50 =	vadd.s32 s23, v2;
	[tilespmem:$0xA610] =	vst v22  }
0x1b0: {  	v52 =	vshll.u32 v50, $0x3;
	v4 =	vand.u32 $0x7F, v49;
	v22 =	vand.u32 $0xFFFFFC00, v51;
	v5 =	vld.idx.msk [tilespmem:v5+s25+$0x0], $0xffff  }
0x1b1: {  	s26 =	sshll.u32 s22, $0x7;
	v6 =	vand.u32 $0x7F, v50;
	v53 =	vand.u32 $0xFFFFFC00, v52;
	v20 =	vld.idx.msk [tilespmem:v20+s25+$0x0], $0x3ff;
	v4 =	vor.u32 v4, v22  }
0x1b2: {  	v6 =	vor.u32 v53, v6;
	v4 =	vor.u32 s26, v4  }
0x1b3: {  	v7 =	vbroadcast v29, $0xF;
	v6 =	vor.u32 s26, v6  }
0x1b4: {  	s29 =	rddreg [dreg:$0x8]  }
0x1b5: {  	v54 =	vadd.s32 v2, v7;
	s0 =	sadd.s32 $0x10, s29;
	[tilespmem:$0xA680] =	vst v5  }
0x1b6: {  	v56 =	vshll.u32 v54, $0x3;
	s30 =	simm.s32 $0x2500;
	v55 =	vadd.s32 s0, v2;
	[tilespmem:$0xA690] =	vst v20  }
0x1b7: {  	v57 =	vshll.u32 v55, $0x3;
	v5 =	vand.u32 $0x7F, v54;
	v20 =	vand.u32 $0xFFFFFC00, v56;
	v4 =	vld.idx.msk [tilespmem:v4+s30+$0x0], $0xffff  }
0x1b8: {  	v7 =	vand.u32 $0x7F, v55;
	v58 =	vand.u32 $0xFFFFFC00, v57;
	s31 =	sshll.u32 s7, $0x7;
	v6 =	vld.idx.msk [tilespmem:v6+s30+$0x0], $0x3ff;
	v5 =	vor.u32 v5, v20  }
0x1b9: {  	v7 =	vor.u32 v58, v7;
	v5 =	vor.u32 s31, v5  }
0x1ba: {  	v8 =	vbroadcast v31, $0xF;
	v7 =	vor.u32 s31, v7  }
0x1bb: {  	s1 =	rddreg [dreg:$0x9]  }
0x1bc: {  	v59 =	vadd.s32 v2, v8;
	s0 =	sadd.s32 $0x10, s1;
	[tilespmem:$0xA700] =	vst v4  }
0x1bd: {  	v61 =	vshll.u32 v59, $0x3;
	v60 =	vadd.s32 s0, v2;
	s7 =	simm.s32 $0x2D00;
	[tilespmem:$0xA710] =	vst v6  }
0x1be: {  	v62 =	vshll.u32 v60, $0x3;
	v4 =	vand.u32 $0x7F, v59;
	v6 =	vand.u32 $0xFFFFFC00, v61;
	v5 =	vld.idx.msk [tilespmem:v5+s7+$0x0], $0xffff  }
0x1bf: {  	s8 =	sshll.u32 s8, $0x7;
	v63 =	vand.u32 $0x7F, v60;
	v22 =	vand.u32 $0xFFFFFC00, v62;
	v7 =	vld.idx.msk [tilespmem:v7+s7+$0x0], $0x3ff;
	v4 =	vor.u32 v4, v6  }
0x1c0: {  	v6 =	vor.u32 v22, v63;
	v4 =	vor.u32 s8, v4  }
0x1c1: {  	v23 =	vbroadcast v33, $0xF;
	v6 =	vor.u32 s8, v6  }
0x1c2: {  	s22 =	rddreg [dreg:$0xa]  }
0x1c3: {  	v24 =	vadd.s32 v2, v23;
	s0 =	sadd.s32 $0x10, s22;
	[tilespmem:$0xA780] =	vst v5  }
0x1c4: {  	v26 =	vshll.u32 v24, $0x3;
	s23 =	simm.s32 $0x3500;
	v25 =	vadd.s32 s0, v2;
	[tilespmem:$0xA790] =	vst v7  }
0x1c5: {  	v27 =	vshll.u32 v25, $0x3;
	v5 =	vand.u32 $0x7F, v24;
	v7 =	vand.u32 $0xFFFFFC00, v26;
	v4 =	vld.idx.msk [tilespmem:v4+s23+$0x0], $0xffff  }
0x1c6: {  	v28 =	vand.u32 $0x7F, v25;
	v29 =	vand.u32 $0xFFFFFC00, v27;
	s25 =	sshll.u32 s9, $0x7;
	v6 =	vld.idx.msk [tilespmem:v6+s23+$0x0], $0x3ff;
	v5 =	vor.u32 v5, v7  }
0x1c7: {  	v7 =	vor.u32 v29, v28;
	v5 =	vor.u32 s25, v5  }
0x1c8: {  	v30 =	vbroadcast v34, $0xF;
	v7 =	vor.u32 s25, v7  }
0x1c9: {  	s26 =	rddreg [dreg:$0xb]  }
0x1ca: {  	v31 =	vadd.s32 v2, v30;
	s0 =	sadd.s32 $0x10, s26;
	[tilespmem:$0xA800] =	vst v4  }
0x1cb: {  	v33 =	vshll.u32 v31, $0x3;
	s29 =	simm.s32 $0x3D00;
	v32 =	vadd.s32 s0, v2;
	[tilespmem:$0xA810] =	vst v6  }
0x1cc: {  	v34 =	vshll.u32 v32, $0x3;
	v4 =	vand.u32 $0x7F, v31;
	v6 =	vand.u32 $0xFFFFFC00, v33;
	v5 =	vld.idx.msk [tilespmem:v5+s29+$0x0], $0xffff  }
0x1cd: {  	v35 =	vand.u32 $0x7F, v32;
	v36 =	vand.u32 $0xFFFFFC00, v34;
	s30 =	sshll.u32 s10, $0x7;
	v7 =	vld.idx.msk [tilespmem:v7+s29+$0x0], $0x3ff;
	v4 =	vor.u32 v4, v6  }
0x1ce: {  	v6 =	vor.u32 v36, v35;
	v4 =	vor.u32 s30, v4  }
0x1cf: {  	v37 =	vbroadcast v11, $0xF;
	v6 =	vor.u32 s30, v6  }
0x1d0: {  	s31 =	rddreg [dreg:$0xc]  }
0x1d1: {  	v38 =	vadd.s32 v2, v37;
	s0 =	sadd.s32 $0x10, s31;
	[tilespmem:$0xA880] =	vst v5  }
0x1d2: {  	v40 =	vshll.u32 v38, $0x3;
	s1 =	simm.s32 $0x4500;
	v39 =	vadd.s32 s0, v2;
	[tilespmem:$0xA890] =	vst v7  }
0x1d3: {  	v41 =	vshll.u32 v39, $0x3;
	v5 =	vand.u32 $0x7F, v38;
	v7 =	vand.u32 $0xFFFFFC00, v40;
	v4 =	vld.idx.msk [tilespmem:v4+s1+$0x0], $0xffff  }
0x1d4: {  	v42 =	vand.u32 $0x7F, v39;
	v43 =	vand.u32 $0xFFFFFC00, v41;
	s7 =	sshll.u32 s11, $0x7;
	v6 =	vld.idx.msk [tilespmem:v6+s1+$0x0], $0x3ff;
	v5 =	vor.u32 v5, v7  }
0x1d5: {  	v7 =	vor.u32 v43, v42;
	v5 =	vor.u32 s7, v5  }
0x1d6: {  	v44 =	vbroadcast v12, $0xF;
	v7 =	vor.u32 s7, v7  }
0x1d7: {  	s8 =	rddreg [dreg:$0xd]  }
0x1d8: {  	v45 =	vadd.s32 v2, v44;
	s0 =	sadd.s32 $0x10, s8;
	[tilespmem:$0xA900] =	vst v4  }
0x1d9: {  	v47 =	vshll.u32 v45, $0x3;
	s9 =	simm.s32 $0x4D00;
	v46 =	vadd.s32 s0, v2;
	[tilespmem:$0xA910] =	vst v6  }
0x1da: {  	v48 =	vshll.u32 v46, $0x3;
	v4 =	vand.u32 $0x7F, v45;
	v6 =	vand.u32 $0xFFFFFC00, v47;
	v5 =	vld.idx.msk [tilespmem:v5+s9+$0x0], $0xffff  }
0x1db: {  	s10 =	sshll.u32 s12, $0x7;
	v49 =	vand.u32 $0x7F, v46;
	v50 =	vand.u32 $0xFFFFFC00, v48;
	v7 =	vld.idx.msk [tilespmem:v7+s9+$0x0], $0x3ff;
	v4 =	vor.u32 v4, v6  }
0x1dc: {  	v6 =	vor.u32 v50, v49;
	v4 =	vor.u32 s10, v4  }
0x1dd: {  	v51 =	vbroadcast v13, $0xF;
	v6 =	vor.u32 s10, v6  }
0x1de: {  	s11 =	rddreg [dreg:$0xe]  }
0x1df: {  	v52 =	vadd.s32 v2, v51;
	s0 =	sadd.s32 $0x10, s11;
	[tilespmem:$0xA980] =	vst v5  }
0x1e0: {  	v54 =	vshll.u32 v52, $0x3;
	s12 =	simm.s32 $0x5500;
	v53 =	vadd.s32 s0, v2;
	[tilespmem:$0xA990] =	vst v7  }
0x1e1: {  	v55 =	vshll.u32 v53, $0x3;
	v5 =	vand.u32 $0x7F, v52;
	v7 =	vand.u32 $0xFFFFFC00, v54;
	v4 =	vld.idx.msk [tilespmem:v4+s12+$0x0], $0xffff  }
0x1e2: {  	s22 =	sshll.u32 s13, $0x7;
	v56 =	vand.u32 $0x7F, v53;
	v57 =	vand.u32 $0xFFFFFC00, v55;
	v6 =	vld.idx.msk [tilespmem:v6+s12+$0x0], $0x3ff;
	v5 =	vor.u32 v5, v7  }
0x1e3: {  	v7 =	vor.u32 v57, v56;
	v5 =	vor.u32 s22, v5  }
0x1e4: {  	v58 =	vbroadcast v14, $0xF;
	v7 =	vor.u32 s22, v7  }
0x1e5: {  	s23 =	rddreg [dreg:$0xf]  }
0x1e6: {  	v59 =	vadd.s32 v2, v58;
	s0 =	sadd.s32 $0x10, s23;
	[tilespmem:$0xAA00] =	vst v4  }
0x1e7: {  	v61 =	vshll.u32 v59, $0x3;
	s25 =	simm.s32 $0x5D00;
	v60 =	vadd.s32 s0, v2;
	[tilespmem:$0xAA10] =	vst v6  }
0x1e8: {  	v62 =	vshll.u32 v60, $0x3;
	v4 =	vand.u32 $0x7F, v59;
	v6 =	vand.u32 $0xFFFFFC00, v61;
	v5 =	vld.idx.msk [tilespmem:v5+s25+$0x0], $0xffff  }
0x1e9: {  	s26 =	sshll.u32 s14, $0x7;
	v63 =	vand.u32 $0x7F, v60;
	v12 =	vand.u32 $0xFFFFFC00, v62;
	v7 =	vld.idx.msk [tilespmem:v7+s25+$0x0], $0x3ff;
	v4 =	vor.u32 v4, v6  }
0x1ea: {  	v6 =	vor.u32 v12, v63;
	v4 =	vor.u32 s26, v4  }
0x1eb: {  	v13 =	vbroadcast v15, $0xF;
	v6 =	vor.u32 s26, v6  }
0x1ec: {  	s29 =	rddreg [dreg:$0x10]  }
0x1ed: {  	v14 =	vadd.s32 v2, v13;
	s0 =	sadd.s32 $0x10, s29;
	[tilespmem:$0xAA80] =	vst v5  }
0x1ee: {  	v20 =	vshll.u32 v14, $0x3;
	s30 =	simm.s32 $0x6500;
	v15 =	vadd.s32 s0, v2;
	[tilespmem:$0xAA90] =	vst v7  }
0x1ef: {  	v22 =	vshll.u32 v15, $0x3;
	v5 =	vand.u32 $0x7F, v14;
	v7 =	vand.u32 $0xFFFFFC00, v20;
	v4 =	vld.idx.msk [tilespmem:v4+s30+$0x0], $0xffff  }
0x1f0: {  	s31 =	sshll.u32 s15, $0x7;
	v23 =	vand.u32 $0x7F, v15;
	v24 =	vand.u32 $0xFFFFFC00, v22;
	v6 =	vld.idx.msk [tilespmem:v6+s30+$0x0], $0x3ff;
	v5 =	vor.u32 v5, v7  }
0x1f1: {  	v7 =	vor.u32 v24, v23;
	v5 =	vor.u32 s31, v5  }
0x1f2: {  	v25 =	vbroadcast v16, $0xF;
	v7 =	vor.u32 s31, v7  }
0x1f3: {  	s1 =	rddreg [dreg:$0x11]  }
0x1f4: {  	v26 =	vadd.s32 v2, v25;
	s0 =	sadd.s32 $0x10, s1;
	[tilespmem:$0xAB00] =	vst v4  }
0x1f5: {  	v28 =	vshll.u32 v26, $0x3;
	s7 =	simm.s32 $0x6D00;
	v27 =	vadd.s32 s0, v2;
	[tilespmem:$0xAB10] =	vst v6  }
0x1f6: {  	v29 =	vshll.u32 v27, $0x3;
	v4 =	vand.u32 $0x7F, v26;
	v6 =	vand.u32 $0xFFFFFC00, v28;
	v5 =	vld.idx.msk [tilespmem:v5+s7+$0x0], $0xffff  }
0x1f7: {  	s8 =	sshll.u32 s16, $0x7;
	v30 =	vand.u32 $0x7F, v27;
	v31 =	vand.u32 $0xFFFFFC00, v29;
	v7 =	vld.idx.msk [tilespmem:v7+s7+$0x0], $0x3ff;
	v4 =	vor.u32 v4, v6  }
0x1f8: {  	v6 =	vor.u32 v31, v30;
	v4 =	vor.u32 s8, v4  }
0x1f9: {  	v32 =	vbroadcast v17, $0xF;
	v6 =	vor.u32 s8, v6  }
0x1fa: {  	s9 =	rddreg [dreg:$0x12]  }
0x1fb: {  	v33 =	vadd.s32 v2, v32;
	s0 =	sadd.s32 $0x10, s9;
	[tilespmem:$0xAB80] =	vst v5  }
0x1fc: {  	v35 =	vshll.u32 v33, $0x3;
	s10 =	simm.s32 $0x7500;
	v34 =	vadd.s32 s0, v2;
	[tilespmem:$0xAB90] =	vst v7  }
0x1fd: {  	v36 =	vshll.u32 v34, $0x3;
	v5 =	vand.u32 $0x7F, v33;
	v7 =	vand.u32 $0xFFFFFC00, v35;
	v4 =	vld.idx.msk [tilespmem:v4+s10+$0x0], $0xffff  }
0x1fe: {  	s11 =	sshll.u32 s17, $0x7;
	v37 =	vand.u32 $0x7F, v34;
	v38 =	vand.u32 $0xFFFFFC00, v36;
	v6 =	vld.idx.msk [tilespmem:v6+s10+$0x0], $0x3ff;
	v5 =	vor.u32 v5, v7  }
0x1ff: {  	v7 =	vor.u32 v38, v37;
	v5 =	vor.u32 s11, v5  }
0x200: {  	v39 =	vbroadcast v18, $0xF;
	v7 =	vor.u32 s11, v7  }
0x201: {  	s12 =	rddreg [dreg:$0x13]  }
0x202: {  	v40 =	vadd.s32 v2, v39;
	s0 =	sadd.s32 $0x10, s12;
	[tilespmem:$0xAC00] =	vst v4  }
0x203: {  	s13 =	simm.s32 $0x7D00;
	v42 =	vshll.u32 v40, $0x3;
	v41 =	vadd.s32 s0, v2;
	[tilespmem:$0xAC10] =	vst v6  }
0x204: {  	v43 =	vshll.u32 v41, $0x3;
	v4 =	vand.u32 $0x7F, v40;
	v6 =	vand.u32 $0xFFFFFC00, v42;
	v5 =	vld.idx.msk [tilespmem:v5+s13+$0x0], $0xffff  }
0x205: {  	s14 =	sshll.u32 s18, $0x7;
	v44 =	vand.u32 $0x7F, v41;
	v45 =	vand.u32 $0xFFFFFC00, v43;
	v7 =	vld.idx.msk [tilespmem:v7+s13+$0x0], $0x3ff;
	v4 =	vor.u32 v4, v6  }
0x206: {  	v6 =	vor.u32 v45, v44;
	v4 =	vor.u32 s14, v4  }
0x207: {  	v46 =	vbroadcast v19, $0xF;
	v6 =	vor.u32 s14, v6  }
0x208: {  	s15 =	rddreg [dreg:$0x14]  }
0x209: {  	v47 =	vadd.s32 v2, v46;
	s0 =	sadd.s32 $0x10, s15;
	[tilespmem:$0xAC80] =	vst v5  }
0x20a: {  	s16 =	simm.s32 $0x8500;
	v49 =	vshll.u32 v47, $0x3;
	v48 =	vadd.s32 s0, v2;
	[tilespmem:$0xAC90] =	vst v7  }
0x20b: {  	v50 =	vshll.u32 v48, $0x3;
	v5 =	vand.u32 $0x7F, v47;
	v7 =	vand.u32 $0xFFFFFC00, v49;
	v4 =	vld.idx.msk [tilespmem:v4+s16+$0x0], $0xffff  }
0x20c: {  	s17 =	sshll.u32 s19, $0x7;
	v51 =	vand.u32 $0x7F, v48;
	v52 =	vand.u32 $0xFFFFFC00, v50;
	v6 =	vld.idx.msk [tilespmem:v6+s16+$0x0], $0x3ff;
	v5 =	vor.u32 v5, v7  }
0x20d: {  	v7 =	vor.u32 v52, v51;
	v5 =	vor.u32 s17, v5  }
0x20e: {  	v53 =	vbroadcast v21, $0xF;
	v7 =	vor.u32 s17, v7;
	_ =	sdelay $0x1  }
0x20f: {  	s18 =	sadd.s32 $0x10, s6;
	v54 =	vadd.s32 v2, v53;
	[tilespmem:$0xAD00] =	vst v4  }
0x210: {  	s19 =	simm.s32 $0x8D00;
	v55 =	vadd.s32 s18, v2;
	v56 =	vshll.u32 v54, $0x3;
	[tilespmem:$0xAD10] =	vst v6  }
0x211: {  	v57 =	vshll.u32 v55, $0x3;
	v4 =	vand.u32 $0x7F, v54;
	v6 =	vand.u32 $0xFFFFFC00, v56;
	v5 =	vld.idx.msk [tilespmem:v5+s19+$0x0], $0xffff  }
0x212: {  	s20 =	sshll.u32 s20, $0x7;
	v58 =	vand.u32 $0x7F, v55;
	v59 =	vand.u32 $0xFFFFFC00, v57;
	v7 =	vld.idx.msk [tilespmem:v7+s19+$0x0], $0x3ff;
	v4 =	vor.u32 v4, v6  }
0x213: {  	v6 =	vor.u32 v59, v58;
	v4 =	vor.u32 s20, v4  }
0x214: {  	v3 =	vbroadcast v3, $0xF;
	v6 =	vor.u32 s20, v6;
	_ =	sdelay $0x1  }
0x215: {  	v3 =	vadd.s32 v2, v3;
	s22 =	sadd.s32 $0x10, s24;
	[tilespmem:$0xAD80] =	vst v5  }
0x216: {  	s23 =	simm.s32 $0x9500;
	v60 =	vadd.s32 s22, v2;
	v61 =	vshll.u32 v3, $0x3;
	[tilespmem:$0xAD90] =	vst v7  }
0x217: {  	v62 =	vshll.u32 v60, $0x3;
	v3 =	vand.u32 $0x7F, v3;
	v7 =	vand.u32 $0xFFFFFC00, v61;
	v4 =	vld.idx.msk [tilespmem:v4+s23+$0x0], $0xffff  }
0x218: {  	s24 =	sshll.u32 s21, $0x7;
	v63 =	vand.u32 $0xFFFFFC00, v62;
	v5 =	vand.u32 $0x7F, v60;
	v6 =	vld.idx.msk [tilespmem:v6+s23+$0x0], $0x3ff;
	v3 =	vor.u32 v3, v7  }
0x219: {  	v5 =	vor.u32 v63, v5;
	v3 =	vor.u32 s24, v3  }
0x21a: {  	v5 =	vor.u32 s24, v5;
	_ =	sdelay $0x1  }
0x21b: {  	[tilespmem:$0xAE00] =	vst v4  }
0x21c: {  	s25 =	simm.s32 $0x9D00;
	[tilespmem:$0xAE10] =	vst v6  }
0x21d: {  	v3 =	vld.idx.msk [tilespmem:v3+s25+$0x0], $0xffff  }
0x21e: {  	v4 =	vld.idx.msk [tilespmem:v5+s25+$0x0], $0x3ff;
	_ =	sdelay $0x3  }
0x21f: {  	p0 =	sne.s32 s5, $0x1;
	s29 =	rddreg [dreg:$0x5];
	[tilespmem:$0xAE80] =	vst v3  }
.Ltmp0:
0x220: {  	s26 =	rddreg [dreg:$0x4];
	s30 =	simm.s32 $0x2;
	[tilespmem:$0xAE90] =	vst v4;
	(pc) =	sbr.rel @p0 .LBB2_1-.Ltmp0, $4  }
0x221: {  	[hbm4b:s26+s3] =	stream.linear.scatter [tilespmem:s29], [sflag:$0x2], $0xA00, $0x38;
	[tilespmem:$0xB100] =	vst v63  }
0x222: {  	_ =	swait.ge [sflag:s30], $0xA00  }
0x223: {  	s31 =	simm.s32 $0x2;
	[sflag:s30] =	ssyncset.done $0x0  }
0x224: {  	s5 =	sadd.s32 $0xFFFFFFFF, s5;
	[sflag:s31] =	ssyncadd.s32 $0xFFFFF600  }
0x225: {  	_ =	sfence.sel $0x180000  }
0x226: {  	[bflag:$0x0] =	sbarrier.arrive $0xFFFF  }
0x227: {  	_ =	strace $0x90000047  }
0x228: {  	s0 =	stileid.u32;
	[bflag:$0x2] =	sbarrier.arrive $0xFFFF  }
0x229: {  	p0 =	sne.s32 s0, $0x0;
	s0 =	rddreg [dreg:$0x2]  }
0x22a: {  	s0 =	sadd.s32 @!p0 $0x100000, s0  }
0x22b: {  	[sflag:s0] =	ssyncadd.tile.s32 @!p0 $0x1;
	_ =	shalt  }
.Lfunc_end2:
_tile_overlayer_lowered:
.L_overlay_start_2:
0x22c: {  	(tag) =	ssettag $0x2  }
0x22d: {  	s0 =	rddreg [dreg:$0x0];
	s2 =	stileid.u32  }
0x22e: {  	s1 =	rddreg [dreg:$0x1];
	p0 =	sne.s32 s2, $0x0  }
0x22f: {  	s3 =	rddreg [dreg:$0x2];
	[bflag:$0x3] =	sbarrier.arrive $0xFFFF;
	s2 =	simm.s32 @!p0 $0x1C02  }
0x230: {  	[timem:s3], [sflag:s2] =	dma.local @!p0 [hbm:s0], s1  }
0x231: {  	s0 =	simm.s32 @!p0 $0x2  }
0x232: {  	_ =	swait.ge @!p0 [sflag:s0], s1  }
0x233: {  	s1 =	ssub.s32 @!p0 $0x0, s1;
	[sflag:s0] =	ssyncset.done @!p0 $0x0  }
0x234: {  	[sflag:s0] =	ssyncadd.s32 @!p0 s1  }
0x235: {  	[bflag:$0x3] =	sbarrier.arrive $0xFFFF  }
0x236: {  	_ =	shalt  }

</sc_bundles>
